<compile_context>
chip_gen: v7x
topology: tpu7x:2x2x1
jax: 0.10.2.dev20260603
libtpu: 0.0.44.dev20260713+nightly
codegen_flags: <defaults>
</compile_context>

<pallas_src>
import dataclasses
import functools
import jax
import jax.numpy as jnp
from jax import lax
from jax.experimental import pallas as pl
from jax.experimental.pallas import tpu as pltpu
from jax.experimental.pallas import tpu_sc as plsc

_B, _N, _H, _DIN, _E = 4, 2500, 128, 256, 320000
_NODES = _B * _N
_NPAD = 10240
_NC, _NS = 2, 16
_NW = _NC * _NS
_CHUNK = 128
_ITERS = 80
_EPAD = _NW * _ITERS * _CHUNK
_RPS = _NPAD // _NS
_OPS = _NODES // _NS

_mesh = plsc.VectorSubcoreMesh(core_axis_name="c", subcore_axis_name="s")

_cp = pltpu.CompilerParams()
if "needs_layout_passes" in pltpu.CompilerParams.__dataclass_fields__:
  _cp = dataclasses.replace(_cp, needs_layout_passes=False)
if "use_tc_tiling_on_sc" in pltpu.CompilerParams.__dataclass_fields__:
  _cp = dataclasses.replace(_cp, use_tc_tiling_on_sc=False)

_cp_lin = pltpu.CompilerParams()
if "use_tc_tiling_on_sc" in pltpu.CompilerParams.__dataclass_fields__:
  _cp_lin = dataclasses.replace(_cp_lin, use_tc_tiling_on_sc=False)


@functools.partial(
    pl.kernel,
    out_type=[jax.ShapeDtypeStruct((_NW, _NPAD), jnp.float32),
              jax.ShapeDtypeStruct((_NW, _NPAD), jnp.float32)],
    mesh=_mesh,
    compiler_params=_cp,
    scratch_types=[pltpu.VMEM((_ITERS, _CHUNK), jnp.int32),
                   pltpu.VMEM((_ITERS, _CHUNK), jnp.int32),
                   pltpu.VMEM((_NPAD,), jnp.float32),
                   pltpu.VMEM((_NPAD,), jnp.float32)],
)
def _sc_degrees(src_h, dst_h, od_h, id_h, src_v, dst_v, od_v, id_v):
  cid = lax.axis_index("c")
  sid = lax.axis_index("s")
  wid = sid * _NC + cid

  @pl.loop(0, _NPAD, step=16)
  def _(i):
    od_v[pl.ds(i, 16)] = jnp.zeros((16,), jnp.float32)
    id_v[pl.ds(i, 16)] = jnp.zeros((16,), jnp.float32)

  pltpu.sync_copy(src_h.at[wid], src_v)
  pltpu.sync_copy(dst_h.at[wid], dst_v)

  ones = jnp.ones((16,), jnp.float32)

  @pl.loop(0, _ITERS)
  def _(i):
    @pl.loop(0, _CHUNK, step=16)
    def _(j):
      plsc.addupdate_scatter(od_v, [src_v[i, pl.ds(j, 16)]], ones)
      plsc.addupdate_scatter(id_v, [dst_v[i, pl.ds(j, 16)]], ones)

  pltpu.sync_copy(od_v, od_h.at[wid])
  pltpu.sync_copy(id_v, id_h.at[wid])


_HQ = _H // 4
_ITERS2 = _EPAD // (_NS * _CHUNK)
_TROWS = _NODES + 16
_TPS = _TROWS // _NS


@functools.partial(
    pl.kernel,
    out_type=jax.ShapeDtypeStruct((_NC, 2, _NODES, _HQ), jnp.float32),
    mesh=_mesh,
    compiler_params=_cp_lin,
    scratch_types=([pltpu.VMEM((_ITERS2, _CHUNK), jnp.int32),
                    pltpu.VMEM((_ITERS2, _CHUNK), jnp.int32)] +
                   [pltpu.VMEM((_CHUNK, _HQ), jnp.float32)] * 9 +
                   [pltpu.VMEM_SHARED((_TROWS, _HQ), jnp.float32),
                    pltpu.VMEM_SHARED((_NODES, _HQ), jnp.float32)] +
                   [pltpu.SemaphoreType.DMA] * 16),
)
def _sc_aggregate(tab_h, src_h, dst_h, out_h, src_v, dst_v,
                  r0, r1, r2, r3, r4, r5, r6, r7, zb_v, table_sh, agg_sh,
                  g0, g1, g2, g3, g4, g5, g6, g7,
                  s0, s1, s2, s3, s4, s5, s6, s7):
  cid = lax.axis_index("c")
  sid = lax.axis_index("s")

  @pl.loop(0, _CHUNK)
  def _(i):
    @pl.loop(0, _HQ, step=16)
    def _(j):
      zb_v[i, pl.ds(j, 16)] = jnp.zeros((16,), jnp.float32)

  pltpu.sync_copy(src_h.at[sid], src_v)
  pltpu.sync_copy(dst_h.at[sid], dst_v)

  obase = sid * _OPS
  tbase = sid * _TPS
  for q in (0, 1):
    @pl.loop(0, _OPS, step=125)
    def _(r):
      pltpu.sync_copy(zb_v.at[pl.ds(0, 125)], agg_sh.at[pl.ds(obase + r, 125)])

    pltpu.sync_copy(tab_h.at[cid * 2 + q, pl.ds(tbase, _TPS)],
                    table_sh.at[pl.ds(tbase, _TPS)])
    plsc.subcore_barrier()

    bufs = (r0, r1, r2, r3, r4, r5, r6, r7)
    gs = (g0, g1, g2, g3, g4, g5, g6, g7)
    ss = (s0, s1, s2, s3, s4, s5, s6, s7)
    for b in range(8):
      pltpu.async_copy(table_sh.at[src_v.at[b]], bufs[b], gs[b])

    @pl.loop(0, _ITERS2, step=8)
    def _(c):
      for b in range(8):
        cc = c + b
        pltpu.make_async_copy(table_sh.at[src_v.at[cc]], bufs[b],
                              gs[b]).wait()
        pltpu.async_copy(bufs[b], agg_sh.at[dst_v.at[cc]], ss[b], add=True)
        b4 = (b + 4) % 8

        @pl.when((cc >= 4) & (cc + 4 < _ITERS2))
        def _():
          pltpu.make_async_copy(bufs[b4], agg_sh.at[dst_v.at[cc - 4]],
                                ss[b4]).wait()
          pltpu.async_copy(table_sh.at[src_v.at[cc + 4]], bufs[b4], gs[b4])

    for b in range(8):
      pltpu.make_async_copy(bufs[b], agg_sh.at[dst_v.at[_ITERS2 - 8 + b]],
                            ss[b]).wait()

    plsc.subcore_barrier()
    pltpu.sync_copy(agg_sh.at[pl.ds(obase, _OPS)],
                    out_h.at[cid, q, pl.ds(obase, _OPS)])


_NR = _NPAD // 128


def _tc_norm_body(od_ref, id_ref, h_ref, tq_ref, normd_ref):
  od = jnp.sum(od_ref[...], axis=0)
  idg = jnp.sum(id_ref[...], axis=0)
  norm_src = jnp.where(od > 0, lax.rsqrt(jnp.maximum(od, 1.0)), 0.0)
  norm_dst = jnp.where(idg > 0, lax.rsqrt(jnp.maximum(idg, 1.0)), 0.0)
  table = h_ref[...] * norm_src[:, :, None]
  for q in range(4):
    tq_ref[q] = table[:, :, q * _HQ:(q + 1) * _HQ]
  normd_ref[...] = norm_dst


def _tc_norm(od_p, id_p, h3):
  return pl.pallas_call(
      _tc_norm_body,
      out_shape=[jax.ShapeDtypeStruct((4, _NR, 128, _HQ), jnp.float32),
                 jax.ShapeDtypeStruct((_NR, 128), jnp.float32)],
  )(od_p, id_p, h3)


def _tc_dense_body(parts_ref, normd_ref, wg_ref, bg_ref, x_ref, w4t_ref,
                   b4_ref, cprev_ref, h_ref, c_ref):
  agg = jnp.concatenate(
      [parts_ref[0, 0, 0], parts_ref[0, 1, 0],
       parts_ref[1, 0, 0], parts_ref[1, 1, 0]], axis=1)
  aggn = agg * normd_ref[0]
  hconv = jnp.dot(aggn, wg_ref[...],
                  preferred_element_type=jnp.float32) + bg_ref[...]
  xg = jnp.dot(x_ref[0], w4t_ref[...],
               preferred_element_type=jnp.float32) + b4_ref[...]
  i_t = jax.nn.sigmoid(hconv + xg[:, 0:_H])
  f_t = jax.nn.sigmoid(hconv + xg[:, _H:2 * _H])
  o_t = jax.nn.sigmoid(hconv + xg[:, 2 * _H:3 * _H])
  c_til = jnp.tanh(hconv + xg[:, 3 * _H:4 * _H])
  c_t = f_t * cprev_ref[0] + i_t * c_til
  h_ref[0] = o_t * jnp.tanh(c_t)
  c_ref[0] = c_t


def _tc_dense(parts_b, normd_col, w_g, b_g, x3, w4t, b4, c_prev):
  return pl.pallas_call(
      _tc_dense_body,
      grid=(_B,),
      in_specs=[
          pl.BlockSpec((_NC, 2, 1, _N, _HQ), lambda b: (0, 0, b, 0, 0)),
          pl.BlockSpec((1, _N, 1), lambda b: (b, 0, 0)),
          pl.BlockSpec((_H, _H), lambda b: (0, 0)),
          pl.BlockSpec((1, _H), lambda b: (0, 0)),
          pl.BlockSpec((1, 1, _DIN), lambda b: (b, 0, 0)),
          pl.BlockSpec((_DIN, 4 * _H), lambda b: (0, 0)),
          pl.BlockSpec((1, 4 * _H), lambda b: (0, 0)),
          pl.BlockSpec((1, _N, _H), lambda b: (b, 0, 0)),
      ],
      out_specs=[
          pl.BlockSpec((1, _N, _H), lambda b: (b, 0, 0)),
          pl.BlockSpec((1, _N, _H), lambda b: (b, 0, 0)),
      ],
      out_shape=[jax.ShapeDtypeStruct((_B, _N, _H), jnp.float32),
                 jax.ShapeDtypeStruct((_B, _N, _H), jnp.float32)],
  )(parts_b, normd_col, w_g, b_g, x3, w4t, b4, c_prev)


@jax.jit
def kernel(g_batch_edge_index, x, h_prev, c_prev,
           w_i, b_i, w_f, b_f, w_o, b_o, w_c, b_c, w_g, b_g):
  src = g_batch_edge_index[0].astype(jnp.int32)
  dst = g_batch_edge_index[1].astype(jnp.int32)
  pad = jnp.full((_EPAD - _E,), _NODES, jnp.int32)
  src_flat = jnp.concatenate([src, pad])
  src_p = src_flat.reshape(_NW, _ITERS, _CHUNK)
  src_p16 = src_flat.reshape(_NS, _ITERS2, _CHUNK)
  dst_p = jnp.concatenate([dst, pad]).reshape(_NW, _ITERS, _CHUNK)
  dst_p16 = jnp.concatenate(
      [dst, jnp.zeros((_EPAD - _E,), jnp.int32)]).reshape(_NS, _ITERS2, _CHUNK)

  h_flat = h_prev.reshape(_NODES, _H)
  h_pad = jnp.concatenate(
      [h_flat, jnp.zeros((_NPAD - _NODES, _H), jnp.float32)])

  w4t = jnp.concatenate([w_i, w_f, w_o, w_c]).T
  b4 = jnp.concatenate([b_i, b_f, b_o, b_c])[None, :]

  od_p, id_p = _sc_degrees(src_p, dst_p)
  tq4, normd3 = _tc_norm(od_p.reshape(_NW, _NR, 128),
                         id_p.reshape(_NW, _NR, 128),
                         h_pad.reshape(_NR, 128, _H))
  tab = tq4.reshape(4, _NPAD, _HQ)
  normd_col = normd3.reshape(_NPAD)[:_NODES].reshape(_B, _N, 1)
  parts = _sc_aggregate(tab, src_p16, dst_p16)
  parts_b = parts.reshape(_NC, 2, _B, _N, _HQ)
  h_t, c_t = _tc_dense(parts_b, normd_col, w_g, b_g[None, :], x[:, None, :],
                       w4t, b4, c_prev)
  return (h_t, c_t)

# --- scband reference (transcript-rebuilt; emitter-appended) ---
"""Pipeline reference for scband-graph-conv-lstmcell-47802986005059 (READ-ONLY COPY).

The authoritative reference and input builder live on the scoring server;
editing this copy changes nothing except your own understanding.
"""

import jax, jax.numpy as jnp
import numpy as np

B, N, H, D_IN, E = 4, 2500, 128, 256, 320000
NUM_NODES = B * N


def setup_inputs(seed: int = 0) -> dict:
    key = jax.random.key(seed)
    ks = jax.random.split(key, 16)
    inp = {}
    inp["g_batch_edge_index"] = jax.random.randint(ks[0], (2, E), 0, NUM_NODES)
    inp["x"] = jax.random.normal(ks[1], (B, D_IN), dtype=jnp.float32)
    inp["h_prev"] = jax.random.normal(ks[2], (B, N, H), dtype=jnp.float32)
    inp["c_prev"] = jax.random.normal(ks[3], (B, N, H), dtype=jnp.float32)
    s_in = 1.0 / np.sqrt(D_IN)
    s_h = 1.0 / np.sqrt(H)
    inp["w_i"] = jax.random.normal(ks[4], (H, D_IN), dtype=jnp.float32) * s_in
    inp["b_i"] = jax.random.normal(ks[5], (H,), dtype=jnp.float32) * s_in
    inp["w_f"] = jax.random.normal(ks[6], (H, D_IN), dtype=jnp.float32) * s_in
    inp["b_f"] = jax.random.normal(ks[7], (H,), dtype=jnp.float32) * s_in
    inp["w_o"] = jax.random.normal(ks[8], (H, D_IN), dtype=jnp.float32) * s_in
    inp["b_o"] = jax.random.normal(ks[9], (H,), dtype=jnp.float32) * s_in
    inp["w_c"] = jax.random.normal(ks[10], (H, D_IN), dtype=jnp.float32) * s_in
    inp["b_c"] = jax.random.normal(ks[11], (H,), dtype=jnp.float32) * s_in
    inp["w_g"] = jax.random.normal(ks[12], (H, H), dtype=jnp.float32) * s_h
    inp["b_g"] = jax.random.normal(ks[13], (H,), dtype=jnp.float32) * s_h
    return inp


def _graph_conv(h, edge_index, w_g, b_g):
    # DGL GraphConv with norm='both': D^{-1/2} A D^{-1/2} H W + b
    src = edge_index[0]
    dst = edge_index[1]
    n = h.shape[0]
    ones = jnp.ones((edge_index.shape[1],), dtype=h.dtype)
    out_deg = jnp.zeros((n,), dtype=h.dtype).at[src].add(ones)
    in_deg = jnp.zeros((n,), dtype=h.dtype).at[dst].add(ones)
    norm_src = jnp.where(out_deg > 0, jax.lax.rsqrt(jnp.maximum(out_deg, 1.0)), 0.0)
    norm_dst = jnp.where(in_deg > 0, jax.lax.rsqrt(jnp.maximum(in_deg, 1.0)), 0.0)
    h_n = h * norm_src[:, None]
    msg = jnp.take(h_n, src, axis=0)
    agg = jnp.zeros_like(h).at[dst].add(msg)
    agg = agg * norm_dst[:, None]
    return agg @ w_g + b_g


def reference(g_batch_edge_index, x, h_prev, c_prev,
              w_i, b_i, w_f, b_f, w_o, b_o, w_c, b_c, w_g, b_g):
    Bb, Nn, Hh = h_prev.shape
    h_prev_flat = h_prev.reshape(Bb * Nn, Hh)
    h_conv = _graph_conv(h_prev_flat, g_batch_edge_index, w_g, b_g)
    h_conv = h_conv.reshape(Bb, Nn, Hh)
    x_i = x @ w_i.T + b_i
    x_f = x @ w_f.T + b_f
    x_o = x @ w_o.T + b_o
    x_c = x @ w_c.T + b_c
    i_t = jax.nn.sigmoid(x_i[:, None, :] + h_conv)
    f_t = jax.nn.sigmoid(x_f[:, None, :] + h_conv)
    o_t = jax.nn.sigmoid(x_o[:, None, :] + h_conv)
    c_tilde = jnp.tanh(x_c[:, None, :] + h_conv)
    c_t = f_t * c_prev + i_t * c_tilde
    h_t = o_t * jnp.tanh(c_t)
    return (h_t, c_t)

if __name__ == "__main__":
    import jax
    _d = setup_inputs()
    print(jax.jit(kernel)(*tuple(_d.values())))

</pallas_src>

<mosaic_0001>
#map = affine_map<(d0, d1) -> (0, 0, 0)>
#map1 = affine_map<(d0, d1) -> (0, 0)>
module attributes {stable_mosaic.version = 14 : i64} {
  func.func @_sc_degrees(%arg0: i32, %arg1: i32, %arg2: memref<32x80x128xi32, #tpu.memory_space<hbm>>, %arg3: memref<32x80x128xi32, #tpu.memory_space<hbm>>, %arg4: memref<32x10240xf32, #tpu.memory_space<hbm>>, %arg5: memref<32x10240xf32, #tpu.memory_space<hbm>>, %arg6: memref<80x128xi32, #tpu.memory_space<vmem>>, %arg7: memref<80x128xi32, #tpu.memory_space<vmem>>, %arg8: memref<10240xf32, #tpu.memory_space<vmem>>, %arg9: memref<10240xf32, #tpu.memory_space<vmem>>) attributes {dimension_semantics = [#tpu.dimension_semantics<core_parallel>, #tpu.dimension_semantics<subcore_parallel>], iteration_bounds = array<i64: 2, 16>, scalar_prefetch = 0 : i64, scratch_operands = 4 : i64, tpu.core_type = #tpu.core_type<sc_vector_subcore>, window_params = [{transform_indices = #map}, {transform_indices = #map}, {transform_indices = #map1}, {transform_indices = #map1}]} {
    %mul3A = arith.constant 2 : i32
    %mul3A_0 = arith.muli %arg1, %mul3A : i32
    %add3A = arith.addi %mul3A_0, %arg0 : i32
    %scan3A = arith.constant 0 : i32
    %scan3A_1 = arith.constant 640 : i32
    %scan3A_2 = arith.addi %scan3A, %scan3A_1 : i32
    %scan3A_3 = arith.constant 1 : i32
    scf.for %scan3A_11 = %scan3A to %scan3A_2 step %scan3A_3  : i32 {
      %mul3A_12 = arith.constant 16 : i32
      %mul3A_13 = arith.muli %scan3A_11, %mul3A_12 : i32
      %add3A_14 = arith.constant 0 : i32
      %add3A_15 = arith.addi %add3A_14, %mul3A_13 : i32
      %broadcast_in_dim3A_16 = arith.constant 0.000000e+00 : f32
      %broadcast_in_dim3A_17 = vector.broadcast %broadcast_in_dim3A_16 : f32 to vector<16xf32>
      %swap3A = arith.index_cast %add3A_15 : i32 to index
      %swap3A_18 = tpu.vector_load %arg8[%swap3A] {strides = array<i32>} : memref<10240xf32, #tpu.memory_space<vmem>>, vector<16xf32>,
      tpu.vector_store %arg8[%swap3A], %broadcast_in_dim3A_17 {strides = array<i32>} : memref<10240xf32, #tpu.memory_space<vmem>>, vector<16xf32>,
      %broadcast_in_dim3A_19 = arith.constant 0.000000e+00 : f32
      %broadcast_in_dim3A_20 = vector.broadcast %broadcast_in_dim3A_19 : f32 to vector<16xf32>
      %swap3A_21 = arith.index_cast %add3A_15 : i32 to index
      %swap3A_22 = tpu.vector_load %arg9[%swap3A_21] {strides = array<i32>} : memref<10240xf32, #tpu.memory_space<vmem>>, vector<16xf32>,
      tpu.vector_store %arg9[%swap3A_21], %broadcast_in_dim3A_20 {strides = array<i32>} : memref<10240xf32, #tpu.memory_space<vmem>>, vector<16xf32>,
    }
    %scan3A_4 = arith.constant 640 : i32
    "tpu.region"() ({
      %run_scoped3A = tpu.sem_alloc : memref<!tpu.dma_semaphore, #tpu.memory_space<semaphore_mem>>
      %dma_start3A = arith.constant 0 : i32
      %dma_start3A_11 = arith.constant 0 : i32
      %dma_start3A_12 = tpu.memref_slice %arg2[%add3A, %dma_start3A, %dma_start3A_11] : memref<32x80x128xi32, #tpu.memory_space<hbm>> -> memref<1x80x128xi32, #tpu.memory_space<hbm>>
      %dma_start3A_13 = tpu.memref_squeeze %dma_start3A_12 : memref<1x80x128xi32, #tpu.memory_space<hbm>> -> memref<80x128xi32, #tpu.memory_space<hbm>>
      %dma_start3A_14 = arith.constant 0 : i32
      %dma_start3A_15 = arith.constant 0 : i32
      %dma_start3A_16 = tpu.memref_slice %arg2[%add3A, %dma_start3A_14, %dma_start3A_15] : memref<32x80x128xi32, #tpu.memory_space<hbm>> -> memref<1x80x128xi32, #tpu.memory_space<hbm>>
      %dma_start3A_17 = tpu.memref_squeeze %dma_start3A_16 : memref<1x80x128xi32, #tpu.memory_space<hbm>> -> memref<80x128xi32, #tpu.memory_space<hbm>>
      tpu.enqueue_dma source(%dma_start3A_17 : memref<80x128xi32, #tpu.memory_space<hbm>>) target(%arg6 : memref<80x128xi32, #tpu.memory_space<vmem>>) target_semaphore(%run_scoped3A : memref<!tpu.dma_semaphore, #tpu.memory_space<semaphore_mem>>)
      %dma_wait3A = arith.constant 0 : i32
      %dma_wait3A_18 = arith.constant 0 : i32
      %dma_wait3A_19 = tpu.memref_slice %arg2[%add3A, %dma_wait3A, %dma_wait3A_18] : memref<32x80x128xi32, #tpu.memory_space<hbm>> -> memref<1x80x128xi32, #tpu.memory_space<hbm>>
      %dma_wait3A_20 = tpu.memref_squeeze %dma_wait3A_19 : memref<1x80x128xi32, #tpu.memory_space<hbm>> -> memref<80x128xi32, #tpu.memory_space<hbm>>
      %dma_wait3A_21 = arith.constant 0 : i32
      %dma_wait3A_22 = arith.constant 0 : i32
      %dma_wait3A_23 = tpu.memref_slice %arg2[%add3A, %dma_wait3A_21, %dma_wait3A_22] : memref<32x80x128xi32, #tpu.memory_space<hbm>> -> memref<1x80x128xi32, #tpu.memory_space<hbm>>
      %dma_wait3A_24 = tpu.memref_squeeze %dma_wait3A_23 : memref<1x80x128xi32, #tpu.memory_space<hbm>> -> memref<80x128xi32, #tpu.memory_space<hbm>>
      tpu.wait_dma2 semaphore(%run_scoped3A : memref<!tpu.dma_semaphore, #tpu.memory_space<semaphore_mem>>) src(%dma_wait3A_24 : memref<80x128xi32, #tpu.memory_space<hbm>>) dst(%arg6 : memref<80x128xi32, #tpu.memory_space<vmem>>)
      tpu.yield
    }) : () -> ()
    "tpu.region"() ({
      %run_scoped3A = tpu.sem_alloc : memref<!tpu.dma_semaphore, #tpu.memory_space<semaphore_mem>>
      %dma_start3A = arith.constant 0 : i32
      %dma_start3A_11 = arith.constant 0 : i32
      %dma_start3A_12 = tpu.memref_slice %arg3[%add3A, %dma_start3A, %dma_start3A_11] : memref<32x80x128xi32, #tpu.memory_space<hbm>> -> memref<1x80x128xi32, #tpu.memory_space<hbm>>
      %dma_start3A_13 = tpu.memref_squeeze %dma_start3A_12 : memref<1x80x128xi32, #tpu.memory_space<hbm>> -> memref<80x128xi32, #tpu.memory_space<hbm>>
      %dma_start3A_14 = arith.constant 0 : i32
      %dma_start3A_15 = arith.constant 0 : i32
      %dma_start3A_16 = tpu.memref_slice %arg3[%add3A, %dma_start3A_14, %dma_start3A_15] : memref<32x80x128xi32, #tpu.memory_space<hbm>> -> memref<1x80x128xi32, #tpu.memory_space<hbm>>
      %dma_start3A_17 = tpu.memref_squeeze %dma_start3A_16 : memref<1x80x128xi32, #tpu.memory_space<hbm>> -> memref<80x128xi32, #tpu.memory_space<hbm>>
      tpu.enqueue_dma source(%dma_start3A_17 : memref<80x128xi32, #tpu.memory_space<hbm>>) target(%arg7 : memref<80x128xi32, #tpu.memory_space<vmem>>) target_semaphore(%run_scoped3A : memref<!tpu.dma_semaphore, #tpu.memory_space<semaphore_mem>>)
      %dma_wait3A = arith.constant 0 : i32
      %dma_wait3A_18 = arith.constant 0 : i32
      %dma_wait3A_19 = tpu.memref_slice %arg3[%add3A, %dma_wait3A, %dma_wait3A_18] : memref<32x80x128xi32, #tpu.memory_space<hbm>> -> memref<1x80x128xi32, #tpu.memory_space<hbm>>
      %dma_wait3A_20 = tpu.memref_squeeze %dma_wait3A_19 : memref<1x80x128xi32, #tpu.memory_space<hbm>> -> memref<80x128xi32, #tpu.memory_space<hbm>>
      %dma_wait3A_21 = arith.constant 0 : i32
      %dma_wait3A_22 = arith.constant 0 : i32
      %dma_wait3A_23 = tpu.memref_slice %arg3[%add3A, %dma_wait3A_21, %dma_wait3A_22] : memref<32x80x128xi32, #tpu.memory_space<hbm>> -> memref<1x80x128xi32, #tpu.memory_space<hbm>>
      %dma_wait3A_24 = tpu.memref_squeeze %dma_wait3A_23 : memref<1x80x128xi32, #tpu.memory_space<hbm>> -> memref<80x128xi32, #tpu.memory_space<hbm>>
      tpu.wait_dma2 semaphore(%run_scoped3A : memref<!tpu.dma_semaphore, #tpu.memory_space<semaphore_mem>>) src(%dma_wait3A_24 : memref<80x128xi32, #tpu.memory_space<hbm>>) dst(%arg7 : memref<80x128xi32, #tpu.memory_space<vmem>>)
      tpu.yield
    }) : () -> ()
    %broadcast_in_dim3A = arith.constant 1.000000e+00 : f32
    %broadcast_in_dim3A_5 = vector.broadcast %broadcast_in_dim3A : f32 to vector<16xf32>
    %scan3A_6 = arith.constant 0 : i32
    %scan3A_7 = arith.constant 80 : i32
    %scan3A_8 = arith.addi %scan3A_6, %scan3A_7 : i32
    %scan3A_9 = arith.constant 1 : i32
    scf.for %scan3A_11 = %scan3A_6 to %scan3A_8 step %scan3A_9  : i32 {
      %mul3A_12 = arith.constant 1 : i32
      %mul3A_13 = arith.muli %scan3A_11, %mul3A_12 : i32
      %add3A_14 = arith.constant 0 : i32
      %add3A_15 = arith.addi %add3A_14, %mul3A_13 : i32
      %scan3A_16 = arith.constant 0 : i32
      %scan3A_17 = arith.constant 8 : i32
      %scan3A_18 = arith.addi %scan3A_16, %scan3A_17 : i32
      %scan3A_19 = arith.constant 1 : i32
      scf.for %scan3A_21 = %scan3A_16 to %scan3A_18 step %scan3A_19  : i32 {
        %mul3A_22 = arith.constant 16 : i32
        %mul3A_23 = arith.muli %scan3A_21, %mul3A_22 : i32
        %add3A_24 = arith.constant 0 : i32
        %add3A_25 = arith.addi %add3A_24, %mul3A_23 : i32
        %get3A = arith.index_cast %add3A_15 : i32 to index
        %get3A_26 = arith.index_cast %add3A_25 : i32 to index
        %get3A_27 = tpu.vector_load %arg6[%get3A, %get3A_26] {strides = array<i32>} : memref<80x128xi32, #tpu.memory_space<vmem>>, vector<16xi32>,
        tpu.vector_store_idx %arg8[%get3A_27], %broadcast_in_dim3A_5 {add = true} : memref<10240xf32, #tpu.memory_space<vmem>>[vector<16xi32>], vector<16xf32>,
        %get3A_28 = arith.index_cast %add3A_15 : i32 to index
        %get3A_29 = arith.index_cast %add3A_25 : i32 to index
        %get3A_30 = tpu.vector_load %arg7[%get3A_28, %get3A_29] {strides = array<i32>} : memref<80x128xi32, #tpu.memory_space<vmem>>, vector<16xi32>,
        tpu.vector_store_idx %arg9[%get3A_30], %broadcast_in_dim3A_5 {add = true} : memref<10240xf32, #tpu.memory_space<vmem>>[vector<16xi32>], vector<16xf32>,
      }
      %scan3A_20 = arith.constant 8 : i32
    }
    %scan3A_10 = arith.constant 80 : i32
    "tpu.region"() ({
      %run_scoped3A = tpu.sem_alloc : memref<!tpu.dma_semaphore, #tpu.memory_space<semaphore_mem>>
      %dma_start3A = arith.constant 0 : i32
      %dma_start3A_11 = tpu.memref_slice %arg4[%add3A, %dma_start3A] : memref<32x10240xf32, #tpu.memory_space<hbm>> -> memref<1x10240xf32, #tpu.memory_space<hbm>>
      %dma_start3A_12 = tpu.memref_squeeze %dma_start3A_11 : memref<1x10240xf32, #tpu.memory_space<hbm>> -> memref<10240xf32, #tpu.memory_space<hbm>>
      %dma_start3A_13 = arith.constant 0 : i32
      %dma_start3A_14 = tpu.memref_slice %arg4[%add3A, %dma_start3A_13] : memref<32x10240xf32, #tpu.memory_space<hbm>> -> memref<1x10240xf32, #tpu.memory_space<hbm>>
      %dma_start3A_15 = tpu.memref_squeeze %dma_start3A_14 : memref<1x10240xf32, #tpu.memory_space<hbm>> -> memref<10240xf32, #tpu.memory_space<hbm>>
      tpu.enqueue_dma source(%arg8 : memref<10240xf32, #tpu.memory_space<vmem>>) target(%dma_start3A_15 : memref<10240xf32, #tpu.memory_space<hbm>>) target_semaphore(%run_scoped3A : memref<!tpu.dma_semaphore, #tpu.memory_space<semaphore_mem>>)
      %dma_wait3A = arith.constant 0 : i32
      %dma_wait3A_16 = tpu.memref_slice %arg4[%add3A, %dma_wait3A] : memref<32x10240xf32, #tpu.memory_space<hbm>> -> memref<1x10240xf32, #tpu.memory_space<hbm>>
      %dma_wait3A_17 = tpu.memref_squeeze %dma_wait3A_16 : memref<1x10240xf32, #tpu.memory_space<hbm>> -> memref<10240xf32, #tpu.memory_space<hbm>>
      %dma_wait3A_18 = arith.constant 0 : i32
      %dma_wait3A_19 = tpu.memref_slice %arg4[%add3A, %dma_wait3A_18] : memref<32x10240xf32, #tpu.memory_space<hbm>> -> memref<1x10240xf32, #tpu.memory_space<hbm>>
      %dma_wait3A_20 = tpu.memref_squeeze %dma_wait3A_19 : memref<1x10240xf32, #tpu.memory_space<hbm>> -> memref<10240xf32, #tpu.memory_space<hbm>>
      tpu.wait_dma2 semaphore(%run_scoped3A : memref<!tpu.dma_semaphore, #tpu.memory_space<semaphore_mem>>) src(%arg8 : memref<10240xf32, #tpu.memory_space<vmem>>) dst(%dma_wait3A_20 : memref<10240xf32, #tpu.memory_space<hbm>>)
      tpu.yield
    }) : () -> ()
    "tpu.region"() ({
      %run_scoped3A = tpu.sem_alloc : memref<!tpu.dma_semaphore, #tpu.memory_space<semaphore_mem>>
      %dma_start3A = arith.constant 0 : i32
      %dma_start3A_11 = tpu.memref_slice %arg5[%add3A, %dma_start3A] : memref<32x10240xf32, #tpu.memory_space<hbm>> -> memref<1x10240xf32, #tpu.memory_space<hbm>>
      %dma_start3A_12 = tpu.memref_squeeze %dma_start3A_11 : memref<1x10240xf32, #tpu.memory_space<hbm>> -> memref<10240xf32, #tpu.memory_space<hbm>>
      %dma_start3A_13 = arith.constant 0 : i32
      %dma_start3A_14 = tpu.memref_slice %arg5[%add3A, %dma_start3A_13] : memref<32x10240xf32, #tpu.memory_space<hbm>> -> memref<1x10240xf32, #tpu.memory_space<hbm>>
      %dma_start3A_15 = tpu.memref_squeeze %dma_start3A_14 : memref<1x10240xf32, #tpu.memory_space<hbm>> -> memref<10240xf32, #tpu.memory_space<hbm>>
      tpu.enqueue_dma source(%arg9 : memref<10240xf32, #tpu.memory_space<vmem>>) target(%dma_start3A_15 : memref<10240xf32, #tpu.memory_space<hbm>>) target_semaphore(%run_scoped3A : memref<!tpu.dma_semaphore, #tpu.memory_space<semaphore_mem>>)
      %dma_wait3A = arith.constant 0 : i32
      %dma_wait3A_16 = tpu.memref_slice %arg5[%add3A, %dma_wait3A] : memref<32x10240xf32, #tpu.memory_space<hbm>> -> memref<1x10240xf32, #tpu.memory_space<hbm>>
      %dma_wait3A_17 = tpu.memref_squeeze %dma_wait3A_16 : memref<1x10240xf32, #tpu.memory_space<hbm>> -> memref<10240xf32, #tpu.memory_space<hbm>>
      %dma_wait3A_18 = arith.constant 0 : i32
      %dma_wait3A_19 = tpu.memref_slice %arg5[%add3A, %dma_wait3A_18] : memref<32x10240xf32, #tpu.memory_space<hbm>> -> memref<1x10240xf32, #tpu.memory_space<hbm>>
      %dma_wait3A_20 = tpu.memref_squeeze %dma_wait3A_19 : memref<1x10240xf32, #tpu.memory_space<hbm>> -> memref<10240xf32, #tpu.memory_space<hbm>>
      tpu.wait_dma2 semaphore(%run_scoped3A : memref<!tpu.dma_semaphore, #tpu.memory_space<semaphore_mem>>) src(%arg9 : memref<10240xf32, #tpu.memory_space<vmem>>) dst(%dma_wait3A_20 : memref<10240xf32, #tpu.memory_space<hbm>>)
      tpu.yield
    }) : () -> ()
    return
  }
}

#map = affine_map<(d0, d1) -> (0, 0, 0)>
#map1 = affine_map<(d0, d1) -> (0, 0, 0, 0)>
module attributes {stable_mosaic.version = 14 : i64} {
  func.func @_sc_aggregate(%arg0: i32, %arg1: i32, %arg2: memref<4x10240x32xf32, #tpu.memory_space<hbm>>, %arg3: memref<16x160x128xi32, #tpu.memory_space<hbm>>, %arg4: memref<16x160x128xi32, #tpu.memory_space<hbm>>, %arg5: memref<2x2x10000x32xf32, #tpu.memory_space<hbm>>, %arg6: memref<160x128xi32, #tpu.memory_space<vmem>>, %arg7: memref<160x128xi32, #tpu.memory_space<vmem>>, %arg8: memref<128x32xf32, #tpu.memory_space<vmem>>, %arg9: memref<128x32xf32, #tpu.memory_space<vmem>>, %arg10: memref<128x32xf32, #tpu.memory_space<vmem>>, %arg11: memref<128x32xf32, #tpu.memory_space<vmem>>, %arg12: memref<128x32xf32, #tpu.memory_space<vmem>>, %arg13: memref<128x32xf32, #tpu.memory_space<vmem>>, %arg14: memref<128x32xf32, #tpu.memory_space<vmem>>, %arg15: memref<128x32xf32, #tpu.memory_space<vmem>>, %arg16: memref<128x32xf32, #tpu.memory_space<vmem>>, %arg17: memref<10016x32xf32, #tpu.memory_space<vmem_shared>>, %arg18: memref<10000x32xf32, #tpu.memory_space<vmem_shared>>, %arg19: memref<!tpu.dma_semaphore, #tpu.memory_space<semaphore_mem>>, %arg20: memref<!tpu.dma_semaphore, #tpu.memory_space<semaphore_mem>>, %arg21: memref<!tpu.dma_semaphore, #tpu.memory_space<semaphore_mem>>, %arg22: memref<!tpu.dma_semaphore, #tpu.memory_space<semaphore_mem>>, %arg23: memref<!tpu.dma_semaphore, #tpu.memory_space<semaphore_mem>>, %arg24: memref<!tpu.dma_semaphore, #tpu.memory_space<semaphore_mem>>, %arg25: memref<!tpu.dma_semaphore, #tpu.memory_space<semaphore_mem>>, %arg26: memref<!tpu.dma_semaphore, #tpu.memory_space<semaphore_mem>>, %arg27: memref<!tpu.dma_semaphore, #tpu.memory_space<semaphore_mem>>, %arg28: memref<!tpu.dma_semaphore, #tpu.memory_space<semaphore_mem>>, %arg29: memref<!tpu.dma_semaphore, #tpu.memory_space<semaphore_mem>>, %arg30: memref<!tpu.dma_semaphore, #tpu.memory_space<semaphore_mem>>, %arg31: memref<!tpu.dma_semaphore, #tpu.memory_space<semaphore_mem>>, %arg32: memref<!tpu.dma_semaphore, #tpu.memory_space<semaphore_mem>>, %arg33: memref<!tpu.dma_semaphore, #tpu.memory_space<semaphore_mem>>, %arg34: memref<!tpu.dma_semaphore, #tpu.memory_space<semaphore_mem>>) attributes {dimension_semantics = [#tpu.dimension_semantics<core_parallel>, #tpu.dimension_semantics<subcore_parallel>], iteration_bounds = array<i64: 2, 16>, scalar_prefetch = 0 : i64, scratch_operands = 29 : i64, tpu.core_type = #tpu.core_type<sc_vector_subcore>, window_params = [{transform_indices = #map}, {transform_indices = #map}, {transform_indices = #map}, {transform_indices = #map1}]} {
    %scan3A = arith.constant 0 : i32
    %scan3A_0 = arith.constant 128 : i32
    %scan3A_1 = arith.addi %scan3A, %scan3A_0 : i32
    %scan3A_2 = arith.constant 1 : i32
    scf.for %scan3A_260 = %scan3A to %scan3A_1 step %scan3A_2  : i32 {
      %mul3A_261 = arith.constant 1 : i32
      %mul3A_262 = arith.muli %scan3A_260, %mul3A_261 : i32
      %add3A_263 = arith.constant 0 : i32
      %add3A_264 = arith.addi %add3A_263, %mul3A_262 : i32
      %scan3A_265 = arith.constant 0 : i32
      %scan3A_266 = arith.constant 2 : i32
      %scan3A_267 = arith.addi %scan3A_265, %scan3A_266 : i32
      %scan3A_268 = arith.constant 1 : i32
      scf.for %scan3A_270 = %scan3A_265 to %scan3A_267 step %scan3A_268  : i32 {
        %mul3A_271 = arith.constant 16 : i32
        %mul3A_272 = arith.muli %scan3A_270, %mul3A_271 : i32
        %add3A_273 = arith.constant 0 : i32
        %add3A_274 = arith.addi %add3A_273, %mul3A_272 : i32
        %broadcast_in_dim3A = arith.constant 0.000000e+00 : f32
        %broadcast_in_dim3A_275 = vector.broadcast %broadcast_in_dim3A : f32 to vector<16xf32>
        %swap3A = arith.index_cast %add3A_264 : i32 to index
        %swap3A_276 = arith.index_cast %add3A_274 : i32 to index
        %swap3A_277 = tpu.vector_load %arg16[%swap3A, %swap3A_276] {strides = array<i32>} : memref<128x32xf32, #tpu.memory_space<vmem>>, vector<1x16xf32>,
        %swap3A_278 = vector.shape_cast %swap3A_277 : vector<1x16xf32> to vector<16xf32>
        %swap3A_279 = vector.shape_cast %broadcast_in_dim3A_275 : vector<16xf32> to vector<1x16xf32>
        tpu.vector_store %arg16[%swap3A, %swap3A_276], %swap3A_279 {strides = array<i32>} : memref<128x32xf32, #tpu.memory_space<vmem>>, vector<1x16xf32>,
      }
      %scan3A_269 = arith.constant 2 : i32
    }
    %scan3A_3 = arith.constant 128 : i32
    "tpu.region"() ({
      %run_scoped3A_260 = tpu.sem_alloc : memref<!tpu.dma_semaphore, #tpu.memory_space<semaphore_mem>>
      %dma_start3A_261 = arith.constant 0 : i32
      %dma_start3A_262 = arith.constant 0 : i32
      %dma_start3A_263 = tpu.memref_slice %arg3[%arg1, %dma_start3A_261, %dma_start3A_262] : memref<16x160x128xi32, #tpu.memory_space<hbm>> -> memref<1x160x128xi32, #tpu.memory_space<hbm>>
      %dma_start3A_264 = tpu.memref_squeeze %dma_start3A_263 : memref<1x160x128xi32, #tpu.memory_space<hbm>> -> memref<160x128xi32, #tpu.memory_space<hbm>>
      %dma_start3A_265 = arith.constant 0 : i32
      %dma_start3A_266 = arith.constant 0 : i32
      %dma_start3A_267 = tpu.memref_slice %arg3[%arg1, %dma_start3A_265, %dma_start3A_266] : memref<16x160x128xi32, #tpu.memory_space<hbm>> -> memref<1x160x128xi32, #tpu.memory_space<hbm>>
      %dma_start3A_268 = tpu.memref_squeeze %dma_start3A_267 : memref<1x160x128xi32, #tpu.memory_space<hbm>> -> memref<160x128xi32, #tpu.memory_space<hbm>>
      tpu.enqueue_dma source(%dma_start3A_268 : memref<160x128xi32, #tpu.memory_space<hbm>>) target(%arg6 : memref<160x128xi32, #tpu.memory_space<vmem>>) target_semaphore(%run_scoped3A_260 : memref<!tpu.dma_semaphore, #tpu.memory_space<semaphore_mem>>)
      %dma_wait3A_269 = arith.constant 0 : i32
      %dma_wait3A_270 = arith.constant 0 : i32
      %dma_wait3A_271 = tpu.memref_slice %arg3[%arg1, %dma_wait3A_269, %dma_wait3A_270] : memref<16x160x128xi32, #tpu.memory_space<hbm>> -> memref<1x160x128xi32, #tpu.memory_space<hbm>>
      %dma_wait3A_272 = tpu.memref_squeeze %dma_wait3A_271 : memref<1x160x128xi32, #tpu.memory_space<hbm>> -> memref<160x128xi32, #tpu.memory_space<hbm>>
      %dma_wait3A_273 = arith.constant 0 : i32
      %dma_wait3A_274 = arith.constant 0 : i32
      %dma_wait3A_275 = tpu.memref_slice %arg3[%arg1, %dma_wait3A_273, %dma_wait3A_274] : memref<16x160x128xi32, #tpu.memory_space<hbm>> -> memref<1x160x128xi32, #tpu.memory_space<hbm>>
      %dma_wait3A_276 = tpu.memref_squeeze %dma_wait3A_275 : memref<1x160x128xi32, #tpu.memory_space<hbm>> -> memref<160x128xi32, #tpu.memory_space<hbm>>
      tpu.wait_dma2 semaphore(%run_scoped3A_260 : memref<!tpu.dma_semaphore, #tpu.memory_space<semaphore_mem>>) src(%dma_wait3A_276 : memref<160x128xi32, #tpu.memory_space<hbm>>) dst(%arg6 : memref<160x128xi32, #tpu.memory_space<vmem>>)
      tpu.yield
    }) : () -> ()
    "tpu.region"() ({
      %run_scoped3A_260 = tpu.sem_alloc : memref<!tpu.dma_semaphore, #tpu.memory_space<semaphore_mem>>
      %dma_start3A_261 = arith.constant 0 : i32
      %dma_start3A_262 = arith.constant 0 : i32
      %dma_start3A_263 = tpu.memref_slice %arg4[%arg1, %dma_start3A_261, %dma_start3A_262] : memref<16x160x128xi32, #tpu.memory_space<hbm>> -> memref<1x160x128xi32, #tpu.memory_space<hbm>>
      %dma_start3A_264 = tpu.memref_squeeze %dma_start3A_263 : memref<1x160x128xi32, #tpu.memory_space<hbm>> -> memref<160x128xi32, #tpu.memory_space<hbm>>
      %dma_start3A_265 = arith.constant 0 : i32
      %dma_start3A_266 = arith.constant 0 : i32
      %dma_start3A_267 = tpu.memref_slice %arg4[%arg1, %dma_start3A_265, %dma_start3A_266] : memref<16x160x128xi32, #tpu.memory_space<hbm>> -> memref<1x160x128xi32, #tpu.memory_space<hbm>>
      %dma_start3A_268 = tpu.memref_squeeze %dma_start3A_267 : memref<1x160x128xi32, #tpu.memory_space<hbm>> -> memref<160x128xi32, #tpu.memory_space<hbm>>
      tpu.enqueue_dma source(%dma_start3A_268 : memref<160x128xi32, #tpu.memory_space<hbm>>) target(%arg7 : memref<160x128xi32, #tpu.memory_space<vmem>>) target_semaphore(%run_scoped3A_260 : memref<!tpu.dma_semaphore, #tpu.memory_space<semaphore_mem>>)
      %dma_wait3A_269 = arith.constant 0 : i32
      %dma_wait3A_270 = arith.constant 0 : i32
      %dma_wait3A_271 = tpu.memref_slice %arg4[%arg1, %dma_wait3A_269, %dma_wait3A_270] : memref<16x160x128xi32, #tpu.memory_space<hbm>> -> memref<1x160x128xi32, #tpu.memory_space<hbm>>
      %dma_wait3A_272 = tpu.memref_squeeze %dma_wait3A_271 : memref<1x160x128xi32, #tpu.memory_space<hbm>> -> memref<160x128xi32, #tpu.memory_space<hbm>>
      %dma_wait3A_273 = arith.constant 0 : i32
      %dma_wait3A_274 = arith.constant 0 : i32
      %dma_wait3A_275 = tpu.memref_slice %arg4[%arg1, %dma_wait3A_273, %dma_wait3A_274] : memref<16x160x128xi32, #tpu.memory_space<hbm>> -> memref<1x160x128xi32, #tpu.memory_space<hbm>>
      %dma_wait3A_276 = tpu.memref_squeeze %dma_wait3A_275 : memref<1x160x128xi32, #tpu.memory_space<hbm>> -> memref<160x128xi32, #tpu.memory_space<hbm>>
      tpu.wait_dma2 semaphore(%run_scoped3A_260 : memref<!tpu.dma_semaphore, #tpu.memory_space<semaphore_mem>>) src(%dma_wait3A_276 : memref<160x128xi32, #tpu.memory_space<hbm>>) dst(%arg7 : memref<160x128xi32, #tpu.memory_space<vmem>>)
      tpu.yield
    }) : () -> ()
    %mul3A = arith.constant 625 : i32
    %mul3A_4 = arith.muli %arg1, %mul3A : i32
    %mul3A_5 = arith.constant 626 : i32
    %mul3A_6 = arith.muli %arg1, %mul3A_5 : i32
    %scan3A_7 = arith.constant 0 : i32
    %scan3A_8 = arith.constant 5 : i32
    %scan3A_9 = arith.addi %scan3A_7, %scan3A_8 : i32
    %scan3A_10 = arith.constant 1 : i32
    scf.for %scan3A_260 = %scan3A_7 to %scan3A_9 step %scan3A_10  : i32 {
      %mul3A_261 = arith.constant 125 : i32
      %mul3A_262 = arith.muli %scan3A_260, %mul3A_261 : i32
      %add3A_263 = arith.constant 0 : i32
      %add3A_264 = arith.addi %add3A_263, %mul3A_262 : i32
      %add3A_265 = arith.addi %mul3A_4, %add3A_264 : i32
      "tpu.region"() ({
        %run_scoped3A_266 = tpu.sem_alloc : memref<!tpu.dma_semaphore, #tpu.memory_space<semaphore_mem>>
        %dma_start3A_267 = arith.constant 0 : i32
        %dma_start3A_268 = arith.constant 0 : i32
        %dma_start3A_269 = tpu.memref_slice %arg16[%dma_start3A_267, %dma_start3A_268] : memref<128x32xf32, #tpu.memory_space<vmem>> -> memref<125x32xf32, #tpu.memory_space<vmem>>
        %dma_start3A_270 = arith.constant 0 : i32
        %dma_start3A_271 = tpu.memref_slice %arg18[%add3A_265, %dma_start3A_270] : memref<10000x32xf32, #tpu.memory_space<vmem_shared>> -> memref<125x32xf32, #tpu.memory_space<vmem_shared>>
        %dma_start3A_272 = arith.constant 0 : i32
        %dma_start3A_273 = tpu.memref_slice %arg18[%add3A_265, %dma_start3A_272] : memref<10000x32xf32, #tpu.memory_space<vmem_shared>> -> memref<125x32xf32, #tpu.memory_space<vmem_shared>>
        %dma_start3A_274 = arith.constant 0 : i32
        %dma_start3A_275 = arith.constant 0 : i32
        %dma_start3A_276 = tpu.memref_slice %arg16[%dma_start3A_274, %dma_start3A_275] : memref<128x32xf32, #tpu.memory_space<vmem>> -> memref<125x32xf32, #tpu.memory_space<vmem>>
        tpu.enqueue_dma source(%dma_start3A_276 : memref<125x32xf32, #tpu.memory_space<vmem>>) target(%dma_start3A_273 : memref<125x32xf32, #tpu.memory_space<vmem_shared>>) target_semaphore(%run_scoped3A_266 : memref<!tpu.dma_semaphore, #tpu.memory_space<semaphore_mem>>)
        %dma_wait3A_277 = arith.constant 0 : i32
        %dma_wait3A_278 = arith.constant 0 : i32
        %dma_wait3A_279 = tpu.memref_slice %arg16[%dma_wait3A_277, %dma_wait3A_278] : memref<128x32xf32, #tpu.memory_space<vmem>> -> memref<125x32xf32, #tpu.memory_space<vmem>>
        %dma_wait3A_280 = arith.constant 0 : i32
        %dma_wait3A_281 = tpu.memref_slice %arg18[%add3A_265, %dma_wait3A_280] : memref<10000x32xf32, #tpu.memory_space<vmem_shared>> -> memref<125x32xf32, #tpu.memory_space<vmem_shared>>
        %dma_wait3A_282 = arith.constant 0 : i32
        %dma_wait3A_283 = tpu.memref_slice %arg18[%add3A_265, %dma_wait3A_282] : memref<10000x32xf32, #tpu.memory_space<vmem_shared>> -> memref<125x32xf32, #tpu.memory_space<vmem_shared>>
        %dma_wait3A_284 = arith.constant 0 : i32
        %dma_wait3A_285 = arith.constant 0 : i32
        %dma_wait3A_286 = tpu.memref_slice %arg16[%dma_wait3A_284, %dma_wait3A_285] : memref<128x32xf32, #tpu.memory_space<vmem>> -> memref<125x32xf32, #tpu.memory_space<vmem>>
        tpu.wait_dma2 semaphore(%run_scoped3A_266 : memref<!tpu.dma_semaphore, #tpu.memory_space<semaphore_mem>>) src(%dma_wait3A_286 : memref<125x32xf32, #tpu.memory_space<vmem>>) dst(%dma_wait3A_283 : memref<125x32xf32, #tpu.memory_space<vmem_shared>>)
        tpu.yield
      }) : () -> ()
    }
    %scan3A_11 = arith.constant 5 : i32
    %mul3A_12 = arith.constant 2 : i32
    %mul3A_13 = arith.muli %arg0, %mul3A_12 : i32
    %add3A = arith.constant 0 : i32
    %add3A_14 = arith.addi %mul3A_13, %add3A : i32
    "tpu.region"() ({
      %run_scoped3A_260 = tpu.sem_alloc : memref<!tpu.dma_semaphore, #tpu.memory_space<semaphore_mem>>
      %dma_start3A_261 = arith.constant 0 : i32
      %dma_start3A_262 = tpu.memref_slice %arg17[%mul3A_6, %dma_start3A_261] : memref<10016x32xf32, #tpu.memory_space<vmem_shared>> -> memref<626x32xf32, #tpu.memory_space<vmem_shared>>
      %dma_start3A_263 = arith.constant 0 : i32
      %dma_start3A_264 = tpu.memref_slice %arg2[%add3A_14, %mul3A_6, %dma_start3A_263] : memref<4x10240x32xf32, #tpu.memory_space<hbm>> -> memref<1x626x32xf32, #tpu.memory_space<hbm>>
      %dma_start3A_265 = tpu.memref_squeeze %dma_start3A_264 : memref<1x626x32xf32, #tpu.memory_space<hbm>> -> memref<626x32xf32, #tpu.memory_space<hbm>>
      tpu.enqueue_dma source(%dma_start3A_265 : memref<626x32xf32, #tpu.memory_space<hbm>>) target(%dma_start3A_262 : memref<626x32xf32, #tpu.memory_space<vmem_shared>>) target_semaphore(%run_scoped3A_260 : memref<!tpu.dma_semaphore, #tpu.memory_space<semaphore_mem>>)
      %dma_wait3A_266 = arith.constant 0 : i32
      %dma_wait3A_267 = tpu.memref_slice %arg17[%mul3A_6, %dma_wait3A_266] : memref<10016x32xf32, #tpu.memory_space<vmem_shared>> -> memref<626x32xf32, #tpu.memory_space<vmem_shared>>
      %dma_wait3A_268 = arith.constant 0 : i32
      %dma_wait3A_269 = tpu.memref_slice %arg2[%add3A_14, %mul3A_6, %dma_wait3A_268] : memref<4x10240x32xf32, #tpu.memory_space<hbm>> -> memref<1x626x32xf32, #tpu.memory_space<hbm>>
      %dma_wait3A_270 = tpu.memref_squeeze %dma_wait3A_269 : memref<1x626x32xf32, #tpu.memory_space<hbm>> -> memref<626x32xf32, #tpu.memory_space<hbm>>
      tpu.wait_dma2 semaphore(%run_scoped3A_260 : memref<!tpu.dma_semaphore, #tpu.memory_space<semaphore_mem>>) src(%dma_wait3A_270 : memref<626x32xf32, #tpu.memory_space<hbm>>) dst(%dma_wait3A_267 : memref<626x32xf32, #tpu.memory_space<vmem_shared>>)
      tpu.yield
    }) : () -> ()
    %barrier3A = arith.constant 0 : index
    tpu.barrier barrier_id(%barrier3A)
    %dma_start3A = arith.constant 0 : i32
    %dma_start3A_15 = arith.constant 0 : i32
    %dma_start3A_16 = tpu.memref_slice %arg6[%dma_start3A, %dma_start3A_15] : memref<160x128xi32, #tpu.memory_space<vmem>> -> memref<1x128xi32, #tpu.memory_space<vmem>>
    %dma_start3A_17 = tpu.memref_squeeze %dma_start3A_16 : memref<1x128xi32, #tpu.memory_space<vmem>> -> memref<128xi32, #tpu.memory_space<vmem>>
    %dma_start3A_18 = arith.constant 0 : i32
    %dma_start3A_19 = arith.constant 0 : i32
    %dma_start3A_20 = tpu.memref_slice %arg17[%dma_start3A_18, %dma_start3A_19] : memref<10016x32xf32, #tpu.memory_space<vmem_shared>> -> memref<10016x32xf32, #tpu.memory_space<vmem_shared>>
    tpu.enqueue_indirect_dma source(%dma_start3A_20 : memref<10016x32xf32, #tpu.memory_space<vmem_shared>>) target(%arg8 : memref<128x32xf32, #tpu.memory_space<vmem>>) offsets(%dma_start3A_17 : memref<128xi32, #tpu.memory_space<vmem>>) semaphore(%arg19 : memref<!tpu.dma_semaphore, #tpu.memory_space<semaphore_mem>>)
    %dma_start3A_21 = arith.constant 1 : i32
    %dma_start3A_22 = arith.constant 0 : i32
    %dma_start3A_23 = tpu.memref_slice %arg6[%dma_start3A_21, %dma_start3A_22] : memref<160x128xi32, #tpu.memory_space<vmem>> -> memref<1x128xi32, #tpu.memory_space<vmem>>
    %dma_start3A_24 = tpu.memref_squeeze %dma_start3A_23 : memref<1x128xi32, #tpu.memory_space<vmem>> -> memref<128xi32, #tpu.memory_space<vmem>>
    %dma_start3A_25 = arith.constant 0 : i32
    %dma_start3A_26 = arith.constant 0 : i32
    %dma_start3A_27 = tpu.memref_slice %arg17[%dma_start3A_25, %dma_start3A_26] : memref<10016x32xf32, #tpu.memory_space<vmem_shared>> -> memref<10016x32xf32, #tpu.memory_space<vmem_shared>>
    tpu.enqueue_indirect_dma source(%dma_start3A_27 : memref<10016x32xf32, #tpu.memory_space<vmem_shared>>) target(%arg9 : memref<128x32xf32, #tpu.memory_space<vmem>>) offsets(%dma_start3A_24 : memref<128xi32, #tpu.memory_space<vmem>>) semaphore(%arg20 : memref<!tpu.dma_semaphore, #tpu.memory_space<semaphore_mem>>)
    %dma_start3A_28 = arith.constant 2 : i32
    %dma_start3A_29 = arith.constant 0 : i32
    %dma_start3A_30 = tpu.memref_slice %arg6[%dma_start3A_28, %dma_start3A_29] : memref<160x128xi32, #tpu.memory_space<vmem>> -> memref<1x128xi32, #tpu.memory_space<vmem>>
    %dma_start3A_31 = tpu.memref_squeeze %dma_start3A_30 : memref<1x128xi32, #tpu.memory_space<vmem>> -> memref<128xi32, #tpu.memory_space<vmem>>
    %dma_start3A_32 = arith.constant 0 : i32
    %dma_start3A_33 = arith.constant 0 : i32
    %dma_start3A_34 = tpu.memref_slice %arg17[%dma_start3A_32, %dma_start3A_33] : memref<10016x32xf32, #tpu.memory_space<vmem_shared>> -> memref<10016x32xf32, #tpu.memory_space<vmem_shared>>
    tpu.enqueue_indirect_dma source(%dma_start3A_34 : memref<10016x32xf32, #tpu.memory_space<vmem_shared>>) target(%arg10 : memref<128x32xf32, #tpu.memory_space<vmem>>) offsets(%dma_start3A_31 : memref<128xi32, #tpu.memory_space<vmem>>) semaphore(%arg21 : memref<!tpu.dma_semaphore, #tpu.memory_space<semaphore_mem>>)
    %dma_start3A_35 = arith.constant 3 : i32
    %dma_start3A_36 = arith.constant 0 : i32
    %dma_start3A_37 = tpu.memref_slice %arg6[%dma_start3A_35, %dma_start3A_36] : memref<160x128xi32, #tpu.memory_space<vmem>> -> memref<1x128xi32, #tpu.memory_space<vmem>>
    %dma_start3A_38 = tpu.memref_squeeze %dma_start3A_37 : memref<1x128xi32, #tpu.memory_space<vmem>> -> memref<128xi32, #tpu.memory_space<vmem>>
    %dma_start3A_39 = arith.constant 0 : i32
    %dma_start3A_40 = arith.constant 0 : i32
    %dma_start3A_41 = tpu.memref_slice %arg17[%dma_start3A_39, %dma_start3A_40] : memref<10016x32xf32, #tpu.memory_space<vmem_shared>> -> memref<10016x32xf32, #tpu.memory_space<vmem_shared>>
    tpu.enqueue_indirect_dma source(%dma_start3A_41 : memref<10016x32xf32, #tpu.memory_space<vmem_shared>>) target(%arg11 : memref<128x32xf32, #tpu.memory_space<vmem>>) offsets(%dma_start3A_38 : memref<128xi32, #tpu.memory_space<vmem>>) semaphore(%arg22 : memref<!tpu.dma_semaphore, #tpu.memory_space<semaphore_mem>>)
    %dma_start3A_42 = arith.constant 4 : i32
    %dma_start3A_43 = arith.constant 0 : i32
    %dma_start3A_44 = tpu.memref_slice %arg6[%dma_start3A_42, %dma_start3A_43] : memref<160x128xi32, #tpu.memory_space<vmem>> -> memref<1x128xi32, #tpu.memory_space<vmem>>
    %dma_start3A_45 = tpu.memref_squeeze %dma_start3A_44 : memref<1x128xi32, #tpu.memory_space<vmem>> -> memref<128xi32, #tpu.memory_space<vmem>>
    %dma_start3A_46 = arith.constant 0 : i32
    %dma_start3A_47 = arith.constant 0 : i32
    %dma_start3A_48 = tpu.memref_slice %arg17[%dma_start3A_46, %dma_start3A_47] : memref<10016x32xf32, #tpu.memory_space<vmem_shared>> -> memref<10016x32xf32, #tpu.memory_space<vmem_shared>>
    tpu.enqueue_indirect_dma source(%dma_start3A_48 : memref<10016x32xf32, #tpu.memory_space<vmem_shared>>) target(%arg12 : memref<128x32xf32, #tpu.memory_space<vmem>>) offsets(%dma_start3A_45 : memref<128xi32, #tpu.memory_space<vmem>>) semaphore(%arg23 : memref<!tpu.dma_semaphore, #tpu.memory_space<semaphore_mem>>)
    %dma_start3A_49 = arith.constant 5 : i32
    %dma_start3A_50 = arith.constant 0 : i32
    %dma_start3A_51 = tpu.memref_slice %arg6[%dma_start3A_49, %dma_start3A_50] : memref<160x128xi32, #tpu.memory_space<vmem>> -> memref<1x128xi32, #tpu.memory_space<vmem>>
    %dma_start3A_52 = tpu.memref_squeeze %dma_start3A_51 : memref<1x128xi32, #tpu.memory_space<vmem>> -> memref<128xi32, #tpu.memory_space<vmem>>
    %dma_start3A_53 = arith.constant 0 : i32
    %dma_start3A_54 = arith.constant 0 : i32
    %dma_start3A_55 = tpu.memref_slice %arg17[%dma_start3A_53, %dma_start3A_54] : memref<10016x32xf32, #tpu.memory_space<vmem_shared>> -> memref<10016x32xf32, #tpu.memory_space<vmem_shared>>
    tpu.enqueue_indirect_dma source(%dma_start3A_55 : memref<10016x32xf32, #tpu.memory_space<vmem_shared>>) target(%arg13 : memref<128x32xf32, #tpu.memory_space<vmem>>) offsets(%dma_start3A_52 : memref<128xi32, #tpu.memory_space<vmem>>) semaphore(%arg24 : memref<!tpu.dma_semaphore, #tpu.memory_space<semaphore_mem>>)
    %dma_start3A_56 = arith.constant 6 : i32
    %dma_start3A_57 = arith.constant 0 : i32
    %dma_start3A_58 = tpu.memref_slice %arg6[%dma_start3A_56, %dma_start3A_57] : memref<160x128xi32, #tpu.memory_space<vmem>> -> memref<1x128xi32, #tpu.memory_space<vmem>>
    %dma_start3A_59 = tpu.memref_squeeze %dma_start3A_58 : memref<1x128xi32, #tpu.memory_space<vmem>> -> memref<128xi32, #tpu.memory_space<vmem>>
    %dma_start3A_60 = arith.constant 0 : i32
    %dma_start3A_61 = arith.constant 0 : i32
    %dma_start3A_62 = tpu.memref_slice %arg17[%dma_start3A_60, %dma_start3A_61] : memref<10016x32xf32, #tpu.memory_space<vmem_shared>> -> memref<10016x32xf32, #tpu.memory_space<vmem_shared>>
    tpu.enqueue_indirect_dma source(%dma_start3A_62 : memref<10016x32xf32, #tpu.memory_space<vmem_shared>>) target(%arg14 : memref<128x32xf32, #tpu.memory_space<vmem>>) offsets(%dma_start3A_59 : memref<128xi32, #tpu.memory_space<vmem>>) semaphore(%arg25 : memref<!tpu.dma_semaphore, #tpu.memory_space<semaphore_mem>>)
    %dma_start3A_63 = arith.constant 7 : i32
    %dma_start3A_64 = arith.constant 0 : i32
    %dma_start3A_65 = tpu.memref_slice %arg6[%dma_start3A_63, %dma_start3A_64] : memref<160x128xi32, #tpu.memory_space<vmem>> -> memref<1x128xi32, #tpu.memory_space<vmem>>
    %dma_start3A_66 = tpu.memref_squeeze %dma_start3A_65 : memref<1x128xi32, #tpu.memory_space<vmem>> -> memref<128xi32, #tpu.memory_space<vmem>>
    %dma_start3A_67 = arith.constant 0 : i32
    %dma_start3A_68 = arith.constant 0 : i32
    %dma_start3A_69 = tpu.memref_slice %arg17[%dma_start3A_67, %dma_start3A_68] : memref<10016x32xf32, #tpu.memory_space<vmem_shared>> -> memref<10016x32xf32, #tpu.memory_space<vmem_shared>>
    tpu.enqueue_indirect_dma source(%dma_start3A_69 : memref<10016x32xf32, #tpu.memory_space<vmem_shared>>) target(%arg15 : memref<128x32xf32, #tpu.memory_space<vmem>>) offsets(%dma_start3A_66 : memref<128xi32, #tpu.memory_space<vmem>>) semaphore(%arg26 : memref<!tpu.dma_semaphore, #tpu.memory_space<semaphore_mem>>)
    %scan3A_70 = arith.constant 0 : i32
    %scan3A_71 = arith.constant 20 : i32
    %scan3A_72 = arith.addi %scan3A_70, %scan3A_71 : i32
    %scan3A_73 = arith.constant 1 : i32
    scf.for %scan3A_260 = %scan3A_70 to %scan3A_72 step %scan3A_73  : i32 {
      %mul3A_261 = arith.constant 8 : i32
      %mul3A_262 = arith.muli %scan3A_260, %mul3A_261 : i32
      %add3A_263 = arith.constant 0 : i32
      %add3A_264 = arith.addi %add3A_263, %mul3A_262 : i32
      %add3A_265 = arith.constant 0 : i32
      %add3A_266 = arith.addi %add3A_264, %add3A_265 : i32
      %dma_wait3A_267 = arith.constant 0 : i32
      %dma_wait3A_268 = tpu.memref_slice %arg6[%add3A_266, %dma_wait3A_267] : memref<160x128xi32, #tpu.memory_space<vmem>> -> memref<1x128xi32, #tpu.memory_space<vmem>>
      %dma_wait3A_269 = tpu.memref_squeeze %dma_wait3A_268 : memref<1x128xi32, #tpu.memory_space<vmem>> -> memref<128xi32, #tpu.memory_space<vmem>>
      %dma_wait3A_270 = arith.constant 0 : i32
      %dma_wait3A_271 = arith.constant 0 : i32
      %dma_wait3A_272 = tpu.memref_slice %arg17[%dma_wait3A_270, %dma_wait3A_271] : memref<10016x32xf32, #tpu.memory_space<vmem_shared>> -> memref<10016x32xf32, #tpu.memory_space<vmem_shared>>
      tpu.wait_indirect_dma semaphore(%arg19 : memref<!tpu.dma_semaphore, #tpu.memory_space<semaphore_mem>>) src(%dma_wait3A_272 : memref<10016x32xf32, #tpu.memory_space<vmem_shared>>) dst(%arg8 : memref<128x32xf32, #tpu.memory_space<vmem>>)
      %dma_start3A_273 = arith.constant 0 : i32
      %dma_start3A_274 = tpu.memref_slice %arg7[%add3A_266, %dma_start3A_273] : memref<160x128xi32, #tpu.memory_space<vmem>> -> memref<1x128xi32, #tpu.memory_space<vmem>>
      %dma_start3A_275 = tpu.memref_squeeze %dma_start3A_274 : memref<1x128xi32, #tpu.memory_space<vmem>> -> memref<128xi32, #tpu.memory_space<vmem>>
      %dma_start3A_276 = arith.constant 0 : i32
      %dma_start3A_277 = arith.constant 0 : i32
      %dma_start3A_278 = tpu.memref_slice %arg18[%dma_start3A_276, %dma_start3A_277] : memref<10000x32xf32, #tpu.memory_space<vmem_shared>> -> memref<10000x32xf32, #tpu.memory_space<vmem_shared>>
      tpu.enqueue_indirect_dma source(%arg8 : memref<128x32xf32, #tpu.memory_space<vmem>>) target(%dma_start3A_278 : memref<10000x32xf32, #tpu.memory_space<vmem_shared>>) offsets(%dma_start3A_275 : memref<128xi32, #tpu.memory_space<vmem>>) semaphore(%arg27 : memref<!tpu.dma_semaphore, #tpu.memory_space<semaphore_mem>>) {add = true}
      %ge3A = arith.constant 4 : i32
      %ge3A_279 = arith.cmpi sge, %add3A_266, %ge3A : i32
      %add3A_280 = arith.constant 4 : i32
      %add3A_281 = arith.addi %add3A_266, %add3A_280 : i32
      %lt3A = arith.constant 160 : i32
      %lt3A_282 = arith.cmpi slt, %add3A_281, %lt3A : i32
      %and3A = arith.andi %ge3A_279, %lt3A_282 : i1
      %convert_element_type3A = arith.extui %and3A : i1 to i32
      %cond3A = arith.constant 0 : i32
      %cond3A_283 = arith.cmpi ne, %convert_element_type3A, %cond3A : i32
      scf.if %cond3A_283 {
        %sub3A = arith.constant 4 : i32
        %sub3A_452 = arith.subi %add3A_266, %sub3A : i32
        %dma_wait3A_453 = arith.constant 0 : i32
        %dma_wait3A_454 = tpu.memref_slice %arg7[%sub3A_452, %dma_wait3A_453] : memref<160x128xi32, #tpu.memory_space<vmem>> -> memref<1x128xi32, #tpu.memory_space<vmem>>
        %dma_wait3A_455 = tpu.memref_squeeze %dma_wait3A_454 : memref<1x128xi32, #tpu.memory_space<vmem>> -> memref<128xi32, #tpu.memory_space<vmem>>
        %dma_wait3A_456 = arith.constant 0 : i32
        %dma_wait3A_457 = arith.constant 0 : i32
        %dma_wait3A_458 = tpu.memref_slice %arg18[%dma_wait3A_456, %dma_wait3A_457] : memref<10000x32xf32, #tpu.memory_space<vmem_shared>> -> memref<10000x32xf32, #tpu.memory_space<vmem_shared>>
        tpu.wait_indirect_dma semaphore(%arg31 : memref<!tpu.dma_semaphore, #tpu.memory_space<semaphore_mem>>) src(%arg12 : memref<128x32xf32, #tpu.memory_space<vmem>>) dst(%dma_wait3A_458 : memref<10000x32xf32, #tpu.memory_space<vmem_shared>>)
        %add3A_459 = arith.constant 4 : i32
        %add3A_460 = arith.addi %add3A_266, %add3A_459 : i32
        %dma_start3A_461 = arith.constant 0 : i32
        %dma_start3A_462 = tpu.memref_slice %arg6[%add3A_460, %dma_start3A_461] : memref<160x128xi32, #tpu.memory_space<vmem>> -> memref<1x128xi32, #tpu.memory_space<vmem>>
        %dma_start3A_463 = tpu.memref_squeeze %dma_start3A_462 : memref<1x128xi32, #tpu.memory_space<vmem>> -> memref<128xi32, #tpu.memory_space<vmem>>
        %dma_start3A_464 = arith.constant 0 : i32
        %dma_start3A_465 = arith.constant 0 : i32
        %dma_start3A_466 = tpu.memref_slice %arg17[%dma_start3A_464, %dma_start3A_465] : memref<10016x32xf32, #tpu.memory_space<vmem_shared>> -> memref<10016x32xf32, #tpu.memory_space<vmem_shared>>
        tpu.enqueue_indirect_dma source(%dma_start3A_466 : memref<10016x32xf32, #tpu.memory_space<vmem_shared>>) target(%arg12 : memref<128x32xf32, #tpu.memory_space<vmem>>) offsets(%dma_start3A_463 : memref<128xi32, #tpu.memory_space<vmem>>) semaphore(%arg23 : memref<!tpu.dma_semaphore, #tpu.memory_space<semaphore_mem>>)
      } else {
      }
      %add3A_284 = arith.constant 1 : i32
      %add3A_285 = arith.addi %add3A_264, %add3A_284 : i32
      %dma_wait3A_286 = arith.constant 0 : i32
      %dma_wait3A_287 = tpu.memref_slice %arg6[%add3A_285, %dma_wait3A_286] : memref<160x128xi32, #tpu.memory_space<vmem>> -> memref<1x128xi32, #tpu.memory_space<vmem>>
      %dma_wait3A_288 = tpu.memref_squeeze %dma_wait3A_287 : memref<1x128xi32, #tpu.memory_space<vmem>> -> memref<128xi32, #tpu.memory_space<vmem>>
      %dma_wait3A_289 = arith.constant 0 : i32
      %dma_wait3A_290 = arith.constant 0 : i32
      %dma_wait3A_291 = tpu.memref_slice %arg17[%dma_wait3A_289, %dma_wait3A_290] : memref<10016x32xf32, #tpu.memory_space<vmem_shared>> -> memref<10016x32xf32, #tpu.memory_space<vmem_shared>>
      tpu.wait_indirect_dma semaphore(%arg20 : memref<!tpu.dma_semaphore, #tpu.memory_space<semaphore_mem>>) src(%dma_wait3A_291 : memref<10016x32xf32, #tpu.memory_space<vmem_shared>>) dst(%arg9 : memref<128x32xf32, #tpu.memory_space<vmem>>)
      %dma_start3A_292 = arith.constant 0 : i32
      %dma_start3A_293 = tpu.memref_slice %arg7[%add3A_285, %dma_start3A_292] : memref<160x128xi32, #tpu.memory_space<vmem>> -> memref<1x128xi32, #tpu.memory_space<vmem>>
      %dma_start3A_294 = tpu.memref_squeeze %dma_start3A_293 : memref<1x128xi32, #tpu.memory_space<vmem>> -> memref<128xi32, #tpu.memory_space<vmem>>
      %dma_start3A_295 = arith.constant 0 : i32
      %dma_start3A_296 = arith.constant 0 : i32
      %dma_start3A_297 = tpu.memref_slice %arg18[%dma_start3A_295, %dma_start3A_296] : memref<10000x32xf32, #tpu.memory_space<vmem_shared>> -> memref<10000x32xf32, #tpu.memory_space<vmem_shared>>
      tpu.enqueue_indirect_dma source(%arg9 : memref<128x32xf32, #tpu.memory_space<vmem>>) target(%dma_start3A_297 : memref<10000x32xf32, #tpu.memory_space<vmem_shared>>) offsets(%dma_start3A_294 : memref<128xi32, #tpu.memory_space<vmem>>) semaphore(%arg28 : memref<!tpu.dma_semaphore, #tpu.memory_space<semaphore_mem>>) {add = true}
      %ge3A_298 = arith.constant 4 : i32
      %ge3A_299 = arith.cmpi sge, %add3A_285, %ge3A_298 : i32
      %add3A_300 = arith.constant 4 : i32
      %add3A_301 = arith.addi %add3A_285, %add3A_300 : i32
      %lt3A_302 = arith.constant 160 : i32
      %lt3A_303 = arith.cmpi slt, %add3A_301, %lt3A_302 : i32
      %and3A_304 = arith.andi %ge3A_299, %lt3A_303 : i1
      %convert_element_type3A_305 = arith.extui %and3A_304 : i1 to i32
      %cond3A_306 = arith.constant 0 : i32
      %cond3A_307 = arith.cmpi ne, %convert_element_type3A_305, %cond3A_306 : i32
      scf.if %cond3A_307 {
        %sub3A = arith.constant 4 : i32
        %sub3A_452 = arith.subi %add3A_285, %sub3A : i32
        %dma_wait3A_453 = arith.constant 0 : i32
        %dma_wait3A_454 = tpu.memref_slice %arg7[%sub3A_452, %dma_wait3A_453] : memref<160x128xi32, #tpu.memory_space<vmem>> -> memref<1x128xi32, #tpu.memory_space<vmem>>
        %dma_wait3A_455 = tpu.memref_squeeze %dma_wait3A_454 : memref<1x128xi32, #tpu.memory_space<vmem>> -> memref<128xi32, #tpu.memory_space<vmem>>
        %dma_wait3A_456 = arith.constant 0 : i32
        %dma_wait3A_457 = arith.constant 0 : i32
        %dma_wait3A_458 = tpu.memref_slice %arg18[%dma_wait3A_456, %dma_wait3A_457] : memref<10000x32xf32, #tpu.memory_space<vmem_shared>> -> memref<10000x32xf32, #tpu.memory_space<vmem_shared>>
        tpu.wait_indirect_dma semaphore(%arg32 : memref<!tpu.dma_semaphore, #tpu.memory_space<semaphore_mem>>) src(%arg13 : memref<128x32xf32, #tpu.memory_space<vmem>>) dst(%dma_wait3A_458 : memref<10000x32xf32, #tpu.memory_space<vmem_shared>>)
        %add3A_459 = arith.constant 4 : i32
        %add3A_460 = arith.addi %add3A_285, %add3A_459 : i32
        %dma_start3A_461 = arith.constant 0 : i32
        %dma_start3A_462 = tpu.memref_slice %arg6[%add3A_460, %dma_start3A_461] : memref<160x128xi32, #tpu.memory_space<vmem>> -> memref<1x128xi32, #tpu.memory_space<vmem>>
        %dma_start3A_463 = tpu.memref_squeeze %dma_start3A_462 : memref<1x128xi32, #tpu.memory_space<vmem>> -> memref<128xi32, #tpu.memory_space<vmem>>
        %dma_start3A_464 = arith.constant 0 : i32
        %dma_start3A_465 = arith.constant 0 : i32
        %dma_start3A_466 = tpu.memref_slice %arg17[%dma_start3A_464, %dma_start3A_465] : memref<10016x32xf32, #tpu.memory_space<vmem_shared>> -> memref<10016x32xf32, #tpu.memory_space<vmem_shared>>
        tpu.enqueue_indirect_dma source(%dma_start3A_466 : memref<10016x32xf32, #tpu.memory_space<vmem_shared>>) target(%arg13 : memref<128x32xf32, #tpu.memory_space<vmem>>) offsets(%dma_start3A_463 : memref<128xi32, #tpu.memory_space<vmem>>) semaphore(%arg24 : memref<!tpu.dma_semaphore, #tpu.memory_space<semaphore_mem>>)
      } else {
      }
      %add3A_308 = arith.constant 2 : i32
      %add3A_309 = arith.addi %add3A_264, %add3A_308 : i32
      %dma_wait3A_310 = arith.constant 0 : i32
      %dma_wait3A_311 = tpu.memref_slice %arg6[%add3A_309, %dma_wait3A_310] : memref<160x128xi32, #tpu.memory_space<vmem>> -> memref<1x128xi32, #tpu.memory_space<vmem>>
      %dma_wait3A_312 = tpu.memref_squeeze %dma_wait3A_311 : memref<1x128xi32, #tpu.memory_space<vmem>> -> memref<128xi32, #tpu.memory_space<vmem>>
      %dma_wait3A_313 = arith.constant 0 : i32
      %dma_wait3A_314 = arith.constant 0 : i32
      %dma_wait3A_315 = tpu.memref_slice %arg17[%dma_wait3A_313, %dma_wait3A_314] : memref<10016x32xf32, #tpu.memory_space<vmem_shared>> -> memref<10016x32xf32, #tpu.memory_space<vmem_shared>>
      tpu.wait_indirect_dma semaphore(%arg21 : memref<!tpu.dma_semaphore, #tpu.memory_space<semaphore_mem>>) src(%dma_wait3A_315 : memref<10016x32xf32, #tpu.memory_space<vmem_shared>>) dst(%arg10 : memref<128x32xf32, #tpu.memory_space<vmem>>)
      %dma_start3A_316 = arith.constant 0 : i32
      %dma_start3A_317 = tpu.memref_slice %arg7[%add3A_309, %dma_start3A_316] : memref<160x128xi32, #tpu.memory_space<vmem>> -> memref<1x128xi32, #tpu.memory_space<vmem>>
      %dma_start3A_318 = tpu.memref_squeeze %dma_start3A_317 : memref<1x128xi32, #tpu.memory_space<vmem>> -> memref<128xi32, #tpu.memory_space<vmem>>
      %dma_start3A_319 = arith.constant 0 : i32
      %dma_start3A_320 = arith.constant 0 : i32
      %dma_start3A_321 = tpu.memref_slice %arg18[%dma_start3A_319, %dma_start3A_320] : memref<10000x32xf32, #tpu.memory_space<vmem_shared>> -> memref<10000x32xf32, #tpu.memory_space<vmem_shared>>
      tpu.enqueue_indirect_dma source(%arg10 : memref<128x32xf32, #tpu.memory_space<vmem>>) target(%dma_start3A_321 : memref<10000x32xf32, #tpu.memory_space<vmem_shared>>) offsets(%dma_start3A_318 : memref<128xi32, #tpu.memory_space<vmem>>) semaphore(%arg29 : memref<!tpu.dma_semaphore, #tpu.memory_space<semaphore_mem>>) {add = true}
      %ge3A_322 = arith.constant 4 : i32
      %ge3A_323 = arith.cmpi sge, %add3A_309, %ge3A_322 : i32
      %add3A_324 = arith.constant 4 : i32
      %add3A_325 = arith.addi %add3A_309, %add3A_324 : i32
      %lt3A_326 = arith.constant 160 : i32
      %lt3A_327 = arith.cmpi slt, %add3A_325, %lt3A_326 : i32
      %and3A_328 = arith.andi %ge3A_323, %lt3A_327 : i1
      %convert_element_type3A_329 = arith.extui %and3A_328 : i1 to i32
      %cond3A_330 = arith.constant 0 : i32
      %cond3A_331 = arith.cmpi ne, %convert_element_type3A_329, %cond3A_330 : i32
      scf.if %cond3A_331 {
        %sub3A = arith.constant 4 : i32
        %sub3A_452 = arith.subi %add3A_309, %sub3A : i32
        %dma_wait3A_453 = arith.constant 0 : i32
        %dma_wait3A_454 = tpu.memref_slice %arg7[%sub3A_452, %dma_wait3A_453] : memref<160x128xi32, #tpu.memory_space<vmem>> -> memref<1x128xi32, #tpu.memory_space<vmem>>
        %dma_wait3A_455 = tpu.memref_squeeze %dma_wait3A_454 : memref<1x128xi32, #tpu.memory_space<vmem>> -> memref<128xi32, #tpu.memory_space<vmem>>
        %dma_wait3A_456 = arith.constant 0 : i32
        %dma_wait3A_457 = arith.constant 0 : i32
        %dma_wait3A_458 = tpu.memref_slice %arg18[%dma_wait3A_456, %dma_wait3A_457] : memref<10000x32xf32, #tpu.memory_space<vmem_shared>> -> memref<10000x32xf32, #tpu.memory_space<vmem_shared>>
        tpu.wait_indirect_dma semaphore(%arg33 : memref<!tpu.dma_semaphore, #tpu.memory_space<semaphore_mem>>) src(%arg14 : memref<128x32xf32, #tpu.memory_space<vmem>>) dst(%dma_wait3A_458 : memref<10000x32xf32, #tpu.memory_space<vmem_shared>>)
        %add3A_459 = arith.constant 4 : i32
        %add3A_460 = arith.addi %add3A_309, %add3A_459 : i32
        %dma_start3A_461 = arith.constant 0 : i32
        %dma_start3A_462 = tpu.memref_slice %arg6[%add3A_460, %dma_start3A_461] : memref<160x128xi32, #tpu.memory_space<vmem>> -> memref<1x128xi32, #tpu.memory_space<vmem>>
        %dma_start3A_463 = tpu.memref_squeeze %dma_start3A_462 : memref<1x128xi32, #tpu.memory_space<vmem>> -> memref<128xi32, #tpu.memory_space<vmem>>
        %dma_start3A_464 = arith.constant 0 : i32
        %dma_start3A_465 = arith.constant 0 : i32
        %dma_start3A_466 = tpu.memref_slice %arg17[%dma_start3A_464, %dma_start3A_465] : memref<10016x32xf32, #tpu.memory_space<vmem_shared>> -> memref<10016x32xf32, #tpu.memory_space<vmem_shared>>
        tpu.enqueue_indirect_dma source(%dma_start3A_466 : memref<10016x32xf32, #tpu.memory_space<vmem_shared>>) target(%arg14 : memref<128x32xf32, #tpu.memory_space<vmem>>) offsets(%dma_start3A_463 : memref<128xi32, #tpu.memory_space<vmem>>) semaphore(%arg25 : memref<!tpu.dma_semaphore, #tpu.memory_space<semaphore_mem>>)
      } else {
      }
      %add3A_332 = arith.constant 3 : i32
      %add3A_333 = arith.addi %add3A_264, %add3A_332 : i32
      %dma_wait3A_334 = arith.constant 0 : i32
      %dma_wait3A_335 = tpu.memref_slice %arg6[%add3A_333, %dma_wait3A_334] : memref<160x128xi32, #tpu.memory_space<vmem>> -> memref<1x128xi32, #tpu.memory_space<vmem>>
      %dma_wait3A_336 = tpu.memref_squeeze %dma_wait3A_335 : memref<1x128xi32, #tpu.memory_space<vmem>> -> memref<128xi32, #tpu.memory_space<vmem>>
      %dma_wait3A_337 = arith.constant 0 : i32
      %dma_wait3A_338 = arith.constant 0 : i32
      %dma_wait3A_339 = tpu.memref_slice %arg17[%dma_wait3A_337, %dma_wait3A_338] : memref<10016x32xf32, #tpu.memory_space<vmem_shared>> -> memref<10016x32xf32, #tpu.memory_space<vmem_shared>>
      tpu.wait_indirect_dma semaphore(%arg22 : memref<!tpu.dma_semaphore, #tpu.memory_space<semaphore_mem>>) src(%dma_wait3A_339 : memref<10016x32xf32, #tpu.memory_space<vmem_shared>>) dst(%arg11 : memref<128x32xf32, #tpu.memory_space<vmem>>)
      %dma_start3A_340 = arith.constant 0 : i32
      %dma_start3A_341 = tpu.memref_slice %arg7[%add3A_333, %dma_start3A_340] : memref<160x128xi32, #tpu.memory_space<vmem>> -> memref<1x128xi32, #tpu.memory_space<vmem>>
      %dma_start3A_342 = tpu.memref_squeeze %dma_start3A_341 : memref<1x128xi32, #tpu.memory_space<vmem>> -> memref<128xi32, #tpu.memory_space<vmem>>
      %dma_start3A_343 = arith.constant 0 : i32
      %dma_start3A_344 = arith.constant 0 : i32
      %dma_start3A_345 = tpu.memref_slice %arg18[%dma_start3A_343, %dma_start3A_344] : memref<10000x32xf32, #tpu.memory_space<vmem_shared>> -> memref<10000x32xf32, #tpu.memory_space<vmem_shared>>
      tpu.enqueue_indirect_dma source(%arg11 : memref<128x32xf32, #tpu.memory_space<vmem>>) target(%dma_start3A_345 : memref<10000x32xf32, #tpu.memory_space<vmem_shared>>) offsets(%dma_start3A_342 : memref<128xi32, #tpu.memory_space<vmem>>) semaphore(%arg30 : memref<!tpu.dma_semaphore, #tpu.memory_space<semaphore_mem>>) {add = true}
      %ge3A_346 = arith.constant 4 : i32
      %ge3A_347 = arith.cmpi sge, %add3A_333, %ge3A_346 : i32
      %add3A_348 = arith.constant 4 : i32
      %add3A_349 = arith.addi %add3A_333, %add3A_348 : i32
      %lt3A_350 = arith.constant 160 : i32
      %lt3A_351 = arith.cmpi slt, %add3A_349, %lt3A_350 : i32
      %and3A_352 = arith.andi %ge3A_347, %lt3A_351 : i1
      %convert_element_type3A_353 = arith.extui %and3A_352 : i1 to i32
      %cond3A_354 = arith.constant 0 : i32
      %cond3A_355 = arith.cmpi ne, %convert_element_type3A_353, %cond3A_354 : i32
      scf.if %cond3A_355 {
        %sub3A = arith.constant 4 : i32
        %sub3A_452 = arith.subi %add3A_333, %sub3A : i32
        %dma_wait3A_453 = arith.constant 0 : i32
        %dma_wait3A_454 = tpu.memref_slice %arg7[%sub3A_452, %dma_wait3A_453] : memref<160x128xi32, #tpu.memory_space<vmem>> -> memref<1x128xi32, #tpu.memory_space<vmem>>
        %dma_wait3A_455 = tpu.memref_squeeze %dma_wait3A_454 : memref<1x128xi32, #tpu.memory_space<vmem>> -> memref<128xi32, #tpu.memory_space<vmem>>
        %dma_wait3A_456 = arith.constant 0 : i32
        %dma_wait3A_457 = arith.constant 0 : i32
        %dma_wait3A_458 = tpu.memref_slice %arg18[%dma_wait3A_456, %dma_wait3A_457] : memref<10000x32xf32, #tpu.memory_space<vmem_shared>> -> memref<10000x32xf32, #tpu.memory_space<vmem_shared>>
        tpu.wait_indirect_dma semaphore(%arg34 : memref<!tpu.dma_semaphore, #tpu.memory_space<semaphore_mem>>) src(%arg15 : memref<128x32xf32, #tpu.memory_space<vmem>>) dst(%dma_wait3A_458 : memref<10000x32xf32, #tpu.memory_space<vmem_shared>>)
        %add3A_459 = arith.constant 4 : i32
        %add3A_460 = arith.addi %add3A_333, %add3A_459 : i32
        %dma_start3A_461 = arith.constant 0 : i32
        %dma_start3A_462 = tpu.memref_slice %arg6[%add3A_460, %dma_start3A_461] : memref<160x128xi32, #tpu.memory_space<vmem>> -> memref<1x128xi32, #tpu.memory_space<vmem>>
        %dma_start3A_463 = tpu.memref_squeeze %dma_start3A_462 : memref<1x128xi32, #tpu.memory_space<vmem>> -> memref<128xi32, #tpu.memory_space<vmem>>
        %dma_start3A_464 = arith.constant 0 : i32
        %dma_start3A_465 = arith.constant 0 : i32
        %dma_start3A_466 = tpu.memref_slice %arg17[%dma_start3A_464, %dma_start3A_465] : memref<10016x32xf32, #tpu.memory_space<vmem_shared>> -> memref<10016x32xf32, #tpu.memory_space<vmem_shared>>
        tpu.enqueue_indirect_dma source(%dma_start3A_466 : memref<10016x32xf32, #tpu.memory_space<vmem_shared>>) target(%arg15 : memref<128x32xf32, #tpu.memory_space<vmem>>) offsets(%dma_start3A_463 : memref<128xi32, #tpu.memory_space<vmem>>) semaphore(%arg26 : memref<!tpu.dma_semaphore, #tpu.memory_space<semaphore_mem>>)
      } else {
      }
      %add3A_356 = arith.constant 4 : i32
      %add3A_357 = arith.addi %add3A_264, %add3A_356 : i32
      %dma_wait3A_358 = arith.constant 0 : i32
      %dma_wait3A_359 = tpu.memref_slice %arg6[%add3A_357, %dma_wait3A_358] : memref<160x128xi32, #tpu.memory_space<vmem>> -> memref<1x128xi32, #tpu.memory_space<vmem>>
      %dma_wait3A_360 = tpu.memref_squeeze %dma_wait3A_359 : memref<1x128xi32, #tpu.memory_space<vmem>> -> memref<128xi32, #tpu.memory_space<vmem>>
      %dma_wait3A_361 = arith.constant 0 : i32
      %dma_wait3A_362 = arith.constant 0 : i32
      %dma_wait3A_363 = tpu.memref_slice %arg17[%dma_wait3A_361, %dma_wait3A_362] : memref<10016x32xf32, #tpu.memory_space<vmem_shared>> -> memref<10016x32xf32, #tpu.memory_space<vmem_shared>>
      tpu.wait_indirect_dma semaphore(%arg23 : memref<!tpu.dma_semaphore, #tpu.memory_space<semaphore_mem>>) src(%dma_wait3A_363 : memref<10016x32xf32, #tpu.memory_space<vmem_shared>>) dst(%arg12 : memref<128x32xf32, #tpu.memory_space<vmem>>)
      %dma_start3A_364 = arith.constant 0 : i32
      %dma_start3A_365 = tpu.memref_slice %arg7[%add3A_357, %dma_start3A_364] : memref<160x128xi32, #tpu.memory_space<vmem>> -> memref<1x128xi32, #tpu.memory_space<vmem>>
      %dma_start3A_366 = tpu.memref_squeeze %dma_start3A_365 : memref<1x128xi32, #tpu.memory_space<vmem>> -> memref<128xi32, #tpu.memory_space<vmem>>
      %dma_start3A_367 = arith.constant 0 : i32
      %dma_start3A_368 = arith.constant 0 : i32
      %dma_start3A_369 = tpu.memref_slice %arg18[%dma_start3A_367, %dma_start3A_368] : memref<10000x32xf32, #tpu.memory_space<vmem_shared>> -> memref<10000x32xf32, #tpu.memory_space<vmem_shared>>
      tpu.enqueue_indirect_dma source(%arg12 : memref<128x32xf32, #tpu.memory_space<vmem>>) target(%dma_start3A_369 : memref<10000x32xf32, #tpu.memory_space<vmem_shared>>) offsets(%dma_start3A_366 : memref<128xi32, #tpu.memory_space<vmem>>) semaphore(%arg31 : memref<!tpu.dma_semaphore, #tpu.memory_space<semaphore_mem>>) {add = true}
      %ge3A_370 = arith.constant 4 : i32
      %ge3A_371 = arith.cmpi sge, %add3A_357, %ge3A_370 : i32
      %add3A_372 = arith.constant 4 : i32
      %add3A_373 = arith.addi %add3A_357, %add3A_372 : i32
      %lt3A_374 = arith.constant 160 : i32
      %lt3A_375 = arith.cmpi slt, %add3A_373, %lt3A_374 : i32
      %and3A_376 = arith.andi %ge3A_371, %lt3A_375 : i1
      %convert_element_type3A_377 = arith.extui %and3A_376 : i1 to i32
      %cond3A_378 = arith.constant 0 : i32
      %cond3A_379 = arith.cmpi ne, %convert_element_type3A_377, %cond3A_378 : i32
      scf.if %cond3A_379 {
        %sub3A = arith.constant 4 : i32
        %sub3A_452 = arith.subi %add3A_357, %sub3A : i32
        %dma_wait3A_453 = arith.constant 0 : i32
        %dma_wait3A_454 = tpu.memref_slice %arg7[%sub3A_452, %dma_wait3A_453] : memref<160x128xi32, #tpu.memory_space<vmem>> -> memref<1x128xi32, #tpu.memory_space<vmem>>
        %dma_wait3A_455 = tpu.memref_squeeze %dma_wait3A_454 : memref<1x128xi32, #tpu.memory_space<vmem>> -> memref<128xi32, #tpu.memory_space<vmem>>
        %dma_wait3A_456 = arith.constant 0 : i32
        %dma_wait3A_457 = arith.constant 0 : i32
        %dma_wait3A_458 = tpu.memref_slice %arg18[%dma_wait3A_456, %dma_wait3A_457] : memref<10000x32xf32, #tpu.memory_space<vmem_shared>> -> memref<10000x32xf32, #tpu.memory_space<vmem_shared>>
        tpu.wait_indirect_dma semaphore(%arg27 : memref<!tpu.dma_semaphore, #tpu.memory_space<semaphore_mem>>) src(%arg8 : memref<128x32xf32, #tpu.memory_space<vmem>>) dst(%dma_wait3A_458 : memref<10000x32xf32, #tpu.memory_space<vmem_shared>>)
        %add3A_459 = arith.constant 4 : i32
        %add3A_460 = arith.addi %add3A_357, %add3A_459 : i32
        %dma_start3A_461 = arith.constant 0 : i32
        %dma_start3A_462 = tpu.memref_slice %arg6[%add3A_460, %dma_start3A_461] : memref<160x128xi32, #tpu.memory_space<vmem>> -> memref<1x128xi32, #tpu.memory_space<vmem>>
        %dma_start3A_463 = tpu.memref_squeeze %dma_start3A_462 : memref<1x128xi32, #tpu.memory_space<vmem>> -> memref<128xi32, #tpu.memory_space<vmem>>
        %dma_start3A_464 = arith.constant 0 : i32
        %dma_start3A_465 = arith.constant 0 : i32
        %dma_start3A_466 = tpu.memref_slice %arg17[%dma_start3A_464, %dma_start3A_465] : memref<10016x32xf32, #tpu.memory_space<vmem_shared>> -> memref<10016x32xf32, #tpu.memory_space<vmem_shared>>
        tpu.enqueue_indirect_dma source(%dma_start3A_466 : memref<10016x32xf32, #tpu.memory_space<vmem_shared>>) target(%arg8 : memref<128x32xf32, #tpu.memory_space<vmem>>) offsets(%dma_start3A_463 : memref<128xi32, #tpu.memory_space<vmem>>) semaphore(%arg19 : memref<!tpu.dma_semaphore, #tpu.memory_space<semaphore_mem>>)
      } else {
      }
      %add3A_380 = arith.constant 5 : i32
      %add3A_381 = arith.addi %add3A_264, %add3A_380 : i32
      %dma_wait3A_382 = arith.constant 0 : i32
      %dma_wait3A_383 = tpu.memref_slice %arg6[%add3A_381, %dma_wait3A_382] : memref<160x128xi32, #tpu.memory_space<vmem>> -> memref<1x128xi32, #tpu.memory_space<vmem>>
      %dma_wait3A_384 = tpu.memref_squeeze %dma_wait3A_383 : memref<1x128xi32, #tpu.memory_space<vmem>> -> memref<128xi32, #tpu.memory_space<vmem>>
      %dma_wait3A_385 = arith.constant 0 : i32
      %dma_wait3A_386 = arith.constant 0 : i32
      %dma_wait3A_387 = tpu.memref_slice %arg17[%dma_wait3A_385, %dma_wait3A_386] : memref<10016x32xf32, #tpu.memory_space<vmem_shared>> -> memref<10016x32xf32, #tpu.memory_space<vmem_shared>>
      tpu.wait_indirect_dma semaphore(%arg24 : memref<!tpu.dma_semaphore, #tpu.memory_space<semaphore_mem>>) src(%dma_wait3A_387 : memref<10016x32xf32, #tpu.memory_space<vmem_shared>>) dst(%arg13 : memref<128x32xf32, #tpu.memory_space<vmem>>)
      %dma_start3A_388 = arith.constant 0 : i32
      %dma_start3A_389 = tpu.memref_slice %arg7[%add3A_381, %dma_start3A_388] : memref<160x128xi32, #tpu.memory_space<vmem>> -> memref<1x128xi32, #tpu.memory_space<vmem>>
      %dma_start3A_390 = tpu.memref_squeeze %dma_start3A_389 : memref<1x128xi32, #tpu.memory_space<vmem>> -> memref<128xi32, #tpu.memory_space<vmem>>
      %dma_start3A_391 = arith.constant 0 : i32
      %dma_start3A_392 = arith.constant 0 : i32
      %dma_start3A_393 = tpu.memref_slice %arg18[%dma_start3A_391, %dma_start3A_392] : memref<10000x32xf32, #tpu.memory_space<vmem_shared>> -> memref<10000x32xf32, #tpu.memory_space<vmem_shared>>
      tpu.enqueue_indirect_dma source(%arg13 : memref<128x32xf32, #tpu.memory_space<vmem>>) target(%dma_start3A_393 : memref<10000x32xf32, #tpu.memory_space<vmem_shared>>) offsets(%dma_start3A_390 : memref<128xi32, #tpu.memory_space<vmem>>) semaphore(%arg32 : memref<!tpu.dma_semaphore, #tpu.memory_space<semaphore_mem>>) {add = true}
      %ge3A_394 = arith.constant 4 : i32
      %ge3A_395 = arith.cmpi sge, %add3A_381, %ge3A_394 : i32
      %add3A_396 = arith.constant 4 : i32
      %add3A_397 = arith.addi %add3A_381, %add3A_396 : i32
      %lt3A_398 = arith.constant 160 : i32
      %lt3A_399 = arith.cmpi slt, %add3A_397, %lt3A_398 : i32
      %and3A_400 = arith.andi %ge3A_395, %lt3A_399 : i1
      %convert_element_type3A_401 = arith.extui %and3A_400 : i1 to i32
      %cond3A_402 = arith.constant 0 : i32
      %cond3A_403 = arith.cmpi ne, %convert_element_type3A_401, %cond3A_402 : i32
      scf.if %cond3A_403 {
        %sub3A = arith.constant 4 : i32
        %sub3A_452 = arith.subi %add3A_381, %sub3A : i32
        %dma_wait3A_453 = arith.constant 0 : i32
        %dma_wait3A_454 = tpu.memref_slice %arg7[%sub3A_452, %dma_wait3A_453] : memref<160x128xi32, #tpu.memory_space<vmem>> -> memref<1x128xi32, #tpu.memory_space<vmem>>
        %dma_wait3A_455 = tpu.memref_squeeze %dma_wait3A_454 : memref<1x128xi32, #tpu.memory_space<vmem>> -> memref<128xi32, #tpu.memory_space<vmem>>
        %dma_wait3A_456 = arith.constant 0 : i32
        %dma_wait3A_457 = arith.constant 0 : i32
        %dma_wait3A_458 = tpu.memref_slice %arg18[%dma_wait3A_456, %dma_wait3A_457] : memref<10000x32xf32, #tpu.memory_space<vmem_shared>> -> memref<10000x32xf32, #tpu.memory_space<vmem_shared>>
        tpu.wait_indirect_dma semaphore(%arg28 : memref<!tpu.dma_semaphore, #tpu.memory_space<semaphore_mem>>) src(%arg9 : memref<128x32xf32, #tpu.memory_space<vmem>>) dst(%dma_wait3A_458 : memref<10000x32xf32, #tpu.memory_space<vmem_shared>>)
        %add3A_459 = arith.constant 4 : i32
        %add3A_460 = arith.addi %add3A_381, %add3A_459 : i32
        %dma_start3A_461 = arith.constant 0 : i32
        %dma_start3A_462 = tpu.memref_slice %arg6[%add3A_460, %dma_start3A_461] : memref<160x128xi32, #tpu.memory_space<vmem>> -> memref<1x128xi32, #tpu.memory_space<vmem>>
        %dma_start3A_463 = tpu.memref_squeeze %dma_start3A_462 : memref<1x128xi32, #tpu.memory_space<vmem>> -> memref<128xi32, #tpu.memory_space<vmem>>
        %dma_start3A_464 = arith.constant 0 : i32
        %dma_start3A_465 = arith.constant 0 : i32
        %dma_start3A_466 = tpu.memref_slice %arg17[%dma_start3A_464, %dma_start3A_465] : memref<10016x32xf32, #tpu.memory_space<vmem_shared>> -> memref<10016x32xf32, #tpu.memory_space<vmem_shared>>
        tpu.enqueue_indirect_dma source(%dma_start3A_466 : memref<10016x32xf32, #tpu.memory_space<vmem_shared>>) target(%arg9 : memref<128x32xf32, #tpu.memory_space<vmem>>) offsets(%dma_start3A_463 : memref<128xi32, #tpu.memory_space<vmem>>) semaphore(%arg20 : memref<!tpu.dma_semaphore, #tpu.memory_space<semaphore_mem>>)
      } else {
      }
      %add3A_404 = arith.constant 6 : i32
      %add3A_405 = arith.addi %add3A_264, %add3A_404 : i32
      %dma_wait3A_406 = arith.constant 0 : i32
      %dma_wait3A_407 = tpu.memref_slice %arg6[%add3A_405, %dma_wait3A_406] : memref<160x128xi32, #tpu.memory_space<vmem>> -> memref<1x128xi32, #tpu.memory_space<vmem>>
      %dma_wait3A_408 = tpu.memref_squeeze %dma_wait3A_407 : memref<1x128xi32, #tpu.memory_space<vmem>> -> memref<128xi32, #tpu.memory_space<vmem>>
      %dma_wait3A_409 = arith.constant 0 : i32
      %dma_wait3A_410 = arith.constant 0 : i32
      %dma_wait3A_411 = tpu.memref_slice %arg17[%dma_wait3A_409, %dma_wait3A_410] : memref<10016x32xf32, #tpu.memory_space<vmem_shared>> -> memref<10016x32xf32, #tpu.memory_space<vmem_shared>>
      tpu.wait_indirect_dma semaphore(%arg25 : memref<!tpu.dma_semaphore, #tpu.memory_space<semaphore_mem>>) src(%dma_wait3A_411 : memref<10016x32xf32, #tpu.memory_space<vmem_shared>>) dst(%arg14 : memref<128x32xf32, #tpu.memory_space<vmem>>)
      %dma_start3A_412 = arith.constant 0 : i32
      %dma_start3A_413 = tpu.memref_slice %arg7[%add3A_405, %dma_start3A_412] : memref<160x128xi32, #tpu.memory_space<vmem>> -> memref<1x128xi32, #tpu.memory_space<vmem>>
      %dma_start3A_414 = tpu.memref_squeeze %dma_start3A_413 : memref<1x128xi32, #tpu.memory_space<vmem>> -> memref<128xi32, #tpu.memory_space<vmem>>
      %dma_start3A_415 = arith.constant 0 : i32
      %dma_start3A_416 = arith.constant 0 : i32
      %dma_start3A_417 = tpu.memref_slice %arg18[%dma_start3A_415, %dma_start3A_416] : memref<10000x32xf32, #tpu.memory_space<vmem_shared>> -> memref<10000x32xf32, #tpu.memory_space<vmem_shared>>
      tpu.enqueue_indirect_dma source(%arg14 : memref<128x32xf32, #tpu.memory_space<vmem>>) target(%dma_start3A_417 : memref<10000x32xf32, #tpu.memory_space<vmem_shared>>) offsets(%dma_start3A_414 : memref<128xi32, #tpu.memory_space<vmem>>) semaphore(%arg33 : memref<!tpu.dma_semaphore, #tpu.memory_space<semaphore_mem>>) {add = true}
      %ge3A_418 = arith.constant 4 : i32
      %ge3A_419 = arith.cmpi sge, %add3A_405, %ge3A_418 : i32
      %add3A_420 = arith.constant 4 : i32
      %add3A_421 = arith.addi %add3A_405, %add3A_420 : i32
      %lt3A_422 = arith.constant 160 : i32
      %lt3A_423 = arith.cmpi slt, %add3A_421, %lt3A_422 : i32
      %and3A_424 = arith.andi %ge3A_419, %lt3A_423 : i1
      %convert_element_type3A_425 = arith.extui %and3A_424 : i1 to i32
      %cond3A_426 = arith.constant 0 : i32
      %cond3A_427 = arith.cmpi ne, %convert_element_type3A_425, %cond3A_426 : i32
      scf.if %cond3A_427 {
        %sub3A = arith.constant 4 : i32
        %sub3A_452 = arith.subi %add3A_405, %sub3A : i32
        %dma_wait3A_453 = arith.constant 0 : i32
        %dma_wait3A_454 = tpu.memref_slice %arg7[%sub3A_452, %dma_wait3A_453] : memref<160x128xi32, #tpu.memory_space<vmem>> -> memref<1x128xi32, #tpu.memory_space<vmem>>
        %dma_wait3A_455 = tpu.memref_squeeze %dma_wait3A_454 : memref<1x128xi32, #tpu.memory_space<vmem>> -> memref<128xi32, #tpu.memory_space<vmem>>
        %dma_wait3A_456 = arith.constant 0 : i32
        %dma_wait3A_457 = arith.constant 0 : i32
        %dma_wait3A_458 = tpu.memref_slice %arg18[%dma_wait3A_456, %dma_wait3A_457] : memref<10000x32xf32, #tpu.memory_space<vmem_shared>> -> memref<10000x32xf32, #tpu.memory_space<vmem_shared>>
        tpu.wait_indirect_dma semaphore(%arg29 : memref<!tpu.dma_semaphore, #tpu.memory_space<semaphore_mem>>) src(%arg10 : memref<128x32xf32, #tpu.memory_space<vmem>>) dst(%dma_wait3A_458 : memref<10000x32xf32, #tpu.memory_space<vmem_shared>>)
        %add3A_459 = arith.constant 4 : i32
        %add3A_460 = arith.addi %add3A_405, %add3A_459 : i32
        %dma_start3A_461 = arith.constant 0 : i32
        %dma_start3A_462 = tpu.memref_slice %arg6[%add3A_460, %dma_start3A_461] : memref<160x128xi32, #tpu.memory_space<vmem>> -> memref<1x128xi32, #tpu.memory_space<vmem>>
        %dma_start3A_463 = tpu.memref_squeeze %dma_start3A_462 : memref<1x128xi32, #tpu.memory_space<vmem>> -> memref<128xi32, #tpu.memory_space<vmem>>
        %dma_start3A_464 = arith.constant 0 : i32
        %dma_start3A_465 = arith.constant 0 : i32
        %dma_start3A_466 = tpu.memref_slice %arg17[%dma_start3A_464, %dma_start3A_465] : memref<10016x32xf32, #tpu.memory_space<vmem_shared>> -> memref<10016x32xf32, #tpu.memory_space<vmem_shared>>
        tpu.enqueue_indirect_dma source(%dma_start3A_466 : memref<10016x32xf32, #tpu.memory_space<vmem_shared>>) target(%arg10 : memref<128x32xf32, #tpu.memory_space<vmem>>) offsets(%dma_start3A_463 : memref<128xi32, #tpu.memory_space<vmem>>) semaphore(%arg21 : memref<!tpu.dma_semaphore, #tpu.memory_space<semaphore_mem>>)
      } else {
      }
      %add3A_428 = arith.constant 7 : i32
      %add3A_429 = arith.addi %add3A_264, %add3A_428 : i32
      %dma_wait3A_430 = arith.constant 0 : i32
      %dma_wait3A_431 = tpu.memref_slice %arg6[%add3A_429, %dma_wait3A_430] : memref<160x128xi32, #tpu.memory_space<vmem>> -> memref<1x128xi32, #tpu.memory_space<vmem>>
      %dma_wait3A_432 = tpu.memref_squeeze %dma_wait3A_431 : memref<1x128xi32, #tpu.memory_space<vmem>> -> memref<128xi32, #tpu.memory_space<vmem>>
      %dma_wait3A_433 = arith.constant 0 : i32
      %dma_wait3A_434 = arith.constant 0 : i32
      %dma_wait3A_435 = tpu.memref_slice %arg17[%dma_wait3A_433, %dma_wait3A_434] : memref<10016x32xf32, #tpu.memory_space<vmem_shared>> -> memref<10016x32xf32, #tpu.memory_space<vmem_shared>>
      tpu.wait_indirect_dma semaphore(%arg26 : memref<!tpu.dma_semaphore, #tpu.memory_space<semaphore_mem>>) src(%dma_wait3A_435 : memref<10016x32xf32, #tpu.memory_space<vmem_shared>>) dst(%arg15 : memref<128x32xf32, #tpu.memory_space<vmem>>)
      %dma_start3A_436 = arith.constant 0 : i32
      %dma_start3A_437 = tpu.memref_slice %arg7[%add3A_429, %dma_start3A_436] : memref<160x128xi32, #tpu.memory_space<vmem>> -> memref<1x128xi32, #tpu.memory_space<vmem>>
      %dma_start3A_438 = tpu.memref_squeeze %dma_start3A_437 : memref<1x128xi32, #tpu.memory_space<vmem>> -> memref<128xi32, #tpu.memory_space<vmem>>
      %dma_start3A_439 = arith.constant 0 : i32
      %dma_start3A_440 = arith.constant 0 : i32
      %dma_start3A_441 = tpu.memref_slice %arg18[%dma_start3A_439, %dma_start3A_440] : memref<10000x32xf32, #tpu.memory_space<vmem_shared>> -> memref<10000x32xf32, #tpu.memory_space<vmem_shared>>
      tpu.enqueue_indirect_dma source(%arg15 : memref<128x32xf32, #tpu.memory_space<vmem>>) target(%dma_start3A_441 : memref<10000x32xf32, #tpu.memory_space<vmem_shared>>) offsets(%dma_start3A_438 : memref<128xi32, #tpu.memory_space<vmem>>) semaphore(%arg34 : memref<!tpu.dma_semaphore, #tpu.memory_space<semaphore_mem>>) {add = true}
      %ge3A_442 = arith.constant 4 : i32
      %ge3A_443 = arith.cmpi sge, %add3A_429, %ge3A_442 : i32
      %add3A_444 = arith.constant 4 : i32
      %add3A_445 = arith.addi %add3A_429, %add3A_444 : i32
      %lt3A_446 = arith.constant 160 : i32
      %lt3A_447 = arith.cmpi slt, %add3A_445, %lt3A_446 : i32
      %and3A_448 = arith.andi %ge3A_443, %lt3A_447 : i1
      %convert_element_type3A_449 = arith.extui %and3A_448 : i1 to i32
      %cond3A_450 = arith.constant 0 : i32
      %cond3A_451 = arith.cmpi ne, %convert_element_type3A_449, %cond3A_450 : i32
      scf.if %cond3A_451 {
        %sub3A = arith.constant 4 : i32
        %sub3A_452 = arith.subi %add3A_429, %sub3A : i32
        %dma_wait3A_453 = arith.constant 0 : i32
        %dma_wait3A_454 = tpu.memref_slice %arg7[%sub3A_452, %dma_wait3A_453] : memref<160x128xi32, #tpu.memory_space<vmem>> -> memref<1x128xi32, #tpu.memory_space<vmem>>
        %dma_wait3A_455 = tpu.memref_squeeze %dma_wait3A_454 : memref<1x128xi32, #tpu.memory_space<vmem>> -> memref<128xi32, #tpu.memory_space<vmem>>
        %dma_wait3A_456 = arith.constant 0 : i32
        %dma_wait3A_457 = arith.constant 0 : i32
        %dma_wait3A_458 = tpu.memref_slice %arg18[%dma_wait3A_456, %dma_wait3A_457] : memref<10000x32xf32, #tpu.memory_space<vmem_shared>> -> memref<10000x32xf32, #tpu.memory_space<vmem_shared>>
        tpu.wait_indirect_dma semaphore(%arg30 : memref<!tpu.dma_semaphore, #tpu.memory_space<semaphore_mem>>) src(%arg11 : memref<128x32xf32, #tpu.memory_space<vmem>>) dst(%dma_wait3A_458 : memref<10000x32xf32, #tpu.memory_space<vmem_shared>>)
        %add3A_459 = arith.constant 4 : i32
        %add3A_460 = arith.addi %add3A_429, %add3A_459 : i32
        %dma_start3A_461 = arith.constant 0 : i32
        %dma_start3A_462 = tpu.memref_slice %arg6[%add3A_460, %dma_start3A_461] : memref<160x128xi32, #tpu.memory_space<vmem>> -> memref<1x128xi32, #tpu.memory_space<vmem>>
        %dma_start3A_463 = tpu.memref_squeeze %dma_start3A_462 : memref<1x128xi32, #tpu.memory_space<vmem>> -> memref<128xi32, #tpu.memory_space<vmem>>
        %dma_start3A_464 = arith.constant 0 : i32
        %dma_start3A_465 = arith.constant 0 : i32
        %dma_start3A_466 = tpu.memref_slice %arg17[%dma_start3A_464, %dma_start3A_465] : memref<10016x32xf32, #tpu.memory_space<vmem_shared>> -> memref<10016x32xf32, #tpu.memory_space<vmem_shared>>
        tpu.enqueue_indirect_dma source(%dma_start3A_466 : memref<10016x32xf32, #tpu.memory_space<vmem_shared>>) target(%arg11 : memref<128x32xf32, #tpu.memory_space<vmem>>) offsets(%dma_start3A_463 : memref<128xi32, #tpu.memory_space<vmem>>) semaphore(%arg22 : memref<!tpu.dma_semaphore, #tpu.memory_space<semaphore_mem>>)
      } else {
      }
    }
    %scan3A_74 = arith.constant 20 : i32
    %dma_wait3A = arith.constant 152 : i32
    %dma_wait3A_75 = arith.constant 0 : i32
    %dma_wait3A_76 = tpu.memref_slice %arg7[%dma_wait3A, %dma_wait3A_75] : memref<160x128xi32, #tpu.memory_space<vmem>> -> memref<1x128xi32, #tpu.memory_space<vmem>>
    %dma_wait3A_77 = tpu.memref_squeeze %dma_wait3A_76 : memref<1x128xi32, #tpu.memory_space<vmem>> -> memref<128xi32, #tpu.memory_space<vmem>>
    %dma_wait3A_78 = arith.constant 0 : i32
    %dma_wait3A_79 = arith.constant 0 : i32
    %dma_wait3A_80 = tpu.memref_slice %arg18[%dma_wait3A_78, %dma_wait3A_79] : memref<10000x32xf32, #tpu.memory_space<vmem_shared>> -> memref<10000x32xf32, #tpu.memory_space<vmem_shared>>
    tpu.wait_indirect_dma semaphore(%arg27 : memref<!tpu.dma_semaphore, #tpu.memory_space<semaphore_mem>>) src(%arg8 : memref<128x32xf32, #tpu.memory_space<vmem>>) dst(%dma_wait3A_80 : memref<10000x32xf32, #tpu.memory_space<vmem_shared>>)
    %dma_wait3A_81 = arith.constant 153 : i32
    %dma_wait3A_82 = arith.constant 0 : i32
    %dma_wait3A_83 = tpu.memref_slice %arg7[%dma_wait3A_81, %dma_wait3A_82] : memref<160x128xi32, #tpu.memory_space<vmem>> -> memref<1x128xi32, #tpu.memory_space<vmem>>
    %dma_wait3A_84 = tpu.memref_squeeze %dma_wait3A_83 : memref<1x128xi32, #tpu.memory_space<vmem>> -> memref<128xi32, #tpu.memory_space<vmem>>
    %dma_wait3A_85 = arith.constant 0 : i32
    %dma_wait3A_86 = arith.constant 0 : i32
    %dma_wait3A_87 = tpu.memref_slice %arg18[%dma_wait3A_85, %dma_wait3A_86] : memref<10000x32xf32, #tpu.memory_space<vmem_shared>> -> memref<10000x32xf32, #tpu.memory_space<vmem_shared>>
    tpu.wait_indirect_dma semaphore(%arg28 : memref<!tpu.dma_semaphore, #tpu.memory_space<semaphore_mem>>) src(%arg9 : memref<128x32xf32, #tpu.memory_space<vmem>>) dst(%dma_wait3A_87 : memref<10000x32xf32, #tpu.memory_space<vmem_shared>>)
    %dma_wait3A_88 = arith.constant 154 : i32
    %dma_wait3A_89 = arith.constant 0 : i32
    %dma_wait3A_90 = tpu.memref_slice %arg7[%dma_wait3A_88, %dma_wait3A_89] : memref<160x128xi32, #tpu.memory_space<vmem>> -> memref<1x128xi32, #tpu.memory_space<vmem>>
    %dma_wait3A_91 = tpu.memref_squeeze %dma_wait3A_90 : memref<1x128xi32, #tpu.memory_space<vmem>> -> memref<128xi32, #tpu.memory_space<vmem>>
    %dma_wait3A_92 = arith.constant 0 : i32
    %dma_wait3A_93 = arith.constant 0 : i32
    %dma_wait3A_94 = tpu.memref_slice %arg18[%dma_wait3A_92, %dma_wait3A_93] : memref<10000x32xf32, #tpu.memory_space<vmem_shared>> -> memref<10000x32xf32, #tpu.memory_space<vmem_shared>>
    tpu.wait_indirect_dma semaphore(%arg29 : memref<!tpu.dma_semaphore, #tpu.memory_space<semaphore_mem>>) src(%arg10 : memref<128x32xf32, #tpu.memory_space<vmem>>) dst(%dma_wait3A_94 : memref<10000x32xf32, #tpu.memory_space<vmem_shared>>)
    %dma_wait3A_95 = arith.constant 155 : i32
    %dma_wait3A_96 = arith.constant 0 : i32
    %dma_wait3A_97 = tpu.memref_slice %arg7[%dma_wait3A_95, %dma_wait3A_96] : memref<160x128xi32, #tpu.memory_space<vmem>> -> memref<1x128xi32, #tpu.memory_space<vmem>>
    %dma_wait3A_98 = tpu.memref_squeeze %dma_wait3A_97 : memref<1x128xi32, #tpu.memory_space<vmem>> -> memref<128xi32, #tpu.memory_space<vmem>>
    %dma_wait3A_99 = arith.constant 0 : i32
    %dma_wait3A_100 = arith.constant 0 : i32
    %dma_wait3A_101 = tpu.memref_slice %arg18[%dma_wait3A_99, %dma_wait3A_100] : memref<10000x32xf32, #tpu.memory_space<vmem_shared>> -> memref<10000x32xf32, #tpu.memory_space<vmem_shared>>
    tpu.wait_indirect_dma semaphore(%arg30 : memref<!tpu.dma_semaphore, #tpu.memory_space<semaphore_mem>>) src(%arg11 : memref<128x32xf32, #tpu.memory_space<vmem>>) dst(%dma_wait3A_101 : memref<10000x32xf32, #tpu.memory_space<vmem_shared>>)
    %dma_wait3A_102 = arith.constant 156 : i32
    %dma_wait3A_103 = arith.constant 0 : i32
    %dma_wait3A_104 = tpu.memref_slice %arg7[%dma_wait3A_102, %dma_wait3A_103] : memref<160x128xi32, #tpu.memory_space<vmem>> -> memref<1x128xi32, #tpu.memory_space<vmem>>
    %dma_wait3A_105 = tpu.memref_squeeze %dma_wait3A_104 : memref<1x128xi32, #tpu.memory_space<vmem>> -> memref<128xi32, #tpu.memory_space<vmem>>
    %dma_wait3A_106 = arith.constant 0 : i32
    %dma_wait3A_107 = arith.constant 0 : i32
    %dma_wait3A_108 = tpu.memref_slice %arg18[%dma_wait3A_106, %dma_wait3A_107] : memref<10000x32xf32, #tpu.memory_space<vmem_shared>> -> memref<10000x32xf32, #tpu.memory_space<vmem_shared>>
    tpu.wait_indirect_dma semaphore(%arg31 : memref<!tpu.dma_semaphore, #tpu.memory_space<semaphore_mem>>) src(%arg12 : memref<128x32xf32, #tpu.memory_space<vmem>>) dst(%dma_wait3A_108 : memref<10000x32xf32, #tpu.memory_space<vmem_shared>>)
    %dma_wait3A_109 = arith.constant 157 : i32
    %dma_wait3A_110 = arith.constant 0 : i32
    %dma_wait3A_111 = tpu.memref_slice %arg7[%dma_wait3A_109, %dma_wait3A_110] : memref<160x128xi32, #tpu.memory_space<vmem>> -> memref<1x128xi32, #tpu.memory_space<vmem>>
    %dma_wait3A_112 = tpu.memref_squeeze %dma_wait3A_111 : memref<1x128xi32, #tpu.memory_space<vmem>> -> memref<128xi32, #tpu.memory_space<vmem>>
    %dma_wait3A_113 = arith.constant 0 : i32
    %dma_wait3A_114 = arith.constant 0 : i32
    %dma_wait3A_115 = tpu.memref_slice %arg18[%dma_wait3A_113, %dma_wait3A_114] : memref<10000x32xf32, #tpu.memory_space<vmem_shared>> -> memref<10000x32xf32, #tpu.memory_space<vmem_shared>>
    tpu.wait_indirect_dma semaphore(%arg32 : memref<!tpu.dma_semaphore, #tpu.memory_space<semaphore_mem>>) src(%arg13 : memref<128x32xf32, #tpu.memory_space<vmem>>) dst(%dma_wait3A_115 : memref<10000x32xf32, #tpu.memory_space<vmem_shared>>)
    %dma_wait3A_116 = arith.constant 158 : i32
    %dma_wait3A_117 = arith.constant 0 : i32
    %dma_wait3A_118 = tpu.memref_slice %arg7[%dma_wait3A_116, %dma_wait3A_117] : memref<160x128xi32, #tpu.memory_space<vmem>> -> memref<1x128xi32, #tpu.memory_space<vmem>>
    %dma_wait3A_119 = tpu.memref_squeeze %dma_wait3A_118 : memref<1x128xi32, #tpu.memory_space<vmem>> -> memref<128xi32, #tpu.memory_space<vmem>>
    %dma_wait3A_120 = arith.constant 0 : i32
    %dma_wait3A_121 = arith.constant 0 : i32
    %dma_wait3A_122 = tpu.memref_slice %arg18[%dma_wait3A_120, %dma_wait3A_121] : memref<10000x32xf32, #tpu.memory_space<vmem_shared>> -> memref<10000x32xf32, #tpu.memory_space<vmem_shared>>
    tpu.wait_indirect_dma semaphore(%arg33 : memref<!tpu.dma_semaphore, #tpu.memory_space<semaphore_mem>>) src(%arg14 : memref<128x32xf32, #tpu.memory_space<vmem>>) dst(%dma_wait3A_122 : memref<10000x32xf32, #tpu.memory_space<vmem_shared>>)
    %dma_wait3A_123 = arith.constant 159 : i32
    %dma_wait3A_124 = arith.constant 0 : i32
    %dma_wait3A_125 = tpu.memref_slice %arg7[%dma_wait3A_123, %dma_wait3A_124] : memref<160x128xi32, #tpu.memory_space<vmem>> -> memref<1x128xi32, #tpu.memory_space<vmem>>
    %dma_wait3A_126 = tpu.memref_squeeze %dma_wait3A_125 : memref<1x128xi32, #tpu.memory_space<vmem>> -> memref<128xi32, #tpu.memory_space<vmem>>
    %dma_wait3A_127 = arith.constant 0 : i32
    %dma_wait3A_128 = arith.constant 0 : i32
    %dma_wait3A_129 = tpu.memref_slice %arg18[%dma_wait3A_127, %dma_wait3A_128] : memref<10000x32xf32, #tpu.memory_space<vmem_shared>> -> memref<10000x32xf32, #tpu.memory_space<vmem_shared>>
    tpu.wait_indirect_dma semaphore(%arg34 : memref<!tpu.dma_semaphore, #tpu.memory_space<semaphore_mem>>) src(%arg15 : memref<128x32xf32, #tpu.memory_space<vmem>>) dst(%dma_wait3A_129 : memref<10000x32xf32, #tpu.memory_space<vmem_shared>>)
    %barrier3A_130 = arith.constant 0 : index
    tpu.barrier barrier_id(%barrier3A_130)
    %run_scoped3A = arith.constant 0 : i32
    "tpu.region"() ({
      %run_scoped3A_260 = tpu.sem_alloc : memref<!tpu.dma_semaphore, #tpu.memory_space<semaphore_mem>>
      %dma_start3A_261 = arith.constant 0 : i32
      %dma_start3A_262 = tpu.memref_slice %arg5[%arg0, %run_scoped3A, %mul3A_4, %dma_start3A_261] : memref<2x2x10000x32xf32, #tpu.memory_space<hbm>> -> memref<1x1x625x32xf32, #tpu.memory_space<hbm>>
      %dma_start3A_263 = tpu.memref_squeeze %dma_start3A_262 : memref<1x1x625x32xf32, #tpu.memory_space<hbm>> -> memref<625x32xf32, #tpu.memory_space<hbm>>
      %dma_start3A_264 = arith.constant 0 : i32
      %dma_start3A_265 = tpu.memref_slice %arg18[%mul3A_4, %dma_start3A_264] : memref<10000x32xf32, #tpu.memory_space<vmem_shared>> -> memref<625x32xf32, #tpu.memory_space<vmem_shared>>
      tpu.enqueue_dma source(%dma_start3A_265 : memref<625x32xf32, #tpu.memory_space<vmem_shared>>) target(%dma_start3A_263 : memref<625x32xf32, #tpu.memory_space<hbm>>) target_semaphore(%run_scoped3A_260 : memref<!tpu.dma_semaphore, #tpu.memory_space<semaphore_mem>>)
      %dma_wait3A_266 = arith.constant 0 : i32
      %dma_wait3A_267 = tpu.memref_slice %arg5[%arg0, %run_scoped3A, %mul3A_4, %dma_wait3A_266] : memref<2x2x10000x32xf32, #tpu.memory_space<hbm>> -> memref<1x1x625x32xf32, #tpu.memory_space<hbm>>
      %dma_wait3A_268 = tpu.memref_squeeze %dma_wait3A_267 : memref<1x1x625x32xf32, #tpu.memory_space<hbm>> -> memref<625x32xf32, #tpu.memory_space<hbm>>
      %dma_wait3A_269 = arith.constant 0 : i32
      %dma_wait3A_270 = tpu.memref_slice %arg18[%mul3A_4, %dma_wait3A_269] : memref<10000x32xf32, #tpu.memory_space<vmem_shared>> -> memref<625x32xf32, #tpu.memory_space<vmem_shared>>
      tpu.wait_dma2 semaphore(%run_scoped3A_260 : memref<!tpu.dma_semaphore, #tpu.memory_space<semaphore_mem>>) src(%dma_wait3A_270 : memref<625x32xf32, #tpu.memory_space<vmem_shared>>) dst(%dma_wait3A_268 : memref<625x32xf32, #tpu.memory_space<hbm>>)
      tpu.yield
    }) : () -> ()
    %scan3A_131 = arith.constant 0 : i32
    %scan3A_132 = arith.constant 5 : i32
    %scan3A_133 = arith.addi %scan3A_131, %scan3A_132 : i32
    %scan3A_134 = arith.constant 1 : i32
    scf.for %scan3A_260 = %scan3A_131 to %scan3A_133 step %scan3A_134  : i32 {
      %mul3A_261 = arith.constant 125 : i32
      %mul3A_262 = arith.muli %scan3A_260, %mul3A_261 : i32
      %add3A_263 = arith.constant 0 : i32
      %add3A_264 = arith.addi %add3A_263, %mul3A_262 : i32
      %add3A_265 = arith.addi %mul3A_4, %add3A_264 : i32
      "tpu.region"() ({
        %run_scoped3A_266 = tpu.sem_alloc : memref<!tpu.dma_semaphore, #tpu.memory_space<semaphore_mem>>
        %dma_start3A_267 = arith.constant 0 : i32
        %dma_start3A_268 = arith.constant 0 : i32
        %dma_start3A_269 = tpu.memref_slice %arg16[%dma_start3A_267, %dma_start3A_268] : memref<128x32xf32, #tpu.memory_space<vmem>> -> memref<125x32xf32, #tpu.memory_space<vmem>>
        %dma_start3A_270 = arith.constant 0 : i32
        %dma_start3A_271 = tpu.memref_slice %arg18[%add3A_265, %dma_start3A_270] : memref<10000x32xf32, #tpu.memory_space<vmem_shared>> -> memref<125x32xf32, #tpu.memory_space<vmem_shared>>
        %dma_start3A_272 = arith.constant 0 : i32
        %dma_start3A_273 = tpu.memref_slice %arg18[%add3A_265, %dma_start3A_272] : memref<10000x32xf32, #tpu.memory_space<vmem_shared>> -> memref<125x32xf32, #tpu.memory_space<vmem_shared>>
        %dma_start3A_274 = arith.constant 0 : i32
        %dma_start3A_275 = arith.constant 0 : i32
        %dma_start3A_276 = tpu.memref_slice %arg16[%dma_start3A_274, %dma_start3A_275] : memref<128x32xf32, #tpu.memory_space<vmem>> -> memref<125x32xf32, #tpu.memory_space<vmem>>
        tpu.enqueue_dma source(%dma_start3A_276 : memref<125x32xf32, #tpu.memory_space<vmem>>) target(%dma_start3A_273 : memref<125x32xf32, #tpu.memory_space<vmem_shared>>) target_semaphore(%run_scoped3A_266 : memref<!tpu.dma_semaphore, #tpu.memory_space<semaphore_mem>>)
        %dma_wait3A_277 = arith.constant 0 : i32
        %dma_wait3A_278 = arith.constant 0 : i32
        %dma_wait3A_279 = tpu.memref_slice %arg16[%dma_wait3A_277, %dma_wait3A_278] : memref<128x32xf32, #tpu.memory_space<vmem>> -> memref<125x32xf32, #tpu.memory_space<vmem>>
        %dma_wait3A_280 = arith.constant 0 : i32
        %dma_wait3A_281 = tpu.memref_slice %arg18[%add3A_265, %dma_wait3A_280] : memref<10000x32xf32, #tpu.memory_space<vmem_shared>> -> memref<125x32xf32, #tpu.memory_space<vmem_shared>>
        %dma_wait3A_282 = arith.constant 0 : i32
        %dma_wait3A_283 = tpu.memref_slice %arg18[%add3A_265, %dma_wait3A_282] : memref<10000x32xf32, #tpu.memory_space<vmem_shared>> -> memref<125x32xf32, #tpu.memory_space<vmem_shared>>
        %dma_wait3A_284 = arith.constant 0 : i32
        %dma_wait3A_285 = arith.constant 0 : i32
        %dma_wait3A_286 = tpu.memref_slice %arg16[%dma_wait3A_284, %dma_wait3A_285] : memref<128x32xf32, #tpu.memory_space<vmem>> -> memref<125x32xf32, #tpu.memory_space<vmem>>
        tpu.wait_dma2 semaphore(%run_scoped3A_266 : memref<!tpu.dma_semaphore, #tpu.memory_space<semaphore_mem>>) src(%dma_wait3A_286 : memref<125x32xf32, #tpu.memory_space<vmem>>) dst(%dma_wait3A_283 : memref<125x32xf32, #tpu.memory_space<vmem_shared>>)
        tpu.yield
      }) : () -> ()
    }
    %scan3A_135 = arith.constant 5 : i32
    %mul3A_136 = arith.constant 2 : i32
    %mul3A_137 = arith.muli %arg0, %mul3A_136 : i32
    %add3A_138 = arith.constant 1 : i32
    %add3A_139 = arith.addi %mul3A_137, %add3A_138 : i32
    "tpu.region"() ({
      %run_scoped3A_260 = tpu.sem_alloc : memref<!tpu.dma_semaphore, #tpu.memory_space<semaphore_mem>>
      %dma_start3A_261 = arith.constant 0 : i32
      %dma_start3A_262 = tpu.memref_slice %arg17[%mul3A_6, %dma_start3A_261] : memref<10016x32xf32, #tpu.memory_space<vmem_shared>> -> memref<626x32xf32, #tpu.memory_space<vmem_shared>>
      %dma_start3A_263 = arith.constant 0 : i32
      %dma_start3A_264 = tpu.memref_slice %arg2[%add3A_139, %mul3A_6, %dma_start3A_263] : memref<4x10240x32xf32, #tpu.memory_space<hbm>> -> memref<1x626x32xf32, #tpu.memory_space<hbm>>
      %dma_start3A_265 = tpu.memref_squeeze %dma_start3A_264 : memref<1x626x32xf32, #tpu.memory_space<hbm>> -> memref<626x32xf32, #tpu.memory_space<hbm>>
      tpu.enqueue_dma source(%dma_start3A_265 : memref<626x32xf32, #tpu.memory_space<hbm>>) target(%dma_start3A_262 : memref<626x32xf32, #tpu.memory_space<vmem_shared>>) target_semaphore(%run_scoped3A_260 : memref<!tpu.dma_semaphore, #tpu.memory_space<semaphore_mem>>)
      %dma_wait3A_266 = arith.constant 0 : i32
      %dma_wait3A_267 = tpu.memref_slice %arg17[%mul3A_6, %dma_wait3A_266] : memref<10016x32xf32, #tpu.memory_space<vmem_shared>> -> memref<626x32xf32, #tpu.memory_space<vmem_shared>>
      %dma_wait3A_268 = arith.constant 0 : i32
      %dma_wait3A_269 = tpu.memref_slice %arg2[%add3A_139, %mul3A_6, %dma_wait3A_268] : memref<4x10240x32xf32, #tpu.memory_space<hbm>> -> memref<1x626x32xf32, #tpu.memory_space<hbm>>
      %dma_wait3A_270 = tpu.memref_squeeze %dma_wait3A_269 : memref<1x626x32xf32, #tpu.memory_space<hbm>> -> memref<626x32xf32, #tpu.memory_space<hbm>>
      tpu.wait_dma2 semaphore(%run_scoped3A_260 : memref<!tpu.dma_semaphore, #tpu.memory_space<semaphore_mem>>) src(%dma_wait3A_270 : memref<626x32xf32, #tpu.memory_space<hbm>>) dst(%dma_wait3A_267 : memref<626x32xf32, #tpu.memory_space<vmem_shared>>)
      tpu.yield
    }) : () -> ()
    %barrier3A_140 = arith.constant 0 : index
    tpu.barrier barrier_id(%barrier3A_140)
    %dma_start3A_141 = arith.constant 0 : i32
    %dma_start3A_142 = arith.constant 0 : i32
    %dma_start3A_143 = tpu.memref_slice %arg6[%dma_start3A_141, %dma_start3A_142] : memref<160x128xi32, #tpu.memory_space<vmem>> -> memref<1x128xi32, #tpu.memory_space<vmem>>
    %dma_start3A_144 = tpu.memref_squeeze %dma_start3A_143 : memref<1x128xi32, #tpu.memory_space<vmem>> -> memref<128xi32, #tpu.memory_space<vmem>>
    %dma_start3A_145 = arith.constant 0 : i32
    %dma_start3A_146 = arith.constant 0 : i32
    %dma_start3A_147 = tpu.memref_slice %arg17[%dma_start3A_145, %dma_start3A_146] : memref<10016x32xf32, #tpu.memory_space<vmem_shared>> -> memref<10016x32xf32, #tpu.memory_space<vmem_shared>>
    tpu.enqueue_indirect_dma source(%dma_start3A_147 : memref<10016x32xf32, #tpu.memory_space<vmem_shared>>) target(%arg8 : memref<128x32xf32, #tpu.memory_space<vmem>>) offsets(%dma_start3A_144 : memref<128xi32, #tpu.memory_space<vmem>>) semaphore(%arg19 : memref<!tpu.dma_semaphore, #tpu.memory_space<semaphore_mem>>)
    %dma_start3A_148 = arith.constant 1 : i32
    %dma_start3A_149 = arith.constant 0 : i32
    %dma_start3A_150 = tpu.memref_slice %arg6[%dma_start3A_148, %dma_start3A_149] : memref<160x128xi32, #tpu.memory_space<vmem>> -> memref<1x128xi32, #tpu.memory_space<vmem>>
    %dma_start3A_151 = tpu.memref_squeeze %dma_start3A_150 : memref<1x128xi32, #tpu.memory_space<vmem>> -> memref<128xi32, #tpu.memory_space<vmem>>
    %dma_start3A_152 = arith.constant 0 : i32
    %dma_start3A_153 = arith.constant 0 : i32
    %dma_start3A_154 = tpu.memref_slice %arg17[%dma_start3A_152, %dma_start3A_153] : memref<10016x32xf32, #tpu.memory_space<vmem_shared>> -> memref<10016x32xf32, #tpu.memory_space<vmem_shared>>
    tpu.enqueue_indirect_dma source(%dma_start3A_154 : memref<10016x32xf32, #tpu.memory_space<vmem_shared>>) target(%arg9 : memref<128x32xf32, #tpu.memory_space<vmem>>) offsets(%dma_start3A_151 : memref<128xi32, #tpu.memory_space<vmem>>) semaphore(%arg20 : memref<!tpu.dma_semaphore, #tpu.memory_space<semaphore_mem>>)
    %dma_start3A_155 = arith.constant 2 : i32
    %dma_start3A_156 = arith.constant 0 : i32
    %dma_start3A_157 = tpu.memref_slice %arg6[%dma_start3A_155, %dma_start3A_156] : memref<160x128xi32, #tpu.memory_space<vmem>> -> memref<1x128xi32, #tpu.memory_space<vmem>>
    %dma_start3A_158 = tpu.memref_squeeze %dma_start3A_157 : memref<1x128xi32, #tpu.memory_space<vmem>> -> memref<128xi32, #tpu.memory_space<vmem>>
    %dma_start3A_159 = arith.constant 0 : i32
    %dma_start3A_160 = arith.constant 0 : i32
    %dma_start3A_161 = tpu.memref_slice %arg17[%dma_start3A_159, %dma_start3A_160] : memref<10016x32xf32, #tpu.memory_space<vmem_shared>> -> memref<10016x32xf32, #tpu.memory_space<vmem_shared>>
    tpu.enqueue_indirect_dma source(%dma_start3A_161 : memref<10016x32xf32, #tpu.memory_space<vmem_shared>>) target(%arg10 : memref<128x32xf32, #tpu.memory_space<vmem>>) offsets(%dma_start3A_158 : memref<128xi32, #tpu.memory_space<vmem>>) semaphore(%arg21 : memref<!tpu.dma_semaphore, #tpu.memory_space<semaphore_mem>>)
    %dma_start3A_162 = arith.constant 3 : i32
    %dma_start3A_163 = arith.constant 0 : i32
    %dma_start3A_164 = tpu.memref_slice %arg6[%dma_start3A_162, %dma_start3A_163] : memref<160x128xi32, #tpu.memory_space<vmem>> -> memref<1x128xi32, #tpu.memory_space<vmem>>
    %dma_start3A_165 = tpu.memref_squeeze %dma_start3A_164 : memref<1x128xi32, #tpu.memory_space<vmem>> -> memref<128xi32, #tpu.memory_space<vmem>>
    %dma_start3A_166 = arith.constant 0 : i32
    %dma_start3A_167 = arith.constant 0 : i32
    %dma_start3A_168 = tpu.memref_slice %arg17[%dma_start3A_166, %dma_start3A_167] : memref<10016x32xf32, #tpu.memory_space<vmem_shared>> -> memref<10016x32xf32, #tpu.memory_space<vmem_shared>>
    tpu.enqueue_indirect_dma source(%dma_start3A_168 : memref<10016x32xf32, #tpu.memory_space<vmem_shared>>) target(%arg11 : memref<128x32xf32, #tpu.memory_space<vmem>>) offsets(%dma_start3A_165 : memref<128xi32, #tpu.memory_space<vmem>>) semaphore(%arg22 : memref<!tpu.dma_semaphore, #tpu.memory_space<semaphore_mem>>)
    %dma_start3A_169 = arith.constant 4 : i32
    %dma_start3A_170 = arith.constant 0 : i32
    %dma_start3A_171 = tpu.memref_slice %arg6[%dma_start3A_169, %dma_start3A_170] : memref<160x128xi32, #tpu.memory_space<vmem>> -> memref<1x128xi32, #tpu.memory_space<vmem>>
    %dma_start3A_172 = tpu.memref_squeeze %dma_start3A_171 : memref<1x128xi32, #tpu.memory_space<vmem>> -> memref<128xi32, #tpu.memory_space<vmem>>
    %dma_start3A_173 = arith.constant 0 : i32
    %dma_start3A_174 = arith.constant 0 : i32
    %dma_start3A_175 = tpu.memref_slice %arg17[%dma_start3A_173, %dma_start3A_174] : memref<10016x32xf32, #tpu.memory_space<vmem_shared>> -> memref<10016x32xf32, #tpu.memory_space<vmem_shared>>
    tpu.enqueue_indirect_dma source(%dma_start3A_175 : memref<10016x32xf32, #tpu.memory_space<vmem_shared>>) target(%arg12 : memref<128x32xf32, #tpu.memory_space<vmem>>) offsets(%dma_start3A_172 : memref<128xi32, #tpu.memory_space<vmem>>) semaphore(%arg23 : memref<!tpu.dma_semaphore, #tpu.memory_space<semaphore_mem>>)
    %dma_start3A_176 = arith.constant 5 : i32
    %dma_start3A_177 = arith.constant 0 : i32
    %dma_start3A_178 = tpu.memref_slice %arg6[%dma_start3A_176, %dma_start3A_177] : memref<160x128xi32, #tpu.memory_space<vmem>> -> memref<1x128xi32, #tpu.memory_space<vmem>>
    %dma_start3A_179 = tpu.memref_squeeze %dma_start3A_178 : memref<1x128xi32, #tpu.memory_space<vmem>> -> memref<128xi32, #tpu.memory_space<vmem>>
    %dma_start3A_180 = arith.constant 0 : i32
    %dma_start3A_181 = arith.constant 0 : i32
    %dma_start3A_182 = tpu.memref_slice %arg17[%dma_start3A_180, %dma_start3A_181] : memref<10016x32xf32, #tpu.memory_space<vmem_shared>> -> memref<10016x32xf32, #tpu.memory_space<vmem_shared>>
    tpu.enqueue_indirect_dma source(%dma_start3A_182 : memref<10016x32xf32, #tpu.memory_space<vmem_shared>>) target(%arg13 : memref<128x32xf32, #tpu.memory_space<vmem>>) offsets(%dma_start3A_179 : memref<128xi32, #tpu.memory_space<vmem>>) semaphore(%arg24 : memref<!tpu.dma_semaphore, #tpu.memory_space<semaphore_mem>>)
    %dma_start3A_183 = arith.constant 6 : i32
    %dma_start3A_184 = arith.constant 0 : i32
    %dma_start3A_185 = tpu.memref_slice %arg6[%dma_start3A_183, %dma_start3A_184] : memref<160x128xi32, #tpu.memory_space<vmem>> -> memref<1x128xi32, #tpu.memory_space<vmem>>
    %dma_start3A_186 = tpu.memref_squeeze %dma_start3A_185 : memref<1x128xi32, #tpu.memory_space<vmem>> -> memref<128xi32, #tpu.memory_space<vmem>>
    %dma_start3A_187 = arith.constant 0 : i32
    %dma_start3A_188 = arith.constant 0 : i32
    %dma_start3A_189 = tpu.memref_slice %arg17[%dma_start3A_187, %dma_start3A_188] : memref<10016x32xf32, #tpu.memory_space<vmem_shared>> -> memref<10016x32xf32, #tpu.memory_space<vmem_shared>>
    tpu.enqueue_indirect_dma source(%dma_start3A_189 : memref<10016x32xf32, #tpu.memory_space<vmem_shared>>) target(%arg14 : memref<128x32xf32, #tpu.memory_space<vmem>>) offsets(%dma_start3A_186 : memref<128xi32, #tpu.memory_space<vmem>>) semaphore(%arg25 : memref<!tpu.dma_semaphore, #tpu.memory_space<semaphore_mem>>)
    %dma_start3A_190 = arith.constant 7 : i32
    %dma_start3A_191 = arith.constant 0 : i32
    %dma_start3A_192 = tpu.memref_slice %arg6[%dma_start3A_190, %dma_start3A_191] : memref<160x128xi32, #tpu.memory_space<vmem>> -> memref<1x128xi32, #tpu.memory_space<vmem>>
    %dma_start3A_193 = tpu.memref_squeeze %dma_start3A_192 : memref<1x128xi32, #tpu.memory_space<vmem>> -> memref<128xi32, #tpu.memory_space<vmem>>
    %dma_start3A_194 = arith.constant 0 : i32
    %dma_start3A_195 = arith.constant 0 : i32
    %dma_start3A_196 = tpu.memref_slice %arg17[%dma_start3A_194, %dma_start3A_195] : memref<10016x32xf32, #tpu.memory_space<vmem_shared>> -> memref<10016x32xf32, #tpu.memory_space<vmem_shared>>
    tpu.enqueue_indirect_dma source(%dma_start3A_196 : memref<10016x32xf32, #tpu.memory_space<vmem_shared>>) target(%arg15 : memref<128x32xf32, #tpu.memory_space<vmem>>) offsets(%dma_start3A_193 : memref<128xi32, #tpu.memory_space<vmem>>) semaphore(%arg26 : memref<!tpu.dma_semaphore, #tpu.memory_space<semaphore_mem>>)
    %scan3A_197 = arith.constant 0 : i32
    %scan3A_198 = arith.constant 20 : i32
    %scan3A_199 = arith.addi %scan3A_197, %scan3A_198 : i32
    %scan3A_200 = arith.constant 1 : i32
    scf.for %scan3A_260 = %scan3A_197 to %scan3A_199 step %scan3A_200  : i32 {
      %mul3A_261 = arith.constant 8 : i32
      %mul3A_262 = arith.muli %scan3A_260, %mul3A_261 : i32
      %add3A_263 = arith.constant 0 : i32
      %add3A_264 = arith.addi %add3A_263, %mul3A_262 : i32
      %add3A_265 = arith.constant 0 : i32
      %add3A_266 = arith.addi %add3A_264, %add3A_265 : i32
      %dma_wait3A_267 = arith.constant 0 : i32
      %dma_wait3A_268 = tpu.memref_slice %arg6[%add3A_266, %dma_wait3A_267] : memref<160x128xi32, #tpu.memory_space<vmem>> -> memref<1x128xi32, #tpu.memory_space<vmem>>
      %dma_wait3A_269 = tpu.memref_squeeze %dma_wait3A_268 : memref<1x128xi32, #tpu.memory_space<vmem>> -> memref<128xi32, #tpu.memory_space<vmem>>
      %dma_wait3A_270 = arith.constant 0 : i32
      %dma_wait3A_271 = arith.constant 0 : i32
      %dma_wait3A_272 = tpu.memref_slice %arg17[%dma_wait3A_270, %dma_wait3A_271] : memref<10016x32xf32, #tpu.memory_space<vmem_shared>> -> memref<10016x32xf32, #tpu.memory_space<vmem_shared>>
      tpu.wait_indirect_dma semaphore(%arg19 : memref<!tpu.dma_semaphore, #tpu.memory_space<semaphore_mem>>) src(%dma_wait3A_272 : memref<10016x32xf32, #tpu.memory_space<vmem_shared>>) dst(%arg8 : memref<128x32xf32, #tpu.memory_space<vmem>>)
      %dma_start3A_273 = arith.constant 0 : i32
      %dma_start3A_274 = tpu.memref_slice %arg7[%add3A_266, %dma_start3A_273] : memref<160x128xi32, #tpu.memory_space<vmem>> -> memref<1x128xi32, #tpu.memory_space<vmem>>
      %dma_start3A_275 = tpu.memref_squeeze %dma_start3A_274 : memref<1x128xi32, #tpu.memory_space<vmem>> -> memref<128xi32, #tpu.memory_space<vmem>>
      %dma_start3A_276 = arith.constant 0 : i32
      %dma_start3A_277 = arith.constant 0 : i32
      %dma_start3A_278 = tpu.memref_slice %arg18[%dma_start3A_276, %dma_start3A_277] : memref<10000x32xf32, #tpu.memory_space<vmem_shared>> -> memref<10000x32xf32, #tpu.memory_space<vmem_shared>>
      tpu.enqueue_indirect_dma source(%arg8 : memref<128x32xf32, #tpu.memory_space<vmem>>) target(%dma_start3A_278 : memref<10000x32xf32, #tpu.memory_space<vmem_shared>>) offsets(%dma_start3A_275 : memref<128xi32, #tpu.memory_space<vmem>>) semaphore(%arg27 : memref<!tpu.dma_semaphore, #tpu.memory_space<semaphore_mem>>) {add = true}
      %ge3A = arith.constant 4 : i32
      %ge3A_279 = arith.cmpi sge, %add3A_266, %ge3A : i32
      %add3A_280 = arith.constant 4 : i32
      %add3A_281 = arith.addi %add3A_266, %add3A_280 : i32
      %lt3A = arith.constant 160 : i32
      %lt3A_282 = arith.cmpi slt, %add3A_281, %lt3A : i32
      %and3A = arith.andi %ge3A_279, %lt3A_282 : i1
      %convert_element_type3A = arith.extui %and3A : i1 to i32
      %cond3A = arith.constant 0 : i32
      %cond3A_283 = arith.cmpi ne, %convert_element_type3A, %cond3A : i32
      scf.if %cond3A_283 {
        %sub3A = arith.constant 4 : i32
        %sub3A_452 = arith.subi %add3A_266, %sub3A : i32
        %dma_wait3A_453 = arith.constant 0 : i32
        %dma_wait3A_454 = tpu.memref_slice %arg7[%sub3A_452, %dma_wait3A_453] : memref<160x128xi32, #tpu.memory_space<vmem>> -> memref<1x128xi32, #tpu.memory_space<vmem>>
        %dma_wait3A_455 = tpu.memref_squeeze %dma_wait3A_454 : memref<1x128xi32, #tpu.memory_space<vmem>> -> memref<128xi32, #tpu.memory_space<vmem>>
        %dma_wait3A_456 = arith.constant 0 : i32
        %dma_wait3A_457 = arith.constant 0 : i32
        %dma_wait3A_458 = tpu.memref_slice %arg18[%dma_wait3A_456, %dma_wait3A_457] : memref<10000x32xf32, #tpu.memory_space<vmem_shared>> -> memref<10000x32xf32, #tpu.memory_space<vmem_shared>>
        tpu.wait_indirect_dma semaphore(%arg31 : memref<!tpu.dma_semaphore, #tpu.memory_space<semaphore_mem>>) src(%arg12 : memref<128x32xf32, #tpu.memory_space<vmem>>) dst(%dma_wait3A_458 : memref<10000x32xf32, #tpu.memory_space<vmem_shared>>)
        %add3A_459 = arith.constant 4 : i32
        %add3A_460 = arith.addi %add3A_266, %add3A_459 : i32
        %dma_start3A_461 = arith.constant 0 : i32
        %dma_start3A_462 = tpu.memref_slice %arg6[%add3A_460, %dma_start3A_461] : memref<160x128xi32, #tpu.memory_space<vmem>> -> memref<1x128xi32, #tpu.memory_space<vmem>>
        %dma_start3A_463 = tpu.memref_squeeze %dma_start3A_462 : memref<1x128xi32, #tpu.memory_space<vmem>> -> memref<128xi32, #tpu.memory_space<vmem>>
        %dma_start3A_464 = arith.constant 0 : i32
        %dma_start3A_465 = arith.constant 0 : i32
        %dma_start3A_466 = tpu.memref_slice %arg17[%dma_start3A_464, %dma_start3A_465] : memref<10016x32xf32, #tpu.memory_space<vmem_shared>> -> memref<10016x32xf32, #tpu.memory_space<vmem_shared>>
        tpu.enqueue_indirect_dma source(%dma_start3A_466 : memref<10016x32xf32, #tpu.memory_space<vmem_shared>>) target(%arg12 : memref<128x32xf32, #tpu.memory_space<vmem>>) offsets(%dma_start3A_463 : memref<128xi32, #tpu.memory_space<vmem>>) semaphore(%arg23 : memref<!tpu.dma_semaphore, #tpu.memory_space<semaphore_mem>>)
      } else {
      }
      %add3A_284 = arith.constant 1 : i32
      %add3A_285 = arith.addi %add3A_264, %add3A_284 : i32
      %dma_wait3A_286 = arith.constant 0 : i32
      %dma_wait3A_287 = tpu.memref_slice %arg6[%add3A_285, %dma_wait3A_286] : memref<160x128xi32, #tpu.memory_space<vmem>> -> memref<1x128xi32, #tpu.memory_space<vmem>>
      %dma_wait3A_288 = tpu.memref_squeeze %dma_wait3A_287 : memref<1x128xi32, #tpu.memory_space<vmem>> -> memref<128xi32, #tpu.memory_space<vmem>>
      %dma_wait3A_289 = arith.constant 0 : i32
      %dma_wait3A_290 = arith.constant 0 : i32
      %dma_wait3A_291 = tpu.memref_slice %arg17[%dma_wait3A_289, %dma_wait3A_290] : memref<10016x32xf32, #tpu.memory_space<vmem_shared>> -> memref<10016x32xf32, #tpu.memory_space<vmem_shared>>
      tpu.wait_indirect_dma semaphore(%arg20 : memref<!tpu.dma_semaphore, #tpu.memory_space<semaphore_mem>>) src(%dma_wait3A_291 : memref<10016x32xf32, #tpu.memory_space<vmem_shared>>) dst(%arg9 : memref<128x32xf32, #tpu.memory_space<vmem>>)
      %dma_start3A_292 = arith.constant 0 : i32
      %dma_start3A_293 = tpu.memref_slice %arg7[%add3A_285, %dma_start3A_292] : memref<160x128xi32, #tpu.memory_space<vmem>> -> memref<1x128xi32, #tpu.memory_space<vmem>>
      %dma_start3A_294 = tpu.memref_squeeze %dma_start3A_293 : memref<1x128xi32, #tpu.memory_space<vmem>> -> memref<128xi32, #tpu.memory_space<vmem>>
      %dma_start3A_295 = arith.constant 0 : i32
      %dma_start3A_296 = arith.constant 0 : i32
      %dma_start3A_297 = tpu.memref_slice %arg18[%dma_start3A_295, %dma_start3A_296] : memref<10000x32xf32, #tpu.memory_space<vmem_shared>> -> memref<10000x32xf32, #tpu.memory_space<vmem_shared>>
      tpu.enqueue_indirect_dma source(%arg9 : memref<128x32xf32, #tpu.memory_space<vmem>>) target(%dma_start3A_297 : memref<10000x32xf32, #tpu.memory_space<vmem_shared>>) offsets(%dma_start3A_294 : memref<128xi32, #tpu.memory_space<vmem>>) semaphore(%arg28 : memref<!tpu.dma_semaphore, #tpu.memory_space<semaphore_mem>>) {add = true}
      %ge3A_298 = arith.constant 4 : i32
      %ge3A_299 = arith.cmpi sge, %add3A_285, %ge3A_298 : i32
      %add3A_300 = arith.constant 4 : i32
      %add3A_301 = arith.addi %add3A_285, %add3A_300 : i32
      %lt3A_302 = arith.constant 160 : i32
      %lt3A_303 = arith.cmpi slt, %add3A_301, %lt3A_302 : i32
      %and3A_304 = arith.andi %ge3A_299, %lt3A_303 : i1
      %convert_element_type3A_305 = arith.extui %and3A_304 : i1 to i32
      %cond3A_306 = arith.constant 0 : i32
      %cond3A_307 = arith.cmpi ne, %convert_element_type3A_305, %cond3A_306 : i32
      scf.if %cond3A_307 {
        %sub3A = arith.constant 4 : i32
        %sub3A_452 = arith.subi %add3A_285, %sub3A : i32
        %dma_wait3A_453 = arith.constant 0 : i32
        %dma_wait3A_454 = tpu.memref_slice %arg7[%sub3A_452, %dma_wait3A_453] : memref<160x128xi32, #tpu.memory_space<vmem>> -> memref<1x128xi32, #tpu.memory_space<vmem>>
        %dma_wait3A_455 = tpu.memref_squeeze %dma_wait3A_454 : memref<1x128xi32, #tpu.memory_space<vmem>> -> memref<128xi32, #tpu.memory_space<vmem>>
        %dma_wait3A_456 = arith.constant 0 : i32
        %dma_wait3A_457 = arith.constant 0 : i32
        %dma_wait3A_458 = tpu.memref_slice %arg18[%dma_wait3A_456, %dma_wait3A_457] : memref<10000x32xf32, #tpu.memory_space<vmem_shared>> -> memref<10000x32xf32, #tpu.memory_space<vmem_shared>>
        tpu.wait_indirect_dma semaphore(%arg32 : memref<!tpu.dma_semaphore, #tpu.memory_space<semaphore_mem>>) src(%arg13 : memref<128x32xf32, #tpu.memory_space<vmem>>) dst(%dma_wait3A_458 : memref<10000x32xf32, #tpu.memory_space<vmem_shared>>)
        %add3A_459 = arith.constant 4 : i32
        %add3A_460 = arith.addi %add3A_285, %add3A_459 : i32
        %dma_start3A_461 = arith.constant 0 : i32
        %dma_start3A_462 = tpu.memref_slice %arg6[%add3A_460, %dma_start3A_461] : memref<160x128xi32, #tpu.memory_space<vmem>> -> memref<1x128xi32, #tpu.memory_space<vmem>>
        %dma_start3A_463 = tpu.memref_squeeze %dma_start3A_462 : memref<1x128xi32, #tpu.memory_space<vmem>> -> memref<128xi32, #tpu.memory_space<vmem>>
        %dma_start3A_464 = arith.constant 0 : i32
        %dma_start3A_465 = arith.constant 0 : i32
        %dma_start3A_466 = tpu.memref_slice %arg17[%dma_start3A_464, %dma_start3A_465] : memref<10016x32xf32, #tpu.memory_space<vmem_shared>> -> memref<10016x32xf32, #tpu.memory_space<vmem_shared>>
        tpu.enqueue_indirect_dma source(%dma_start3A_466 : memref<10016x32xf32, #tpu.memory_space<vmem_shared>>) target(%arg13 : memref<128x32xf32, #tpu.memory_space<vmem>>) offsets(%dma_start3A_463 : memref<128xi32, #tpu.memory_space<vmem>>) semaphore(%arg24 : memref<!tpu.dma_semaphore, #tpu.memory_space<semaphore_mem>>)
      } else {
      }
      %add3A_308 = arith.constant 2 : i32
      %add3A_309 = arith.addi %add3A_264, %add3A_308 : i32
      %dma_wait3A_310 = arith.constant 0 : i32
      %dma_wait3A_311 = tpu.memref_slice %arg6[%add3A_309, %dma_wait3A_310] : memref<160x128xi32, #tpu.memory_space<vmem>> -> memref<1x128xi32, #tpu.memory_space<vmem>>
      %dma_wait3A_312 = tpu.memref_squeeze %dma_wait3A_311 : memref<1x128xi32, #tpu.memory_space<vmem>> -> memref<128xi32, #tpu.memory_space<vmem>>
      %dma_wait3A_313 = arith.constant 0 : i32
      %dma_wait3A_314 = arith.constant 0 : i32
      %dma_wait3A_315 = tpu.memref_slice %arg17[%dma_wait3A_313, %dma_wait3A_314] : memref<10016x32xf32, #tpu.memory_space<vmem_shared>> -> memref<10016x32xf32, #tpu.memory_space<vmem_shared>>
      tpu.wait_indirect_dma semaphore(%arg21 : memref<!tpu.dma_semaphore, #tpu.memory_space<semaphore_mem>>) src(%dma_wait3A_315 : memref<10016x32xf32, #tpu.memory_space<vmem_shared>>) dst(%arg10 : memref<128x32xf32, #tpu.memory_space<vmem>>)
      %dma_start3A_316 = arith.constant 0 : i32
      %dma_start3A_317 = tpu.memref_slice %arg7[%add3A_309, %dma_start3A_316] : memref<160x128xi32, #tpu.memory_space<vmem>> -> memref<1x128xi32, #tpu.memory_space<vmem>>
      %dma_start3A_318 = tpu.memref_squeeze %dma_start3A_317 : memref<1x128xi32, #tpu.memory_space<vmem>> -> memref<128xi32, #tpu.memory_space<vmem>>
      %dma_start3A_319 = arith.constant 0 : i32
      %dma_start3A_320 = arith.constant 0 : i32
      %dma_start3A_321 = tpu.memref_slice %arg18[%dma_start3A_319, %dma_start3A_320] : memref<10000x32xf32, #tpu.memory_space<vmem_shared>> -> memref<10000x32xf32, #tpu.memory_space<vmem_shared>>
      tpu.enqueue_indirect_dma source(%arg10 : memref<128x32xf32, #tpu.memory_space<vmem>>) target(%dma_start3A_321 : memref<10000x32xf32, #tpu.memory_space<vmem_shared>>) offsets(%dma_start3A_318 : memref<128xi32, #tpu.memory_space<vmem>>) semaphore(%arg29 : memref<!tpu.dma_semaphore, #tpu.memory_space<semaphore_mem>>) {add = true}
      %ge3A_322 = arith.constant 4 : i32
      %ge3A_323 = arith.cmpi sge, %add3A_309, %ge3A_322 : i32
      %add3A_324 = arith.constant 4 : i32
      %add3A_325 = arith.addi %add3A_309, %add3A_324 : i32
      %lt3A_326 = arith.constant 160 : i32
      %lt3A_327 = arith.cmpi slt, %add3A_325, %lt3A_326 : i32
      %and3A_328 = arith.andi %ge3A_323, %lt3A_327 : i1
      %convert_element_type3A_329 = arith.extui %and3A_328 : i1 to i32
      %cond3A_330 = arith.constant 0 : i32
      %cond3A_331 = arith.cmpi ne, %convert_element_type3A_329, %cond3A_330 : i32
      scf.if %cond3A_331 {
        %sub3A = arith.constant 4 : i32
        %sub3A_452 = arith.subi %add3A_309, %sub3A : i32
        %dma_wait3A_453 = arith.constant 0 : i32
        %dma_wait3A_454 = tpu.memref_slice %arg7[%sub3A_452, %dma_wait3A_453] : memref<160x128xi32, #tpu.memory_space<vmem>> -> memref<1x128xi32, #tpu.memory_space<vmem>>
        %dma_wait3A_455 = tpu.memref_squeeze %dma_wait3A_454 : memref<1x128xi32, #tpu.memory_space<vmem>> -> memref<128xi32, #tpu.memory_space<vmem>>
        %dma_wait3A_456 = arith.constant 0 : i32
        %dma_wait3A_457 = arith.constant 0 : i32
        %dma_wait3A_458 = tpu.memref_slice %arg18[%dma_wait3A_456, %dma_wait3A_457] : memref<10000x32xf32, #tpu.memory_space<vmem_shared>> -> memref<10000x32xf32, #tpu.memory_space<vmem_shared>>
        tpu.wait_indirect_dma semaphore(%arg33 : memref<!tpu.dma_semaphore, #tpu.memory_space<semaphore_mem>>) src(%arg14 : memref<128x32xf32, #tpu.memory_space<vmem>>) dst(%dma_wait3A_458 : memref<10000x32xf32, #tpu.memory_space<vmem_shared>>)
        %add3A_459 = arith.constant 4 : i32
        %add3A_460 = arith.addi %add3A_309, %add3A_459 : i32
        %dma_start3A_461 = arith.constant 0 : i32
        %dma_start3A_462 = tpu.memref_slice %arg6[%add3A_460, %dma_start3A_461] : memref<160x128xi32, #tpu.memory_space<vmem>> -> memref<1x128xi32, #tpu.memory_space<vmem>>
        %dma_start3A_463 = tpu.memref_squeeze %dma_start3A_462 : memref<1x128xi32, #tpu.memory_space<vmem>> -> memref<128xi32, #tpu.memory_space<vmem>>
        %dma_start3A_464 = arith.constant 0 : i32
        %dma_start3A_465 = arith.constant 0 : i32
        %dma_start3A_466 = tpu.memref_slice %arg17[%dma_start3A_464, %dma_start3A_465] : memref<10016x32xf32, #tpu.memory_space<vmem_shared>> -> memref<10016x32xf32, #tpu.memory_space<vmem_shared>>
        tpu.enqueue_indirect_dma source(%dma_start3A_466 : memref<10016x32xf32, #tpu.memory_space<vmem_shared>>) target(%arg14 : memref<128x32xf32, #tpu.memory_space<vmem>>) offsets(%dma_start3A_463 : memref<128xi32, #tpu.memory_space<vmem>>) semaphore(%arg25 : memref<!tpu.dma_semaphore, #tpu.memory_space<semaphore_mem>>)
      } else {
      }
      %add3A_332 = arith.constant 3 : i32
      %add3A_333 = arith.addi %add3A_264, %add3A_332 : i32
      %dma_wait3A_334 = arith.constant 0 : i32
      %dma_wait3A_335 = tpu.memref_slice %arg6[%add3A_333, %dma_wait3A_334] : memref<160x128xi32, #tpu.memory_space<vmem>> -> memref<1x128xi32, #tpu.memory_space<vmem>>
      %dma_wait3A_336 = tpu.memref_squeeze %dma_wait3A_335 : memref<1x128xi32, #tpu.memory_space<vmem>> -> memref<128xi32, #tpu.memory_space<vmem>>
      %dma_wait3A_337 = arith.constant 0 : i32
      %dma_wait3A_338 = arith.constant 0 : i32
      %dma_wait3A_339 = tpu.memref_slice %arg17[%dma_wait3A_337, %dma_wait3A_338] : memref<10016x32xf32, #tpu.memory_space<vmem_shared>> -> memref<10016x32xf32, #tpu.memory_space<vmem_shared>>
      tpu.wait_indirect_dma semaphore(%arg22 : memref<!tpu.dma_semaphore, #tpu.memory_space<semaphore_mem>>) src(%dma_wait3A_339 : memref<10016x32xf32, #tpu.memory_space<vmem_shared>>) dst(%arg11 : memref<128x32xf32, #tpu.memory_space<vmem>>)
      %dma_start3A_340 = arith.constant 0 : i32
      %dma_start3A_341 = tpu.memref_slice %arg7[%add3A_333, %dma_start3A_340] : memref<160x128xi32, #tpu.memory_space<vmem>> -> memref<1x128xi32, #tpu.memory_space<vmem>>
      %dma_start3A_342 = tpu.memref_squeeze %dma_start3A_341 : memref<1x128xi32, #tpu.memory_space<vmem>> -> memref<128xi32, #tpu.memory_space<vmem>>
      %dma_start3A_343 = arith.constant 0 : i32
      %dma_start3A_344 = arith.constant 0 : i32
      %dma_start3A_345 = tpu.memref_slice %arg18[%dma_start3A_343, %dma_start3A_344] : memref<10000x32xf32, #tpu.memory_space<vmem_shared>> -> memref<10000x32xf32, #tpu.memory_space<vmem_shared>>
      tpu.enqueue_indirect_dma source(%arg11 : memref<128x32xf32, #tpu.memory_space<vmem>>) target(%dma_start3A_345 : memref<10000x32xf32, #tpu.memory_space<vmem_shared>>) offsets(%dma_start3A_342 : memref<128xi32, #tpu.memory_space<vmem>>) semaphore(%arg30 : memref<!tpu.dma_semaphore, #tpu.memory_space<semaphore_mem>>) {add = true}
      %ge3A_346 = arith.constant 4 : i32
      %ge3A_347 = arith.cmpi sge, %add3A_333, %ge3A_346 : i32
      %add3A_348 = arith.constant 4 : i32
      %add3A_349 = arith.addi %add3A_333, %add3A_348 : i32
      %lt3A_350 = arith.constant 160 : i32
      %lt3A_351 = arith.cmpi slt, %add3A_349, %lt3A_350 : i32
      %and3A_352 = arith.andi %ge3A_347, %lt3A_351 : i1
      %convert_element_type3A_353 = arith.extui %and3A_352 : i1 to i32
      %cond3A_354 = arith.constant 0 : i32
      %cond3A_355 = arith.cmpi ne, %convert_element_type3A_353, %cond3A_354 : i32
      scf.if %cond3A_355 {
        %sub3A = arith.constant 4 : i32
        %sub3A_452 = arith.subi %add3A_333, %sub3A : i32
        %dma_wait3A_453 = arith.constant 0 : i32
        %dma_wait3A_454 = tpu.memref_slice %arg7[%sub3A_452, %dma_wait3A_453] : memref<160x128xi32, #tpu.memory_space<vmem>> -> memref<1x128xi32, #tpu.memory_space<vmem>>
        %dma_wait3A_455 = tpu.memref_squeeze %dma_wait3A_454 : memref<1x128xi32, #tpu.memory_space<vmem>> -> memref<128xi32, #tpu.memory_space<vmem>>
        %dma_wait3A_456 = arith.constant 0 : i32
        %dma_wait3A_457 = arith.constant 0 : i32
        %dma_wait3A_458 = tpu.memref_slice %arg18[%dma_wait3A_456, %dma_wait3A_457] : memref<10000x32xf32, #tpu.memory_space<vmem_shared>> -> memref<10000x32xf32, #tpu.memory_space<vmem_shared>>
        tpu.wait_indirect_dma semaphore(%arg34 : memref<!tpu.dma_semaphore, #tpu.memory_space<semaphore_mem>>) src(%arg15 : memref<128x32xf32, #tpu.memory_space<vmem>>) dst(%dma_wait3A_458 : memref<10000x32xf32, #tpu.memory_space<vmem_shared>>)
        %add3A_459 = arith.constant 4 : i32
        %add3A_460 = arith.addi %add3A_333, %add3A_459 : i32
        %dma_start3A_461 = arith.constant 0 : i32
        %dma_start3A_462 = tpu.memref_slice %arg6[%add3A_460, %dma_start3A_461] : memref<160x128xi32, #tpu.memory_space<vmem>> -> memref<1x128xi32, #tpu.memory_space<vmem>>
        %dma_start3A_463 = tpu.memref_squeeze %dma_start3A_462 : memref<1x128xi32, #tpu.memory_space<vmem>> -> memref<128xi32, #tpu.memory_space<vmem>>
        %dma_start3A_464 = arith.constant 0 : i32
        %dma_start3A_465 = arith.constant 0 : i32
        %dma_start3A_466 = tpu.memref_slice %arg17[%dma_start3A_464, %dma_start3A_465] : memref<10016x32xf32, #tpu.memory_space<vmem_shared>> -> memref<10016x32xf32, #tpu.memory_space<vmem_shared>>
        tpu.enqueue_indirect_dma source(%dma_start3A_466 : memref<10016x32xf32, #tpu.memory_space<vmem_shared>>) target(%arg15 : memref<128x32xf32, #tpu.memory_space<vmem>>) offsets(%dma_start3A_463 : memref<128xi32, #tpu.memory_space<vmem>>) semaphore(%arg26 : memref<!tpu.dma_semaphore, #tpu.memory_space<semaphore_mem>>)
      } else {
      }
      %add3A_356 = arith.constant 4 : i32
      %add3A_357 = arith.addi %add3A_264, %add3A_356 : i32
      %dma_wait3A_358 = arith.constant 0 : i32
      %dma_wait3A_359 = tpu.memref_slice %arg6[%add3A_357, %dma_wait3A_358] : memref<160x128xi32, #tpu.memory_space<vmem>> -> memref<1x128xi32, #tpu.memory_space<vmem>>
      %dma_wait3A_360 = tpu.memref_squeeze %dma_wait3A_359 : memref<1x128xi32, #tpu.memory_space<vmem>> -> memref<128xi32, #tpu.memory_space<vmem>>
      %dma_wait3A_361 = arith.constant 0 : i32
      %dma_wait3A_362 = arith.constant 0 : i32
      %dma_wait3A_363 = tpu.memref_slice %arg17[%dma_wait3A_361, %dma_wait3A_362] : memref<10016x32xf32, #tpu.memory_space<vmem_shared>> -> memref<10016x32xf32, #tpu.memory_space<vmem_shared>>
      tpu.wait_indirect_dma semaphore(%arg23 : memref<!tpu.dma_semaphore, #tpu.memory_space<semaphore_mem>>) src(%dma_wait3A_363 : memref<10016x32xf32, #tpu.memory_space<vmem_shared>>) dst(%arg12 : memref<128x32xf32, #tpu.memory_space<vmem>>)
      %dma_start3A_364 = arith.constant 0 : i32
      %dma_start3A_365 = tpu.memref_slice %arg7[%add3A_357, %dma_start3A_364] : memref<160x128xi32, #tpu.memory_space<vmem>> -> memref<1x128xi32, #tpu.memory_space<vmem>>
      %dma_start3A_366 = tpu.memref_squeeze %dma_start3A_365 : memref<1x128xi32, #tpu.memory_space<vmem>> -> memref<128xi32, #tpu.memory_space<vmem>>
      %dma_start3A_367 = arith.constant 0 : i32
      %dma_start3A_368 = arith.constant 0 : i32
      %dma_start3A_369 = tpu.memref_slice %arg18[%dma_start3A_367, %dma_start3A_368] : memref<10000x32xf32, #tpu.memory_space<vmem_shared>> -> memref<10000x32xf32, #tpu.memory_space<vmem_shared>>
      tpu.enqueue_indirect_dma source(%arg12 : memref<128x32xf32, #tpu.memory_space<vmem>>) target(%dma_start3A_369 : memref<10000x32xf32, #tpu.memory_space<vmem_shared>>) offsets(%dma_start3A_366 : memref<128xi32, #tpu.memory_space<vmem>>) semaphore(%arg31 : memref<!tpu.dma_semaphore, #tpu.memory_space<semaphore_mem>>) {add = true}
      %ge3A_370 = arith.constant 4 : i32
      %ge3A_371 = arith.cmpi sge, %add3A_357, %ge3A_370 : i32
      %add3A_372 = arith.constant 4 : i32
      %add3A_373 = arith.addi %add3A_357, %add3A_372 : i32
      %lt3A_374 = arith.constant 160 : i32
      %lt3A_375 = arith.cmpi slt, %add3A_373, %lt3A_374 : i32
      %and3A_376 = arith.andi %ge3A_371, %lt3A_375 : i1
      %convert_element_type3A_377 = arith.extui %and3A_376 : i1 to i32
      %cond3A_378 = arith.constant 0 : i32
      %cond3A_379 = arith.cmpi ne, %convert_element_type3A_377, %cond3A_378 : i32
      scf.if %cond3A_379 {
        %sub3A = arith.constant 4 : i32
        %sub3A_452 = arith.subi %add3A_357, %sub3A : i32
        %dma_wait3A_453 = arith.constant 0 : i32
        %dma_wait3A_454 = tpu.memref_slice %arg7[%sub3A_452, %dma_wait3A_453] : memref<160x128xi32, #tpu.memory_space<vmem>> -> memref<1x128xi32, #tpu.memory_space<vmem>>
        %dma_wait3A_455 = tpu.memref_squeeze %dma_wait3A_454 : memref<1x128xi32, #tpu.memory_space<vmem>> -> memref<128xi32, #tpu.memory_space<vmem>>
        %dma_wait3A_456 = arith.constant 0 : i32
        %dma_wait3A_457 = arith.constant 0 : i32
        %dma_wait3A_458 = tpu.memref_slice %arg18[%dma_wait3A_456, %dma_wait3A_457] : memref<10000x32xf32, #tpu.memory_space<vmem_shared>> -> memref<10000x32xf32, #tpu.memory_space<vmem_shared>>
        tpu.wait_indirect_dma semaphore(%arg27 : memref<!tpu.dma_semaphore, #tpu.memory_space<semaphore_mem>>) src(%arg8 : memref<128x32xf32, #tpu.memory_space<vmem>>) dst(%dma_wait3A_458 : memref<10000x32xf32, #tpu.memory_space<vmem_shared>>)
        %add3A_459 = arith.constant 4 : i32
        %add3A_460 = arith.addi %add3A_357, %add3A_459 : i32
        %dma_start3A_461 = arith.constant 0 : i32
        %dma_start3A_462 = tpu.memref_slice %arg6[%add3A_460, %dma_start3A_461] : memref<160x128xi32, #tpu.memory_space<vmem>> -> memref<1x128xi32, #tpu.memory_space<vmem>>
        %dma_start3A_463 = tpu.memref_squeeze %dma_start3A_462 : memref<1x128xi32, #tpu.memory_space<vmem>> -> memref<128xi32, #tpu.memory_space<vmem>>
        %dma_start3A_464 = arith.constant 0 : i32
        %dma_start3A_465 = arith.constant 0 : i32
        %dma_start3A_466 = tpu.memref_slice %arg17[%dma_start3A_464, %dma_start3A_465] : memref<10016x32xf32, #tpu.memory_space<vmem_shared>> -> memref<10016x32xf32, #tpu.memory_space<vmem_shared>>
        tpu.enqueue_indirect_dma source(%dma_start3A_466 : memref<10016x32xf32, #tpu.memory_space<vmem_shared>>) target(%arg8 : memref<128x32xf32, #tpu.memory_space<vmem>>) offsets(%dma_start3A_463 : memref<128xi32, #tpu.memory_space<vmem>>) semaphore(%arg19 : memref<!tpu.dma_semaphore, #tpu.memory_space<semaphore_mem>>)
      } else {
      }
      %add3A_380 = arith.constant 5 : i32
      %add3A_381 = arith.addi %add3A_264, %add3A_380 : i32
      %dma_wait3A_382 = arith.constant 0 : i32
      %dma_wait3A_383 = tpu.memref_slice %arg6[%add3A_381, %dma_wait3A_382] : memref<160x128xi32, #tpu.memory_space<vmem>> -> memref<1x128xi32, #tpu.memory_space<vmem>>
      %dma_wait3A_384 = tpu.memref_squeeze %dma_wait3A_383 : memref<1x128xi32, #tpu.memory_space<vmem>> -> memref<128xi32, #tpu.memory_space<vmem>>
      %dma_wait3A_385 = arith.constant 0 : i32
      %dma_wait3A_386 = arith.constant 0 : i32
      %dma_wait3A_387 = tpu.memref_slice %arg17[%dma_wait3A_385, %dma_wait3A_386] : memref<10016x32xf32, #tpu.memory_space<vmem_shared>> -> memref<10016x32xf32, #tpu.memory_space<vmem_shared>>
      tpu.wait_indirect_dma semaphore(%arg24 : memref<!tpu.dma_semaphore, #tpu.memory_space<semaphore_mem>>) src(%dma_wait3A_387 : memref<10016x32xf32, #tpu.memory_space<vmem_shared>>) dst(%arg13 : memref<128x32xf32, #tpu.memory_space<vmem>>)
      %dma_start3A_388 = arith.constant 0 : i32
      %dma_start3A_389 = tpu.memref_slice %arg7[%add3A_381, %dma_start3A_388] : memref<160x128xi32, #tpu.memory_space<vmem>> -> memref<1x128xi32, #tpu.memory_space<vmem>>
      %dma_start3A_390 = tpu.memref_squeeze %dma_start3A_389 : memref<1x128xi32, #tpu.memory_space<vmem>> -> memref<128xi32, #tpu.memory_space<vmem>>
      %dma_start3A_391 = arith.constant 0 : i32
      %dma_start3A_392 = arith.constant 0 : i32
      %dma_start3A_393 = tpu.memref_slice %arg18[%dma_start3A_391, %dma_start3A_392] : memref<10000x32xf32, #tpu.memory_space<vmem_shared>> -> memref<10000x32xf32, #tpu.memory_space<vmem_shared>>
      tpu.enqueue_indirect_dma source(%arg13 : memref<128x32xf32, #tpu.memory_space<vmem>>) target(%dma_start3A_393 : memref<10000x32xf32, #tpu.memory_space<vmem_shared>>) offsets(%dma_start3A_390 : memref<128xi32, #tpu.memory_space<vmem>>) semaphore(%arg32 : memref<!tpu.dma_semaphore, #tpu.memory_space<semaphore_mem>>) {add = true}
      %ge3A_394 = arith.constant 4 : i32
      %ge3A_395 = arith.cmpi sge, %add3A_381, %ge3A_394 : i32
      %add3A_396 = arith.constant 4 : i32
      %add3A_397 = arith.addi %add3A_381, %add3A_396 : i32
      %lt3A_398 = arith.constant 160 : i32
      %lt3A_399 = arith.cmpi slt, %add3A_397, %lt3A_398 : i32
      %and3A_400 = arith.andi %ge3A_395, %lt3A_399 : i1
      %convert_element_type3A_401 = arith.extui %and3A_400 : i1 to i32
      %cond3A_402 = arith.constant 0 : i32
      %cond3A_403 = arith.cmpi ne, %convert_element_type3A_401, %cond3A_402 : i32
      scf.if %cond3A_403 {
        %sub3A = arith.constant 4 : i32
        %sub3A_452 = arith.subi %add3A_381, %sub3A : i32
        %dma_wait3A_453 = arith.constant 0 : i32
        %dma_wait3A_454 = tpu.memref_slice %arg7[%sub3A_452, %dma_wait3A_453] : memref<160x128xi32, #tpu.memory_space<vmem>> -> memref<1x128xi32, #tpu.memory_space<vmem>>
        %dma_wait3A_455 = tpu.memref_squeeze %dma_wait3A_454 : memref<1x128xi32, #tpu.memory_space<vmem>> -> memref<128xi32, #tpu.memory_space<vmem>>
        %dma_wait3A_456 = arith.constant 0 : i32
        %dma_wait3A_457 = arith.constant 0 : i32
        %dma_wait3A_458 = tpu.memref_slice %arg18[%dma_wait3A_456, %dma_wait3A_457] : memref<10000x32xf32, #tpu.memory_space<vmem_shared>> -> memref<10000x32xf32, #tpu.memory_space<vmem_shared>>
        tpu.wait_indirect_dma semaphore(%arg28 : memref<!tpu.dma_semaphore, #tpu.memory_space<semaphore_mem>>) src(%arg9 : memref<128x32xf32, #tpu.memory_space<vmem>>) dst(%dma_wait3A_458 : memref<10000x32xf32, #tpu.memory_space<vmem_shared>>)
        %add3A_459 = arith.constant 4 : i32
        %add3A_460 = arith.addi %add3A_381, %add3A_459 : i32
        %dma_start3A_461 = arith.constant 0 : i32
        %dma_start3A_462 = tpu.memref_slice %arg6[%add3A_460, %dma_start3A_461] : memref<160x128xi32, #tpu.memory_space<vmem>> -> memref<1x128xi32, #tpu.memory_space<vmem>>
        %dma_start3A_463 = tpu.memref_squeeze %dma_start3A_462 : memref<1x128xi32, #tpu.memory_space<vmem>> -> memref<128xi32, #tpu.memory_space<vmem>>
        %dma_start3A_464 = arith.constant 0 : i32
        %dma_start3A_465 = arith.constant 0 : i32
        %dma_start3A_466 = tpu.memref_slice %arg17[%dma_start3A_464, %dma_start3A_465] : memref<10016x32xf32, #tpu.memory_space<vmem_shared>> -> memref<10016x32xf32, #tpu.memory_space<vmem_shared>>
        tpu.enqueue_indirect_dma source(%dma_start3A_466 : memref<10016x32xf32, #tpu.memory_space<vmem_shared>>) target(%arg9 : memref<128x32xf32, #tpu.memory_space<vmem>>) offsets(%dma_start3A_463 : memref<128xi32, #tpu.memory_space<vmem>>) semaphore(%arg20 : memref<!tpu.dma_semaphore, #tpu.memory_space<semaphore_mem>>)
      } else {
      }
      %add3A_404 = arith.constant 6 : i32
      %add3A_405 = arith.addi %add3A_264, %add3A_404 : i32
      %dma_wait3A_406 = arith.constant 0 : i32
      %dma_wait3A_407 = tpu.memref_slice %arg6[%add3A_405, %dma_wait3A_406] : memref<160x128xi32, #tpu.memory_space<vmem>> -> memref<1x128xi32, #tpu.memory_space<vmem>>
      %dma_wait3A_408 = tpu.memref_squeeze %dma_wait3A_407 : memref<1x128xi32, #tpu.memory_space<vmem>> -> memref<128xi32, #tpu.memory_space<vmem>>
      %dma_wait3A_409 = arith.constant 0 : i32
      %dma_wait3A_410 = arith.constant 0 : i32
      %dma_wait3A_411 = tpu.memref_slice %arg17[%dma_wait3A_409, %dma_wait3A_410] : memref<10016x32xf32, #tpu.memory_space<vmem_shared>> -> memref<10016x32xf32, #tpu.memory_space<vmem_shared>>
      tpu.wait_indirect_dma semaphore(%arg25 : memref<!tpu.dma_semaphore, #tpu.memory_space<semaphore_mem>>) src(%dma_wait3A_411 : memref<10016x32xf32, #tpu.memory_space<vmem_shared>>) dst(%arg14 : memref<128x32xf32, #tpu.memory_space<vmem>>)
      %dma_start3A_412 = arith.constant 0 : i32
      %dma_start3A_413 = tpu.memref_slice %arg7[%add3A_405, %dma_start3A_412] : memref<160x128xi32, #tpu.memory_space<vmem>> -> memref<1x128xi32, #tpu.memory_space<vmem>>
      %dma_start3A_414 = tpu.memref_squeeze %dma_start3A_413 : memref<1x128xi32, #tpu.memory_space<vmem>> -> memref<128xi32, #tpu.memory_space<vmem>>
      %dma_start3A_415 = arith.constant 0 : i32
      %dma_start3A_416 = arith.constant 0 : i32
      %dma_start3A_417 = tpu.memref_slice %arg18[%dma_start3A_415, %dma_start3A_416] : memref<10000x32xf32, #tpu.memory_space<vmem_shared>> -> memref<10000x32xf32, #tpu.memory_space<vmem_shared>>
      tpu.enqueue_indirect_dma source(%arg14 : memref<128x32xf32, #tpu.memory_space<vmem>>) target(%dma_start3A_417 : memref<10000x32xf32, #tpu.memory_space<vmem_shared>>) offsets(%dma_start3A_414 : memref<128xi32, #tpu.memory_space<vmem>>) semaphore(%arg33 : memref<!tpu.dma_semaphore, #tpu.memory_space<semaphore_mem>>) {add = true}
      %ge3A_418 = arith.constant 4 : i32
      %ge3A_419 = arith.cmpi sge, %add3A_405, %ge3A_418 : i32
      %add3A_420 = arith.constant 4 : i32
      %add3A_421 = arith.addi %add3A_405, %add3A_420 : i32
      %lt3A_422 = arith.constant 160 : i32
      %lt3A_423 = arith.cmpi slt, %add3A_421, %lt3A_422 : i32
      %and3A_424 = arith.andi %ge3A_419, %lt3A_423 : i1
      %convert_element_type3A_425 = arith.extui %and3A_424 : i1 to i32
      %cond3A_426 = arith.constant 0 : i32
      %cond3A_427 = arith.cmpi ne, %convert_element_type3A_425, %cond3A_426 : i32
      scf.if %cond3A_427 {
        %sub3A = arith.constant 4 : i32
        %sub3A_452 = arith.subi %add3A_405, %sub3A : i32
        %dma_wait3A_453 = arith.constant 0 : i32
        %dma_wait3A_454 = tpu.memref_slice %arg7[%sub3A_452, %dma_wait3A_453] : memref<160x128xi32, #tpu.memory_space<vmem>> -> memref<1x128xi32, #tpu.memory_space<vmem>>
        %dma_wait3A_455 = tpu.memref_squeeze %dma_wait3A_454 : memref<1x128xi32, #tpu.memory_space<vmem>> -> memref<128xi32, #tpu.memory_space<vmem>>
        %dma_wait3A_456 = arith.constant 0 : i32
        %dma_wait3A_457 = arith.constant 0 : i32
        %dma_wait3A_458 = tpu.memref_slice %arg18[%dma_wait3A_456, %dma_wait3A_457] : memref<10000x32xf32, #tpu.memory_space<vmem_shared>> -> memref<10000x32xf32, #tpu.memory_space<vmem_shared>>
        tpu.wait_indirect_dma semaphore(%arg29 : memref<!tpu.dma_semaphore, #tpu.memory_space<semaphore_mem>>) src(%arg10 : memref<128x32xf32, #tpu.memory_space<vmem>>) dst(%dma_wait3A_458 : memref<10000x32xf32, #tpu.memory_space<vmem_shared>>)
        %add3A_459 = arith.constant 4 : i32
        %add3A_460 = arith.addi %add3A_405, %add3A_459 : i32
        %dma_start3A_461 = arith.constant 0 : i32
        %dma_start3A_462 = tpu.memref_slice %arg6[%add3A_460, %dma_start3A_461] : memref<160x128xi32, #tpu.memory_space<vmem>> -> memref<1x128xi32, #tpu.memory_space<vmem>>
        %dma_start3A_463 = tpu.memref_squeeze %dma_start3A_462 : memref<1x128xi32, #tpu.memory_space<vmem>> -> memref<128xi32, #tpu.memory_space<vmem>>
        %dma_start3A_464 = arith.constant 0 : i32
        %dma_start3A_465 = arith.constant 0 : i32
        %dma_start3A_466 = tpu.memref_slice %arg17[%dma_start3A_464, %dma_start3A_465] : memref<10016x32xf32, #tpu.memory_space<vmem_shared>> -> memref<10016x32xf32, #tpu.memory_space<vmem_shared>>
        tpu.enqueue_indirect_dma source(%dma_start3A_466 : memref<10016x32xf32, #tpu.memory_space<vmem_shared>>) target(%arg10 : memref<128x32xf32, #tpu.memory_space<vmem>>) offsets(%dma_start3A_463 : memref<128xi32, #tpu.memory_space<vmem>>) semaphore(%arg21 : memref<!tpu.dma_semaphore, #tpu.memory_space<semaphore_mem>>)
      } else {
      }
      %add3A_428 = arith.constant 7 : i32
      %add3A_429 = arith.addi %add3A_264, %add3A_428 : i32
      %dma_wait3A_430 = arith.constant 0 : i32
      %dma_wait3A_431 = tpu.memref_slice %arg6[%add3A_429, %dma_wait3A_430] : memref<160x128xi32, #tpu.memory_space<vmem>> -> memref<1x128xi32, #tpu.memory_space<vmem>>
      %dma_wait3A_432 = tpu.memref_squeeze %dma_wait3A_431 : memref<1x128xi32, #tpu.memory_space<vmem>> -> memref<128xi32, #tpu.memory_space<vmem>>
      %dma_wait3A_433 = arith.constant 0 : i32
      %dma_wait3A_434 = arith.constant 0 : i32
      %dma_wait3A_435 = tpu.memref_slice %arg17[%dma_wait3A_433, %dma_wait3A_434] : memref<10016x32xf32, #tpu.memory_space<vmem_shared>> -> memref<10016x32xf32, #tpu.memory_space<vmem_shared>>
      tpu.wait_indirect_dma semaphore(%arg26 : memref<!tpu.dma_semaphore, #tpu.memory_space<semaphore_mem>>) src(%dma_wait3A_435 : memref<10016x32xf32, #tpu.memory_space<vmem_shared>>) dst(%arg15 : memref<128x32xf32, #tpu.memory_space<vmem>>)
      %dma_start3A_436 = arith.constant 0 : i32
      %dma_start3A_437 = tpu.memref_slice %arg7[%add3A_429, %dma_start3A_436] : memref<160x128xi32, #tpu.memory_space<vmem>> -> memref<1x128xi32, #tpu.memory_space<vmem>>
      %dma_start3A_438 = tpu.memref_squeeze %dma_start3A_437 : memref<1x128xi32, #tpu.memory_space<vmem>> -> memref<128xi32, #tpu.memory_space<vmem>>
      %dma_start3A_439 = arith.constant 0 : i32
      %dma_start3A_440 = arith.constant 0 : i32
      %dma_start3A_441 = tpu.memref_slice %arg18[%dma_start3A_439, %dma_start3A_440] : memref<10000x32xf32, #tpu.memory_space<vmem_shared>> -> memref<10000x32xf32, #tpu.memory_space<vmem_shared>>
      tpu.enqueue_indirect_dma source(%arg15 : memref<128x32xf32, #tpu.memory_space<vmem>>) target(%dma_start3A_441 : memref<10000x32xf32, #tpu.memory_space<vmem_shared>>) offsets(%dma_start3A_438 : memref<128xi32, #tpu.memory_space<vmem>>) semaphore(%arg34 : memref<!tpu.dma_semaphore, #tpu.memory_space<semaphore_mem>>) {add = true}
      %ge3A_442 = arith.constant 4 : i32
      %ge3A_443 = arith.cmpi sge, %add3A_429, %ge3A_442 : i32
      %add3A_444 = arith.constant 4 : i32
      %add3A_445 = arith.addi %add3A_429, %add3A_444 : i32
      %lt3A_446 = arith.constant 160 : i32
      %lt3A_447 = arith.cmpi slt, %add3A_445, %lt3A_446 : i32
      %and3A_448 = arith.andi %ge3A_443, %lt3A_447 : i1
      %convert_element_type3A_449 = arith.extui %and3A_448 : i1 to i32
      %cond3A_450 = arith.constant 0 : i32
      %cond3A_451 = arith.cmpi ne, %convert_element_type3A_449, %cond3A_450 : i32
      scf.if %cond3A_451 {
        %sub3A = arith.constant 4 : i32
        %sub3A_452 = arith.subi %add3A_429, %sub3A : i32
        %dma_wait3A_453 = arith.constant 0 : i32
        %dma_wait3A_454 = tpu.memref_slice %arg7[%sub3A_452, %dma_wait3A_453] : memref<160x128xi32, #tpu.memory_space<vmem>> -> memref<1x128xi32, #tpu.memory_space<vmem>>
        %dma_wait3A_455 = tpu.memref_squeeze %dma_wait3A_454 : memref<1x128xi32, #tpu.memory_space<vmem>> -> memref<128xi32, #tpu.memory_space<vmem>>
        %dma_wait3A_456 = arith.constant 0 : i32
        %dma_wait3A_457 = arith.constant 0 : i32
        %dma_wait3A_458 = tpu.memref_slice %arg18[%dma_wait3A_456, %dma_wait3A_457] : memref<10000x32xf32, #tpu.memory_space<vmem_shared>> -> memref<10000x32xf32, #tpu.memory_space<vmem_shared>>
        tpu.wait_indirect_dma semaphore(%arg30 : memref<!tpu.dma_semaphore, #tpu.memory_space<semaphore_mem>>) src(%arg11 : memref<128x32xf32, #tpu.memory_space<vmem>>) dst(%dma_wait3A_458 : memref<10000x32xf32, #tpu.memory_space<vmem_shared>>)
        %add3A_459 = arith.constant 4 : i32
        %add3A_460 = arith.addi %add3A_429, %add3A_459 : i32
        %dma_start3A_461 = arith.constant 0 : i32
        %dma_start3A_462 = tpu.memref_slice %arg6[%add3A_460, %dma_start3A_461] : memref<160x128xi32, #tpu.memory_space<vmem>> -> memref<1x128xi32, #tpu.memory_space<vmem>>
        %dma_start3A_463 = tpu.memref_squeeze %dma_start3A_462 : memref<1x128xi32, #tpu.memory_space<vmem>> -> memref<128xi32, #tpu.memory_space<vmem>>
        %dma_start3A_464 = arith.constant 0 : i32
        %dma_start3A_465 = arith.constant 0 : i32
        %dma_start3A_466 = tpu.memref_slice %arg17[%dma_start3A_464, %dma_start3A_465] : memref<10016x32xf32, #tpu.memory_space<vmem_shared>> -> memref<10016x32xf32, #tpu.memory_space<vmem_shared>>
        tpu.enqueue_indirect_dma source(%dma_start3A_466 : memref<10016x32xf32, #tpu.memory_space<vmem_shared>>) target(%arg11 : memref<128x32xf32, #tpu.memory_space<vmem>>) offsets(%dma_start3A_463 : memref<128xi32, #tpu.memory_space<vmem>>) semaphore(%arg22 : memref<!tpu.dma_semaphore, #tpu.memory_space<semaphore_mem>>)
      } else {
      }
    }
    %scan3A_201 = arith.constant 20 : i32
    %dma_wait3A_202 = arith.constant 152 : i32
    %dma_wait3A_203 = arith.constant 0 : i32
    %dma_wait3A_204 = tpu.memref_slice %arg7[%dma_wait3A_202, %dma_wait3A_203] : memref<160x128xi32, #tpu.memory_space<vmem>> -> memref<1x128xi32, #tpu.memory_space<vmem>>
    %dma_wait3A_205 = tpu.memref_squeeze %dma_wait3A_204 : memref<1x128xi32, #tpu.memory_space<vmem>> -> memref<128xi32, #tpu.memory_space<vmem>>
    %dma_wait3A_206 = arith.constant 0 : i32
    %dma_wait3A_207 = arith.constant 0 : i32
    %dma_wait3A_208 = tpu.memref_slice %arg18[%dma_wait3A_206, %dma_wait3A_207] : memref<10000x32xf32, #tpu.memory_space<vmem_shared>> -> memref<10000x32xf32, #tpu.memory_space<vmem_shared>>
    tpu.wait_indirect_dma semaphore(%arg27 : memref<!tpu.dma_semaphore, #tpu.memory_space<semaphore_mem>>) src(%arg8 : memref<128x32xf32, #tpu.memory_space<vmem>>) dst(%dma_wait3A_208 : memref<10000x32xf32, #tpu.memory_space<vmem_shared>>)
    %dma_wait3A_209 = arith.constant 153 : i32
    %dma_wait3A_210 = arith.constant 0 : i32
    %dma_wait3A_211 = tpu.memref_slice %arg7[%dma_wait3A_209, %dma_wait3A_210] : memref<160x128xi32, #tpu.memory_space<vmem>> -> memref<1x128xi32, #tpu.memory_space<vmem>>
    %dma_wait3A_212 = tpu.memref_squeeze %dma_wait3A_211 : memref<1x128xi32, #tpu.memory_space<vmem>> -> memref<128xi32, #tpu.memory_space<vmem>>
    %dma_wait3A_213 = arith.constant 0 : i32
    %dma_wait3A_214 = arith.constant 0 : i32
    %dma_wait3A_215 = tpu.memref_slice %arg18[%dma_wait3A_213, %dma_wait3A_214] : memref<10000x32xf32, #tpu.memory_space<vmem_shared>> -> memref<10000x32xf32, #tpu.memory_space<vmem_shared>>
    tpu.wait_indirect_dma semaphore(%arg28 : memref<!tpu.dma_semaphore, #tpu.memory_space<semaphore_mem>>) src(%arg9 : memref<128x32xf32, #tpu.memory_space<vmem>>) dst(%dma_wait3A_215 : memref<10000x32xf32, #tpu.memory_space<vmem_shared>>)
    %dma_wait3A_216 = arith.constant 154 : i32
    %dma_wait3A_217 = arith.constant 0 : i32
    %dma_wait3A_218 = tpu.memref_slice %arg7[%dma_wait3A_216, %dma_wait3A_217] : memref<160x128xi32, #tpu.memory_space<vmem>> -> memref<1x128xi32, #tpu.memory_space<vmem>>
    %dma_wait3A_219 = tpu.memref_squeeze %dma_wait3A_218 : memref<1x128xi32, #tpu.memory_space<vmem>> -> memref<128xi32, #tpu.memory_space<vmem>>
    %dma_wait3A_220 = arith.constant 0 : i32
    %dma_wait3A_221 = arith.constant 0 : i32
    %dma_wait3A_222 = tpu.memref_slice %arg18[%dma_wait3A_220, %dma_wait3A_221] : memref<10000x32xf32, #tpu.memory_space<vmem_shared>> -> memref<10000x32xf32, #tpu.memory_space<vmem_shared>>
    tpu.wait_indirect_dma semaphore(%arg29 : memref<!tpu.dma_semaphore, #tpu.memory_space<semaphore_mem>>) src(%arg10 : memref<128x32xf32, #tpu.memory_space<vmem>>) dst(%dma_wait3A_222 : memref<10000x32xf32, #tpu.memory_space<vmem_shared>>)
    %dma_wait3A_223 = arith.constant 155 : i32
    %dma_wait3A_224 = arith.constant 0 : i32
    %dma_wait3A_225 = tpu.memref_slice %arg7[%dma_wait3A_223, %dma_wait3A_224] : memref<160x128xi32, #tpu.memory_space<vmem>> -> memref<1x128xi32, #tpu.memory_space<vmem>>
    %dma_wait3A_226 = tpu.memref_squeeze %dma_wait3A_225 : memref<1x128xi32, #tpu.memory_space<vmem>> -> memref<128xi32, #tpu.memory_space<vmem>>
    %dma_wait3A_227 = arith.constant 0 : i32
    %dma_wait3A_228 = arith.constant 0 : i32
    %dma_wait3A_229 = tpu.memref_slice %arg18[%dma_wait3A_227, %dma_wait3A_228] : memref<10000x32xf32, #tpu.memory_space<vmem_shared>> -> memref<10000x32xf32, #tpu.memory_space<vmem_shared>>
    tpu.wait_indirect_dma semaphore(%arg30 : memref<!tpu.dma_semaphore, #tpu.memory_space<semaphore_mem>>) src(%arg11 : memref<128x32xf32, #tpu.memory_space<vmem>>) dst(%dma_wait3A_229 : memref<10000x32xf32, #tpu.memory_space<vmem_shared>>)
    %dma_wait3A_230 = arith.constant 156 : i32
    %dma_wait3A_231 = arith.constant 0 : i32
    %dma_wait3A_232 = tpu.memref_slice %arg7[%dma_wait3A_230, %dma_wait3A_231] : memref<160x128xi32, #tpu.memory_space<vmem>> -> memref<1x128xi32, #tpu.memory_space<vmem>>
    %dma_wait3A_233 = tpu.memref_squeeze %dma_wait3A_232 : memref<1x128xi32, #tpu.memory_space<vmem>> -> memref<128xi32, #tpu.memory_space<vmem>>
    %dma_wait3A_234 = arith.constant 0 : i32
    %dma_wait3A_235 = arith.constant 0 : i32
    %dma_wait3A_236 = tpu.memref_slice %arg18[%dma_wait3A_234, %dma_wait3A_235] : memref<10000x32xf32, #tpu.memory_space<vmem_shared>> -> memref<10000x32xf32, #tpu.memory_space<vmem_shared>>
    tpu.wait_indirect_dma semaphore(%arg31 : memref<!tpu.dma_semaphore, #tpu.memory_space<semaphore_mem>>) src(%arg12 : memref<128x32xf32, #tpu.memory_space<vmem>>) dst(%dma_wait3A_236 : memref<10000x32xf32, #tpu.memory_space<vmem_shared>>)
    %dma_wait3A_237 = arith.constant 157 : i32
    %dma_wait3A_238 = arith.constant 0 : i32
    %dma_wait3A_239 = tpu.memref_slice %arg7[%dma_wait3A_237, %dma_wait3A_238] : memref<160x128xi32, #tpu.memory_space<vmem>> -> memref<1x128xi32, #tpu.memory_space<vmem>>
    %dma_wait3A_240 = tpu.memref_squeeze %dma_wait3A_239 : memref<1x128xi32, #tpu.memory_space<vmem>> -> memref<128xi32, #tpu.memory_space<vmem>>
    %dma_wait3A_241 = arith.constant 0 : i32
    %dma_wait3A_242 = arith.constant 0 : i32
    %dma_wait3A_243 = tpu.memref_slice %arg18[%dma_wait3A_241, %dma_wait3A_242] : memref<10000x32xf32, #tpu.memory_space<vmem_shared>> -> memref<10000x32xf32, #tpu.memory_space<vmem_shared>>
    tpu.wait_indirect_dma semaphore(%arg32 : memref<!tpu.dma_semaphore, #tpu.memory_space<semaphore_mem>>) src(%arg13 : memref<128x32xf32, #tpu.memory_space<vmem>>) dst(%dma_wait3A_243 : memref<10000x32xf32, #tpu.memory_space<vmem_shared>>)
    %dma_wait3A_244 = arith.constant 158 : i32
    %dma_wait3A_245 = arith.constant 0 : i32
    %dma_wait3A_246 = tpu.memref_slice %arg7[%dma_wait3A_244, %dma_wait3A_245] : memref<160x128xi32, #tpu.memory_space<vmem>> -> memref<1x128xi32, #tpu.memory_space<vmem>>
    %dma_wait3A_247 = tpu.memref_squeeze %dma_wait3A_246 : memref<1x128xi32, #tpu.memory_space<vmem>> -> memref<128xi32, #tpu.memory_space<vmem>>
    %dma_wait3A_248 = arith.constant 0 : i32
    %dma_wait3A_249 = arith.constant 0 : i32
    %dma_wait3A_250 = tpu.memref_slice %arg18[%dma_wait3A_248, %dma_wait3A_249] : memref<10000x32xf32, #tpu.memory_space<vmem_shared>> -> memref<10000x32xf32, #tpu.memory_space<vmem_shared>>
    tpu.wait_indirect_dma semaphore(%arg33 : memref<!tpu.dma_semaphore, #tpu.memory_space<semaphore_mem>>) src(%arg14 : memref<128x32xf32, #tpu.memory_space<vmem>>) dst(%dma_wait3A_250 : memref<10000x32xf32, #tpu.memory_space<vmem_shared>>)
    %dma_wait3A_251 = arith.constant 159 : i32
    %dma_wait3A_252 = arith.constant 0 : i32
    %dma_wait3A_253 = tpu.memref_slice %arg7[%dma_wait3A_251, %dma_wait3A_252] : memref<160x128xi32, #tpu.memory_space<vmem>> -> memref<1x128xi32, #tpu.memory_space<vmem>>
    %dma_wait3A_254 = tpu.memref_squeeze %dma_wait3A_253 : memref<1x128xi32, #tpu.memory_space<vmem>> -> memref<128xi32, #tpu.memory_space<vmem>>
    %dma_wait3A_255 = arith.constant 0 : i32
    %dma_wait3A_256 = arith.constant 0 : i32
    %dma_wait3A_257 = tpu.memref_slice %arg18[%dma_wait3A_255, %dma_wait3A_256] : memref<10000x32xf32, #tpu.memory_space<vmem_shared>> -> memref<10000x32xf32, #tpu.memory_space<vmem_shared>>
    tpu.wait_indirect_dma semaphore(%arg34 : memref<!tpu.dma_semaphore, #tpu.memory_space<semaphore_mem>>) src(%arg15 : memref<128x32xf32, #tpu.memory_space<vmem>>) dst(%dma_wait3A_257 : memref<10000x32xf32, #tpu.memory_space<vmem_shared>>)
    %barrier3A_258 = arith.constant 0 : index
    tpu.barrier barrier_id(%barrier3A_258)
    %run_scoped3A_259 = arith.constant 1 : i32
    "tpu.region"() ({
      %run_scoped3A_260 = tpu.sem_alloc : memref<!tpu.dma_semaphore, #tpu.memory_space<semaphore_mem>>
      %dma_start3A_261 = arith.constant 0 : i32
      %dma_start3A_262 = tpu.memref_slice %arg5[%arg0, %run_scoped3A_259, %mul3A_4, %dma_start3A_261] : memref<2x2x10000x32xf32, #tpu.memory_space<hbm>> -> memref<1x1x625x32xf32, #tpu.memory_space<hbm>>
      %dma_start3A_263 = tpu.memref_squeeze %dma_start3A_262 : memref<1x1x625x32xf32, #tpu.memory_space<hbm>> -> memref<625x32xf32, #tpu.memory_space<hbm>>
      %dma_start3A_264 = arith.constant 0 : i32
      %dma_start3A_265 = tpu.memref_slice %arg18[%mul3A_4, %dma_start3A_264] : memref<10000x32xf32, #tpu.memory_space<vmem_shared>> -> memref<625x32xf32, #tpu.memory_space<vmem_shared>>
      tpu.enqueue_dma source(%dma_start3A_265 : memref<625x32xf32, #tpu.memory_space<vmem_shared>>) target(%dma_start3A_263 : memref<625x32xf32, #tpu.memory_space<hbm>>) target_semaphore(%run_scoped3A_260 : memref<!tpu.dma_semaphore, #tpu.memory_space<semaphore_mem>>)
      %dma_wait3A_266 = arith.constant 0 : i32
      %dma_wait3A_267 = tpu.memref_slice %arg5[%arg0, %run_scoped3A_259, %mul3A_4, %dma_wait3A_266] : memref<2x2x10000x32xf32, #tpu.memory_space<hbm>> -> memref<1x1x625x32xf32, #tpu.memory_space<hbm>>
      %dma_wait3A_268 = tpu.memref_squeeze %dma_wait3A_267 : memref<1x1x625x32xf32, #tpu.memory_space<hbm>> -> memref<625x32xf32, #tpu.memory_space<hbm>>
      %dma_wait3A_269 = arith.constant 0 : i32
      %dma_wait3A_270 = tpu.memref_slice %arg18[%mul3A_4, %dma_wait3A_269] : memref<10000x32xf32, #tpu.memory_space<vmem_shared>> -> memref<625x32xf32, #tpu.memory_space<vmem_shared>>
      tpu.wait_dma2 semaphore(%run_scoped3A_260 : memref<!tpu.dma_semaphore, #tpu.memory_space<semaphore_mem>>) src(%dma_wait3A_270 : memref<625x32xf32, #tpu.memory_space<vmem_shared>>) dst(%dma_wait3A_268 : memref<625x32xf32, #tpu.memory_space<hbm>>)
      tpu.yield
    }) : () -> ()
    return
  }
}

module attributes {stable_mosaic.version = 14 : i64} {
  func.func @_tc_norm_body(%arg0: memref<32x80x128xf32, #tpu.memory_space<vmem>>, %arg1: memref<32x80x128xf32, #tpu.memory_space<vmem>>, %arg2: memref<80x128x128xf32, #tpu.memory_space<vmem>>, %arg3: memref<4x80x128x32xf32, #tpu.memory_space<vmem>>, %arg4: memref<80x128xf32, #tpu.memory_space<vmem>>) attributes {dimension_semantics = [], scalar_prefetch = 0 : i64, scratch_operands = 0 : i64, tpu.core_type = #tpu.core_type<tc>} {
    %get3A = arith.constant 0 : index
    %get3A_0 = arith.constant 0 : index
    %get3A_1 = arith.constant 0 : index
    %get3A_2 = vector.load %arg0[%get3A, %get3A_0, %get3A_1] : memref<32x80x128xf32, #tpu.memory_space<vmem>>, vector<32x80x128xf32>
    %reduce_sum3A = arith.constant dense<0.000000e+00> : vector<80x128xf32>
    %reduce_sum3A_3 = vector.multi_reduction <add>, %get3A_2, %reduce_sum3A [0] : vector<32x80x128xf32> to vector<80x128xf32>
    %get3A_4 = arith.constant 0 : index
    %get3A_5 = arith.constant 0 : index
    %get3A_6 = arith.constant 0 : index
    %get3A_7 = vector.load %arg1[%get3A_4, %get3A_5, %get3A_6] : memref<32x80x128xf32, #tpu.memory_space<vmem>>, vector<32x80x128xf32>
    %reduce_sum3A_8 = arith.constant dense<0.000000e+00> : vector<80x128xf32>
    %reduce_sum3A_9 = vector.multi_reduction <add>, %get3A_7, %reduce_sum3A_8 [0] : vector<32x80x128xf32> to vector<80x128xf32>
    %gt3A = arith.constant 0.000000e+00 : f32
    %gt3A_10 = vector.broadcast %gt3A : f32 to vector<80x128xf32>
    %gt3A_11 = arith.cmpf ogt, %reduce_sum3A_3, %gt3A_10 : vector<80x128xf32>
    %max3A = arith.constant 1.000000e+00 : f32
    %max3A_12 = vector.broadcast %max3A : f32 to vector<80x128xf32>
    %max3A_13 = arith.maximumf %reduce_sum3A_3, %max3A_12 : vector<80x128xf32>
    %rsqrt3A = math.rsqrt %max3A_13 : vector<80x128xf32>
    %jit3A = arith.constant 0.000000e+00 : f32
    %broadcast_in_dim3A = vector.broadcast %jit3A : f32 to vector<80x128xf32>
    %select_n3A = arith.select %gt3A_11, %rsqrt3A, %broadcast_in_dim3A : vector<80x128xi1>, vector<80x128xf32>
    %gt3A_14 = arith.constant 0.000000e+00 : f32
    %gt3A_15 = vector.broadcast %gt3A_14 : f32 to vector<80x128xf32>
    %gt3A_16 = arith.cmpf ogt, %reduce_sum3A_9, %gt3A_15 : vector<80x128xf32>
    %max3A_17 = arith.constant 1.000000e+00 : f32
    %max3A_18 = vector.broadcast %max3A_17 : f32 to vector<80x128xf32>
    %max3A_19 = arith.maximumf %reduce_sum3A_9, %max3A_18 : vector<80x128xf32>
    %rsqrt3A_20 = math.rsqrt %max3A_19 : vector<80x128xf32>
    %jit3A_21 = arith.constant 0.000000e+00 : f32
    %broadcast_in_dim3A_22 = vector.broadcast %jit3A_21 : f32 to vector<80x128xf32>
    %select_n3A_23 = arith.select %gt3A_16, %rsqrt3A_20, %broadcast_in_dim3A_22 : vector<80x128xi1>, vector<80x128xf32>
    %get3A_24 = arith.constant 0 : index
    %get3A_25 = arith.constant 0 : index
    %get3A_26 = arith.constant 0 : index
    %get3A_27 = vector.load %arg2[%get3A_24, %get3A_25, %get3A_26] : memref<80x128x128xf32, #tpu.memory_space<vmem>>, vector<80x128x128xf32>
    %broadcast_in_dim3A_28 = vector.shape_cast %select_n3A : vector<80x128xf32> to vector<80x128x1xf32>
    %mul3A = vector.broadcast %broadcast_in_dim3A_28 : vector<80x128x1xf32> to vector<80x128x128xf32>
    %mul3A_29 = arith.mulf %get3A_27, %mul3A : vector<80x128x128xf32>
    %slice3A = vector.extract_strided_slice %mul3A_29 {offsets = [0, 0, 0], sizes = [80, 128, 32], strides = [1, 1, 1]} : vector<80x128x128xf32> to vector<80x128x32xf32>
    %swap3A = arith.constant 0 : index
    %swap3A_30 = arith.constant 0 : index
    %swap3A_31 = arith.constant 0 : index
    %swap3A_32 = arith.constant 0 : index
    %swap3A_33 = vector.load %arg3[%swap3A, %swap3A_30, %swap3A_31, %swap3A_32] : memref<4x80x128x32xf32, #tpu.memory_space<vmem>>, vector<1x80x128x32xf32>
    %swap3A_34 = vector.shape_cast %swap3A_33 : vector<1x80x128x32xf32> to vector<80x128x32xf32>
    %swap3A_35 = vector.shape_cast %slice3A : vector<80x128x32xf32> to vector<1x80x128x32xf32>
    tpu.vector_store %arg3[%swap3A, %swap3A_30, %swap3A_31, %swap3A_32], %swap3A_35 {strides = array<i32>} : memref<4x80x128x32xf32, #tpu.memory_space<vmem>>, vector<1x80x128x32xf32>,
    %slice3A_36 = vector.extract_strided_slice %mul3A_29 {offsets = [0, 0, 32], sizes = [80, 128, 32], strides = [1, 1, 1]} : vector<80x128x128xf32> to vector<80x128x32xf32>
    %swap3A_37 = arith.constant 1 : index
    %swap3A_38 = arith.constant 0 : index
    %swap3A_39 = arith.constant 0 : index
    %swap3A_40 = arith.constant 0 : index
    %swap3A_41 = vector.load %arg3[%swap3A_37, %swap3A_38, %swap3A_39, %swap3A_40] : memref<4x80x128x32xf32, #tpu.memory_space<vmem>>, vector<1x80x128x32xf32>
    %swap3A_42 = vector.shape_cast %swap3A_41 : vector<1x80x128x32xf32> to vector<80x128x32xf32>
    %swap3A_43 = vector.shape_cast %slice3A_36 : vector<80x128x32xf32> to vector<1x80x128x32xf32>
    tpu.vector_store %arg3[%swap3A_37, %swap3A_38, %swap3A_39, %swap3A_40], %swap3A_43 {strides = array<i32>} : memref<4x80x128x32xf32, #tpu.memory_space<vmem>>, vector<1x80x128x32xf32>,
    %slice3A_44 = vector.extract_strided_slice %mul3A_29 {offsets = [0, 0, 64], sizes = [80, 128, 32], strides = [1, 1, 1]} : vector<80x128x128xf32> to vector<80x128x32xf32>
    %swap3A_45 = arith.constant 2 : index
    %swap3A_46 = arith.constant 0 : index
    %swap3A_47 = arith.constant 0 : index
    %swap3A_48 = arith.constant 0 : index
    %swap3A_49 = vector.load %arg3[%swap3A_45, %swap3A_46, %swap3A_47, %swap3A_48] : memref<4x80x128x32xf32, #tpu.memory_space<vmem>>, vector<1x80x128x32xf32>
    %swap3A_50 = vector.shape_cast %swap3A_49 : vector<1x80x128x32xf32> to vector<80x128x32xf32>
    %swap3A_51 = vector.shape_cast %slice3A_44 : vector<80x128x32xf32> to vector<1x80x128x32xf32>
    tpu.vector_store %arg3[%swap3A_45, %swap3A_46, %swap3A_47, %swap3A_48], %swap3A_51 {strides = array<i32>} : memref<4x80x128x32xf32, #tpu.memory_space<vmem>>, vector<1x80x128x32xf32>,
    %slice3A_52 = vector.extract_strided_slice %mul3A_29 {offsets = [0, 0, 96], sizes = [80, 128, 32], strides = [1, 1, 1]} : vector<80x128x128xf32> to vector<80x128x32xf32>
    %swap3A_53 = arith.constant 3 : index
    %swap3A_54 = arith.constant 0 : index
    %swap3A_55 = arith.constant 0 : index
    %swap3A_56 = arith.constant 0 : index
    %swap3A_57 = vector.load %arg3[%swap3A_53, %swap3A_54, %swap3A_55, %swap3A_56] : memref<4x80x128x32xf32, #tpu.memory_space<vmem>>, vector<1x80x128x32xf32>
    %swap3A_58 = vector.shape_cast %swap3A_57 : vector<1x80x128x32xf32> to vector<80x128x32xf32>
    %swap3A_59 = vector.shape_cast %slice3A_52 : vector<80x128x32xf32> to vector<1x80x128x32xf32>
    tpu.vector_store %arg3[%swap3A_53, %swap3A_54, %swap3A_55, %swap3A_56], %swap3A_59 {strides = array<i32>} : memref<4x80x128x32xf32, #tpu.memory_space<vmem>>, vector<1x80x128x32xf32>,
    %swap3A_60 = arith.constant 0 : index
    %swap3A_61 = arith.constant 0 : index
    %swap3A_62 = vector.load %arg4[%swap3A_60, %swap3A_61] : memref<80x128xf32, #tpu.memory_space<vmem>>, vector<80x128xf32>
    tpu.vector_store %arg4[%swap3A_60, %swap3A_61], %select_n3A_23 {strides = array<i32>} : memref<80x128xf32, #tpu.memory_space<vmem>>, vector<80x128xf32>,
    return
  }
}

module attributes {stable_mosaic.version = 14 : i64} {
  func.func @_tc_dense_body(%arg0: i32, %arg1: memref<2x2x1x2500x32xf32, #tpu.memory_space<vmem>>, %arg2: memref<1x2500x1xf32, #tpu.memory_space<vmem>>, %arg3: memref<128x128xf32, #tpu.memory_space<vmem>>, %arg4: memref<1x128xf32, #tpu.memory_space<vmem>>, %arg5: memref<1x1x256xf32, #tpu.memory_space<vmem>>, %arg6: memref<256x512xf32, #tpu.memory_space<vmem>>, %arg7: memref<1x512xf32, #tpu.memory_space<vmem>>, %arg8: memref<1x2500x128xf32, #tpu.memory_space<vmem>>, %arg9: memref<1x2500x128xf32, #tpu.memory_space<vmem>>, %arg10: memref<1x2500x128xf32, #tpu.memory_space<vmem>>) attributes {dimension_semantics = [#tpu.dimension_semantics<arbitrary>], iteration_bounds = array<i64: 4>, scalar_prefetch = 0 : i64, scratch_operands = 0 : i64, tpu.core_type = #tpu.core_type<tc>, window_params = [{transform_indices = @transform_0, window_bounds = array<i64: 2, 2, 1, 2500, 32>}, {transform_indices = @transform_1, window_bounds = array<i64: 1, 2500, 1>}, {pipeline_mode = #tpu.pipeline_mode<synchronous>, transform_indices = @transform_2, window_bounds = array<i64: 128, 128>}, {pipeline_mode = #tpu.pipeline_mode<synchronous>, transform_indices = @transform_3, window_bounds = array<i64: 1, 128>}, {transform_indices = @transform_4, window_bounds = array<i64: 1, 1, 256>}, {pipeline_mode = #tpu.pipeline_mode<synchronous>, transform_indices = @transform_5, window_bounds = array<i64: 256, 512>}, {pipeline_mode = #tpu.pipeline_mode<synchronous>, transform_indices = @transform_6, window_bounds = array<i64: 1, 512>}, {transform_indices = @transform_7, window_bounds = array<i64: 1, 2500, 128>}, {transform_indices = @transform_8, window_bounds = array<i64: 1, 2500, 128>}, {transform_indices = @transform_9, window_bounds = array<i64: 1, 2500, 128>}]} {
    %get3A = arith.constant 0 : index
    %get3A_0 = arith.constant 0 : index
    %get3A_1 = arith.constant 0 : index
    %get3A_2 = arith.constant 0 : index
    %get3A_3 = arith.constant 0 : index
    %get3A_4 = vector.load %arg1[%get3A, %get3A_0, %get3A_1, %get3A_2, %get3A_3] : memref<2x2x1x2500x32xf32, #tpu.memory_space<vmem>>, vector<1x1x1x2500x32xf32>
    %get3A_5 = vector.shape_cast %get3A_4 : vector<1x1x1x2500x32xf32> to vector<2500x32xf32>
    %get3A_6 = arith.constant 0 : index
    %get3A_7 = arith.constant 1 : index
    %get3A_8 = arith.constant 0 : index
    %get3A_9 = arith.constant 0 : index
    %get3A_10 = arith.constant 0 : index
    %get3A_11 = vector.load %arg1[%get3A_6, %get3A_7, %get3A_8, %get3A_9, %get3A_10] : memref<2x2x1x2500x32xf32, #tpu.memory_space<vmem>>, vector<1x1x1x2500x32xf32>
    %get3A_12 = vector.shape_cast %get3A_11 : vector<1x1x1x2500x32xf32> to vector<2500x32xf32>
    %get3A_13 = arith.constant 1 : index
    %get3A_14 = arith.constant 0 : index
    %get3A_15 = arith.constant 0 : index
    %get3A_16 = arith.constant 0 : index
    %get3A_17 = arith.constant 0 : index
    %get3A_18 = vector.load %arg1[%get3A_13, %get3A_14, %get3A_15, %get3A_16, %get3A_17] : memref<2x2x1x2500x32xf32, #tpu.memory_space<vmem>>, vector<1x1x1x2500x32xf32>
    %get3A_19 = vector.shape_cast %get3A_18 : vector<1x1x1x2500x32xf32> to vector<2500x32xf32>
    %get3A_20 = arith.constant 1 : index
    %get3A_21 = arith.constant 1 : index
    %get3A_22 = arith.constant 0 : index
    %get3A_23 = arith.constant 0 : index
    %get3A_24 = arith.constant 0 : index
    %get3A_25 = vector.load %arg1[%get3A_20, %get3A_21, %get3A_22, %get3A_23, %get3A_24] : memref<2x2x1x2500x32xf32, #tpu.memory_space<vmem>>, vector<1x1x1x2500x32xf32>
    %get3A_26 = vector.shape_cast %get3A_25 : vector<1x1x1x2500x32xf32> to vector<2500x32xf32>
    %concatenate3A = tpu.concatenate %get3A_5, %get3A_12, %get3A_19, %get3A_26 in 1 : vector<2500x32xf32>, vector<2500x32xf32>, vector<2500x32xf32>, vector<2500x32xf32> -> vector<2500x128xf32>
    %get3A_27 = arith.constant 0 : index
    %get3A_28 = arith.constant 0 : index
    %get3A_29 = arith.constant 0 : index
    %get3A_30 = vector.load %arg2[%get3A_27, %get3A_28, %get3A_29] : memref<1x2500x1xf32, #tpu.memory_space<vmem>>, vector<1x2500x1xf32>
    %get3A_31 = vector.shape_cast %get3A_30 : vector<1x2500x1xf32> to vector<2500x1xf32>
    %mul3A = vector.broadcast %get3A_31 : vector<2500x1xf32> to vector<2500x128xf32>
    %mul3A_32 = arith.mulf %concatenate3A, %mul3A : vector<2500x128xf32>
    %get3A_33 = arith.constant 0 : index
    %get3A_34 = arith.constant 0 : index
    %get3A_35 = vector.load %arg3[%get3A_33, %get3A_34] : memref<128x128xf32, #tpu.memory_space<vmem>>, vector<128x128xf32>
    %dot_general3A = arith.constant dense<0.000000e+00> : vector<2500x128xf32>
    %dot_general3A_36 = tpu.matmul %mul3A_32, %get3A_35, %dot_general3A {dimension_numbers = #tpu.dot_dimension_numbers<[1], [0], [0], [1], [0, 0, 1, 1], [], []>, transpose_lhs_hint = false} : vector<2500x128xf32>, vector<128x128xf32>, vector<2500x128xf32> -> vector<2500x128xf32>
    %get3A_37 = arith.constant 0 : index
    %get3A_38 = arith.constant 0 : index
    %get3A_39 = vector.load %arg4[%get3A_37, %get3A_38] : memref<1x128xf32, #tpu.memory_space<vmem>>, vector<1x128xf32>
    %add3A = vector.broadcast %get3A_39 : vector<1x128xf32> to vector<2500x128xf32>
    %add3A_40 = arith.addf %dot_general3A_36, %add3A : vector<2500x128xf32>
    %get3A_41 = arith.constant 0 : index
    %get3A_42 = arith.constant 0 : index
    %get3A_43 = arith.constant 0 : index
    %get3A_44 = vector.load %arg5[%get3A_41, %get3A_42, %get3A_43] : memref<1x1x256xf32, #tpu.memory_space<vmem>>, vector<1x1x256xf32>
    %get3A_45 = vector.shape_cast %get3A_44 : vector<1x1x256xf32> to vector<1x256xf32>
    %get3A_46 = arith.constant 0 : index
    %get3A_47 = arith.constant 0 : index
    %get3A_48 = vector.load %arg6[%get3A_46, %get3A_47] : memref<256x512xf32, #tpu.memory_space<vmem>>, vector<256x512xf32>
    %dot_general3A_49 = arith.constant dense<0.000000e+00> : vector<1x512xf32>
    %dot_general3A_50 = tpu.matmul %get3A_45, %get3A_48, %dot_general3A_49 {dimension_numbers = #tpu.dot_dimension_numbers<[1], [0], [0], [1], [0, 0, 1, 1], [], []>, transpose_lhs_hint = false} : vector<1x256xf32>, vector<256x512xf32>, vector<1x512xf32> -> vector<1x512xf32>
    %get3A_51 = arith.constant 0 : index
    %get3A_52 = arith.constant 0 : index
    %get3A_53 = vector.load %arg7[%get3A_51, %get3A_52] : memref<1x512xf32, #tpu.memory_space<vmem>>, vector<1x512xf32>
    %add3A_54 = arith.addf %dot_general3A_50, %get3A_53 : vector<1x512xf32>
    %slice3A = vector.extract_strided_slice %add3A_54 {offsets = [0, 0], sizes = [1, 128], strides = [1, 1]} : vector<1x512xf32> to vector<1x128xf32>
    %add3A_55 = vector.broadcast %slice3A : vector<1x128xf32> to vector<2500x128xf32>
    %add3A_56 = arith.addf %add3A_40, %add3A_55 : vector<2500x128xf32>
    %logistic3A = arith.negf %add3A_56 : vector<2500x128xf32>
    %logistic3A_57 = math.exp %logistic3A : vector<2500x128xf32>
    %logistic3A_58 = arith.constant 1.000000e+00 : f32
    %logistic3A_59 = vector.broadcast %logistic3A_58 : f32 to vector<2500x128xf32>
    %logistic3A_60 = arith.addf %logistic3A_59, %logistic3A_57 : vector<2500x128xf32>
    %logistic3A_61 = arith.divf %logistic3A_59, %logistic3A_60 : vector<2500x128xf32>
    %slice3A_62 = vector.extract_strided_slice %add3A_54 {offsets = [0, 128], sizes = [1, 128], strides = [1, 1]} : vector<1x512xf32> to vector<1x128xf32>
    %add3A_63 = vector.broadcast %slice3A_62 : vector<1x128xf32> to vector<2500x128xf32>
    %add3A_64 = arith.addf %add3A_40, %add3A_63 : vector<2500x128xf32>
    %logistic3A_65 = arith.negf %add3A_64 : vector<2500x128xf32>
    %logistic3A_66 = math.exp %logistic3A_65 : vector<2500x128xf32>
    %logistic3A_67 = arith.constant 1.000000e+00 : f32
    %logistic3A_68 = vector.broadcast %logistic3A_67 : f32 to vector<2500x128xf32>
    %logistic3A_69 = arith.addf %logistic3A_68, %logistic3A_66 : vector<2500x128xf32>
    %logistic3A_70 = arith.divf %logistic3A_68, %logistic3A_69 : vector<2500x128xf32>
    %slice3A_71 = vector.extract_strided_slice %add3A_54 {offsets = [0, 256], sizes = [1, 128], strides = [1, 1]} : vector<1x512xf32> to vector<1x128xf32>
    %add3A_72 = vector.broadcast %slice3A_71 : vector<1x128xf32> to vector<2500x128xf32>
    %add3A_73 = arith.addf %add3A_40, %add3A_72 : vector<2500x128xf32>
    %logistic3A_74 = arith.negf %add3A_73 : vector<2500x128xf32>
    %logistic3A_75 = math.exp %logistic3A_74 : vector<2500x128xf32>
    %logistic3A_76 = arith.constant 1.000000e+00 : f32
    %logistic3A_77 = vector.broadcast %logistic3A_76 : f32 to vector<2500x128xf32>
    %logistic3A_78 = arith.addf %logistic3A_77, %logistic3A_75 : vector<2500x128xf32>
    %logistic3A_79 = arith.divf %logistic3A_77, %logistic3A_78 : vector<2500x128xf32>
    %slice3A_80 = vector.extract_strided_slice %add3A_54 {offsets = [0, 384], sizes = [1, 128], strides = [1, 1]} : vector<1x512xf32> to vector<1x128xf32>
    %add3A_81 = vector.broadcast %slice3A_80 : vector<1x128xf32> to vector<2500x128xf32>
    %add3A_82 = arith.addf %add3A_40, %add3A_81 : vector<2500x128xf32>
    %tanh3A = math.tanh %add3A_82 : vector<2500x128xf32>
    %get3A_83 = arith.constant 0 : index
    %get3A_84 = arith.constant 0 : index
    %get3A_85 = arith.constant 0 : index
    %get3A_86 = vector.load %arg8[%get3A_83, %get3A_84, %get3A_85] : memref<1x2500x128xf32, #tpu.memory_space<vmem>>, vector<1x2500x128xf32>
    %get3A_87 = vector.shape_cast %get3A_86 : vector<1x2500x128xf32> to vector<2500x128xf32>
    %mul3A_88 = arith.mulf %logistic3A_70, %get3A_87 : vector<2500x128xf32>
    %mul3A_89 = arith.mulf %logistic3A_61, %tanh3A : vector<2500x128xf32>
    %add3A_90 = arith.addf %mul3A_88, %mul3A_89 : vector<2500x128xf32>
    %tanh3A_91 = math.tanh %add3A_90 : vector<2500x128xf32>
    %mul3A_92 = arith.mulf %logistic3A_79, %tanh3A_91 : vector<2500x128xf32>
    %swap3A = arith.constant 0 : index
    %swap3A_93 = arith.constant 0 : index
    %swap3A_94 = arith.constant 0 : index
    %swap3A_95 = vector.load %arg9[%swap3A, %swap3A_93, %swap3A_94] : memref<1x2500x128xf32, #tpu.memory_space<vmem>>, vector<1x2500x128xf32>
    %swap3A_96 = vector.shape_cast %swap3A_95 : vector<1x2500x128xf32> to vector<2500x128xf32>
    %swap3A_97 = vector.shape_cast %mul3A_92 : vector<2500x128xf32> to vector<1x2500x128xf32>
    tpu.vector_store %arg9[%swap3A, %swap3A_93, %swap3A_94], %swap3A_97 {strides = array<i32>} : memref<1x2500x128xf32, #tpu.memory_space<vmem>>, vector<1x2500x128xf32>,
    %swap3A_98 = arith.constant 0 : index
    %swap3A_99 = arith.constant 0 : index
    %swap3A_100 = arith.constant 0 : index
    %swap3A_101 = vector.load %arg10[%swap3A_98, %swap3A_99, %swap3A_100] : memref<1x2500x128xf32, #tpu.memory_space<vmem>>, vector<1x2500x128xf32>
    %swap3A_102 = vector.shape_cast %swap3A_101 : vector<1x2500x128xf32> to vector<2500x128xf32>
    %swap3A_103 = vector.shape_cast %add3A_90 : vector<2500x128xf32> to vector<1x2500x128xf32>
    tpu.vector_store %arg10[%swap3A_98, %swap3A_99, %swap3A_100], %swap3A_103 {strides = array<i32>} : memref<1x2500x128xf32, #tpu.memory_space<vmem>>, vector<1x2500x128xf32>,
    return
  }
  func.func @transform_0(%arg0: i32) -> (i32, i32, i32, i32, i32) {
    %c0_i32 = arith.constant 0 : i32
    %c0_i32_0 = arith.constant 0 : i32
    %c0_i32_1 = arith.constant 0 : i32
    %c0_i32_2 = arith.constant 0 : i32
    %c0_i32_3 = arith.constant 0 : i32
    return %c0_i32, %c0_i32_0, %arg0, %c0_i32_1, %c0_i32_2 : i32, i32, i32, i32, i32
  }
  func.func @transform_1(%arg0: i32) -> (i32, i32, i32) {
    %c0_i32 = arith.constant 0 : i32
    %c0_i32_0 = arith.constant 0 : i32
    %c0_i32_1 = arith.constant 0 : i32
    return %arg0, %c0_i32, %c0_i32_0 : i32, i32, i32
  }
  func.func @transform_2(%arg0: i32) -> (i32, i32) {
    %c0_i32 = arith.constant 0 : i32
    %c0_i32_0 = arith.constant 0 : i32
    %c0_i32_1 = arith.constant 0 : i32
    return %c0_i32, %c0_i32_0 : i32, i32
  }
  func.func @transform_3(%arg0: i32) -> (i32, i32) {
    %c0_i32 = arith.constant 0 : i32
    %c0_i32_0 = arith.constant 0 : i32
    %c0_i32_1 = arith.constant 0 : i32
    return %c0_i32, %c0_i32_0 : i32, i32
  }
  func.func @transform_4(%arg0: i32) -> (i32, i32, i32) {
    %c0_i32 = arith.constant 0 : i32
    %c0_i32_0 = arith.constant 0 : i32
    %c0_i32_1 = arith.constant 0 : i32
    return %arg0, %c0_i32, %c0_i32_0 : i32, i32, i32
  }
  func.func @transform_5(%arg0: i32) -> (i32, i32) {
    %c0_i32 = arith.constant 0 : i32
    %c0_i32_0 = arith.constant 0 : i32
    %c0_i32_1 = arith.constant 0 : i32
    return %c0_i32, %c0_i32_0 : i32, i32
  }
  func.func @transform_6(%arg0: i32) -> (i32, i32) {
    %c0_i32 = arith.constant 0 : i32
    %c0_i32_0 = arith.constant 0 : i32
    %c0_i32_1 = arith.constant 0 : i32
    return %c0_i32, %c0_i32_0 : i32, i32
  }
  func.func @transform_7(%arg0: i32) -> (i32, i32, i32) {
    %c0_i32 = arith.constant 0 : i32
    %c0_i32_0 = arith.constant 0 : i32
    %c0_i32_1 = arith.constant 0 : i32
    return %arg0, %c0_i32, %c0_i32_0 : i32, i32, i32
  }
  func.func @transform_8(%arg0: i32) -> (i32, i32, i32) {
    %c0_i32 = arith.constant 0 : i32
    %c0_i32_0 = arith.constant 0 : i32
    %c0_i32_1 = arith.constant 0 : i32
    return %arg0, %c0_i32, %c0_i32_0 : i32, i32, i32
  }
  func.func @transform_9(%arg0: i32) -> (i32, i32, i32) {
    %c0_i32 = arith.constant 0 : i32
    %c0_i32_0 = arith.constant 0 : i32
    %c0_i32_1 = arith.constant 0 : i32
    return %arg0, %c0_i32, %c0_i32_0 : i32, i32, i32
  }
}

</mosaic_0001>

<sc_bundles>
// kernel: kernel.6.cloned.1.call-start
scs
__scs_entry_jumppad:
0x0: {  	(pc) =	sbr.rel $0x88, $3  }
0x1: {  	(tag) =	ssettag $0x0;
	lr =	simm.s32 $0x1  }
0x2: {  	[smem:$0x3F93] =	sst lr;
	_ =	strace $0xD0000000  }
0x3: {  	_ = 	snop  }
0x4: {  	_ = 	snop  }
0x5: {  	_ = 	snop  }
0x6: {  	_ = 	snop  }
0x7: {  	_ = 	snop  }
__scs_overlays_trampoline_lowered:
0x8: {  	[smem:$0x3FA2] =	sst s0  }
0x9: {  	[smem:$0x3FA3] =	sst s1  }
0xa: {  	[smem:$0x3FA4] =	sst s2  }
0xb: {  	[smem:$0x3FA5] =	sst s3  }
0xc: {  	[smem:$0x3FA6] =	sst s4  }
0xd: {  	[smem:$0x3FA7] =	sst s5  }
0xe: {  	[smem:$0x3FA8] =	sst s6  }
0xf: {  	[smem:$0x3FA9] =	sst s7  }
0x10: {  	[smem:$0x3FAA] =	sst s8  }
0x11: {  	[smem:$0x3FAB] =	sst s9;
	s0 =	simm.s32 @!p0 $0x0  }
0x12: {  	s1 =	sld [smem:$0x3F91];
	s0 =	simm.s32 @p0 $0x1  }
0x13: {  	[smem:$0x3FAC] =	sst s0;
	s0 =	simm.s32 @!p1 $0x0  }
0x14: {  	s2 =	sld [smem:$0x3F90];
	s0 =	simm.s32 @p1 $0x1  }
0x15: {  	[smem:$0x3FAD] =	sst s0;
	s0 =	simm.s32 @!p2 $0x0  }
0x16: {  	s3 =	sld [smem:$0x3FDB];
	s0 =	simm.s32 @p2 $0x1  }
0x17: {  	s4 =	simm.s32 $0x1BF5;
	[smem:$0x3FAF] =	sst s0  }
0x18: {  	s0 =	sld [smem:$0x3F92];
	_ =	swait.ge [sflag:s4], $0x0  }
0x19: {  	s7 =	sld [smem:$0x3F93]  }
0x1a: {  	s8 =	sadd.s32 $0xFFFFE003, lr  }
0x1b: {  	s9 =	sadd.s32 $0xFFFFFEF7, lr;
	s5 =	simm.s32 $0xFFFFFFFF;
	p2 =	slt.u32 s8, $0xFFFFF086  }
0x1c: {  	p1 =	slt.u32 s9, $0xF7A;
	s5 =	simm.s32 @!p2 $0x0  }
0x1d: {  	s5 =	simm.s32 @p1 $0x1;
	p0 =	seq.s32 s7, s2  }
0x1e: {  	s7 =	smul.u32 @!p0 $0xF7A, s2;
	p2 =	seq.s32 @!p0 s5, $0x0  }
0x1f: {  	s9 =	smul.u32 $0xF7A, s1;
	s8 =	simm.s32 @!p0 $0x1BF5;
	p2 =	por !p2, p0  }
0x20: {  	[sflag:s8] =	ssyncset.s32 @!p0 $0xFFFFF086;
	s6 =	sadd.s32 @!p0 s3, s7;
	s7 =	simm.s32 @!p0 $0x108  }
0x21: {  	s3 =	sadd.s32 s3, s9;
	s6 =	sadd.s32 @!p0 $0x88, s6;
	s7 =	simm.s32 @p2 $0x1082  }
0x22: {  	[simem:s7], [sflag:s8] =	dma.local @!p0 [hbm:s6], $0xF7A  }
0x23: {  	s9 =	sor.u32 $0xD0000000, s2;
	s6 =	simm.s32 $0x108;
	_ =	swait.ge @!p0 [sflag:s8], $0x0  }
0x24: {  	s3 =	sadd.s32 $0x88, s3;
	s6 =	simm.s32 @!p1 $0x1082;
	[sflag:s4] =	ssyncset.s32 $0xFFFFF086  }
0x25: {  	[simem:s6], [sflag:s4] =	dma.local [hbm:s3], $0xF7A  }
0x26: {  	[smem:$0x3F93] =	sst s1;
	(tag) =	ssettag s2;
	_ =	strace s9  }
0x27: {  	s1 =	sld [smem:$0x3FA3]  }
0x28: {  	s2 =	sld [smem:$0x3FA4]  }
0x29: {  	s4 =	sld [smem:$0x3FA6]  }
0x2a: {  	p0 =	seq.s32 s5, $0x0;
	s5 =	sld [smem:$0x3FA7]  }
0x2b: {  	s6 =	sld [smem:$0x3FA8]  }
0x2c: {  	s7 =	sld [smem:$0x3FA9]  }
0x2d: {  	s3 =	simm.s32 $0x108;
	s8 =	sld [smem:$0x3FAA]  }
0x2e: {  	s3 =	simm.s32 @!p0 $0x1082;
	s9 =	sld [smem:$0x3FAB]  }
0x2f: {  	lr =	sadd.s32 s0, s3;
	s0 =	sld [smem:$0x3FA2]  }
0x30: {  	s3 =	sld [smem:$0x3FA5]  }
0x31: {  	[smem:$0x3FAE] =	sst s10  }
0x32: {  	s10 =	sld [smem:$0x3FAC];
	_ =	sdelay $0x3  }
0x33: {  	p0 =	seq.s32 s10, $0x1;
	s10 =	sld [smem:$0x3FAE];
	_ =	sdelay $0x3  }
0x34: {  	[smem:$0x3FAE] =	sst s10  }
0x35: {  	s10 =	sld [smem:$0x3FAD];
	_ =	sdelay $0x3  }
0x36: {  	p1 =	seq.s32 s10, $0x1;
	s10 =	sld [smem:$0x3FAE];
	_ =	sdelay $0x3  }
0x37: {  	[smem:$0x3FAE] =	sst s10  }
0x38: {  	s10 =	sld [smem:$0x3FAF]  }
0x39: {  	_ = 	snop;
	(pc) =	sbr.ind lr, $3  }
0x3a: {  	_ = 	snop  }
0x3b: {  	_ = 	snop  }
0x3c: {  	p2 =	seq.s32 s10, $0x1;
	s10 =	sld [smem:$0x3FAE]  }
0x3d: {  	_ =	shalt  }
0x3e: {  	_ =	shalt  }
0x3f: {  	_ =	shalt  }
0x40: {  	_ =	shalt  }
0x41: {  	_ =	shalt  }
0x42: {  	_ =	shalt  }
0x43: {  	_ =	shalt  }
0x44: {  	_ =	shalt  }
0x45: {  	_ =	shalt  }
0x46: {  	_ =	shalt  }
0x47: {  	_ =	shalt  }
0x48: {  	_ =	shalt  }
0x49: {  	_ =	shalt  }
0x4a: {  	_ =	shalt  }
0x4b: {  	_ =	shalt  }
0x4c: {  	_ =	shalt  }
0x4d: {  	_ =	shalt  }
0x4e: {  	_ =	shalt  }
0x4f: {  	_ =	shalt  }
0x50: {  	_ =	shalt  }
0x51: {  	_ =	shalt  }
0x52: {  	_ =	shalt  }
0x53: {  	_ =	shalt  }
0x54: {  	_ =	shalt  }
0x55: {  	_ =	shalt  }
0x56: {  	_ =	shalt  }
0x57: {  	_ =	shalt  }
0x58: {  	_ =	shalt  }
0x59: {  	_ =	shalt  }
0x5a: {  	_ =	shalt  }
0x5b: {  	_ =	shalt  }
0x5c: {  	_ =	shalt  }
0x5d: {  	_ =	shalt  }
0x5e: {  	_ =	shalt  }
0x5f: {  	_ =	shalt  }
0x60: {  	_ =	shalt  }
0x61: {  	_ =	shalt  }
0x62: {  	_ =	shalt  }
0x63: {  	_ =	shalt  }
0x64: {  	_ =	shalt  }
0x65: {  	_ =	shalt  }
0x66: {  	_ =	shalt  }
0x67: {  	_ =	shalt  }
0x68: {  	_ =	shalt  }
0x69: {  	_ =	shalt  }
0x6a: {  	_ =	shalt  }
0x6b: {  	_ =	shalt  }
0x6c: {  	_ =	shalt  }
0x6d: {  	_ =	shalt  }
0x6e: {  	_ =	shalt  }
0x6f: {  	_ =	shalt  }
0x70: {  	_ =	shalt  }
0x71: {  	_ =	shalt  }
0x72: {  	_ =	shalt  }
0x73: {  	_ =	shalt  }
0x74: {  	_ =	shalt  }
0x75: {  	_ =	shalt  }
0x76: {  	_ =	shalt  }
0x77: {  	_ =	shalt  }
0x78: {  	_ =	shalt  }
0x79: {  	_ =	shalt  }
0x7a: {  	_ =	shalt  }
0x7b: {  	_ =	shalt  }
0x7c: {  	_ =	shalt  }
0x7d: {  	_ =	shalt  }
0x7e: {  	_ =	shalt  }
0x7f: {  	_ =	shalt  }
0x80: {  	_ =	shalt  }
0x81: {  	_ =	shalt  }
0x82: {  	_ =	shalt  }
0x83: {  	_ =	shalt  }
0x84: {  	_ =	shalt  }
0x85: {  	_ =	shalt  }
0x86: {  	_ =	shalt  }
0x87: {  	_ =	shalt  }
.Lfunc_end0:
.L_simem_size_0:
called_computation_lowered:
.L_overlay_start_0:
0x88: {  	s2 =	sld [smem:$0x3FD9]  }
0x89: {  	s3 =	sld [smem:$0x3FFE];
	_ =	sdelay $0x1  }
0x8a: {  	s1 =	srdreg.scid  }
0x8b: {  	s0 =	sand.u32 $0x1, s1  }
0x8c: {  	s14 =	sshll.u32 s0, $0xA;
	s2 =	sadd.s32 s3, s2  }
0x8d: {  	s2 =	sadd.s32 s2, s14  }
0x8e: {  	[smem:$0x3FBA] =	sst s2  }
0x8f: {  	_ = 	snop  }
0x90: {  	s2 =	sld [smem:$0x3FD0];
	_ =	sdelay $0x2  }
0x91: {  	s15 =	simm.s32 $0xA;
	s4 =	simm.s32 $0x10  }
0x92: {  	[smem:s4], [sflag:s15] =	dma.local [hbm:s2], $0x1  }
0x93: {  	_ =	swait.eq [sflag:s15], $0x1  }
0x94: {  	[sflag:s15] =	ssyncset.done $0x0  }
0x95: {  	s16 =	sld [smem:$0x10];
	[sflag:s15] =	ssyncadd.s32 $0xFFFFFFFF  }
0x96: {  	s17 =	sld [smem:$0x11];
	(tm) =	ssettm $0x1  }
0x97: {  	s18 =	sld [smem:$0x3FFB];
	_ =	sdelay $0x3  }
0x98: {  	_ =	strace s18  }
0x99: {  	s4 =	sld [smem:$0x3FFC];
	_ =	sdelay $0x3  }
0x9a: {  	_ =	strace s4  }
0x9b: {  	s4 =	sld [smem:$0x3FFD];
	_ =	sdelay $0x3  }
0x9c: {  	_ =	strace s4  }
0x9d: {  	_ =	strace $0x8FFFFFFF  }
0x9e: {  	s19 =	sld [smem:$0x3FDB];
	_ =	sdelay $0x1  }
0x9f: {  	s5 =	simm.s32 $_scs_section_size  }
0xa0: {  	s6 =	simm.s32 $_size__tile_overlayer_lowered;
	s7 =	simm.s32 $_tile_overlayer_lowered  }
0xa1: {  	s22 =	simm.s32 $0x1BFF;
	s21 =	sshll.u32 s7, $0x1;
	s4 =	sadd.s32 s5, s19  }
0xa2: {  	s8 =	simm.s32 $0x0;
	s20 =	sshll.u32 s6, $0x1;
	s6 =	sadd.s32 s21, s4  }
0xa3: {  	[timem:s8], [sflag:s22] =	dma.local [hbm:s6], s20  }
0xa4: {  	_ =	swait.ge [sflag:s22], s20  }
0xa5: {  	s5 =	ssub.s32 $0x0, s20;
	[sflag:s22] =	ssyncset.done $0x0  }
0xa6: {  	[sflag:s22] =	ssyncadd.s32 s5;
	_ =	sdelay $0x1  }
0xa7: {  	s23 =	simm.s32 $0x1B8B  }
0xa8: {  	_ =	swait.ge [sflag:s23], $0x1  }
0xa9: {  	[sflag:s23] =	ssyncset.done $0x0  }
0xaa: {  	s25 =	simm.s32 $0x1B8E;
	s24 =	sld [smem:$0x3FFE];
	[sflag:s23] =	ssyncadd.s32 $0xFFFFFFFF  }
0xab: {  	s26 =	simm.s32 $execute0_lowered;
	[smem:$0x3FD2] =	sst s25  }
0xac: {  	s6 =	sshll.u32 s26, $0x1;
	_ =	strace $0x80000046;
	[dreg:$0x1] =	wrdreg $0xFFFFFFFF  }
0xad: {  	s28 =	simm.s32 $_size_execute0_lowered;
	s4 =	sadd.s32 s4, s6;
	[dreg:$0x0] =	wrdreg $0x0  }
0xae: {  	s6 =	sshll.u32 s28, $0x1;
	[dreg:$0x2] =	wrdreg s4  }
0xaf: {  	[dreg:$0x3] =	wrdreg s6  }
0xb0: {  	[dreg:$0x4] =	wrdreg $0xC0  }
0xb1: {  	_ =	task [dreg:s8], $0x5FFFF  }
0xb2: {  	[dreg:$0x1] =	wrdreg $0xFFFFFFFF  }
0xb3: {  	[dreg:$0x0] =	wrdreg $0x60  }
0xb4: {  	[dreg:$0x2] =	wrdreg s16  }
0xb5: {  	[dreg:$0x3] =	wrdreg s17  }
0xb6: {  	[dreg:$0x4] =	wrdreg s24  }
0xb7: {  	[dreg:$0x5] =	wrdreg $0x9  }
0xb8: {  	_ =	task.clear_ibuf [dreg:s8], $0x6FFFF;
	_ =	strace $0x90000046  }
0xb9: {  	s29 =	simm.s32 $0x9;
	_ =	strace $0x80000048  }
0xba: {  	_ =	swait.ge [sflag:s29], $0x1  }
0xbb: {  	[sflag:s29] =	ssyncadd.s32 $0xFFFFFFFF  }
0xbc: {  	_ =	strace $0x90000048  }
0xbd: {  	_ =	sfence  }
0xbe: {  	s30 =	sld [smem:$0x0];
	_ =	sdelay $0x2  }
0xbf: {  	s31 =	sshll.u32 s1, $0xD;
	s1 =	sshrl.u32 s1, $0x2  }
0xc0: {  	s3 =	sand.u32 $0x4000, s31;
	s1 =	sadd.s32 s1, s30  }
0xc1: {  	s0 =	sor.u32 s3, s0;
	s1 =	sshll.u32 s1, $0x11  }
0xc2: {  	s0 =	sor.u32 s1, s0  }
0xc3: {  	s0 =	sadd.s32 $0x8F2B, s0  }
0xc4: {  	[sflag:s0] =	ssyncadd.remote.s32 $0x1  }
0xc5: {  	_ =	sfence.sel $0xFFFF  }
0xc6: {  	[dreg:$0x0] =	wrdreg $0xFFFFFFFF;
	(pc) =	sbr.abs _section_cstart, $3  }
0xc7: {  	[dreg:$0x1] =	wrdreg $0xFFFFFFFF  }
0xc8: {  	_ =	task.clear_ibuf [dreg:s8], $0x2FFFF;
	_ =	strace $0x9FFFFFFF  }
0xc9: {  	(tm) =	ssettm $0x7FFFFFFF  }
tec
execute0_lowered:
.L_overlay_start_1:
0x0: {  	(tag) =	ssettag $0x1  }
0x1: {  	s3 =	rddreg [dreg:$0x0]  }
0x2: {  	s4 =	rddreg [dreg:$0x1];
	s1 =	srdreg.scid  }
0x3: {  	s0 =	stileid.u32;
	s5 =	rddreg [dreg:$0x2];
	s2 =	simm.s32 $0x0  }
0x4: {  	s10 =	simm.s32 $0x5000;
	s6 =	sand.u32 $0x1, s1;
	s7 =	sshll.u32 s0, $0x1  }
0x5: {  	s11 =	simm.s32 $0x7800;
	s12 =	simm.s32 $0x0;
	s7 =	sor.u32 s6, s7  }
0x6: {  	[smem:$0x7FF] =	sst s2;
	s6 =	ssub.s32 $0x2, s6;
	s7 =	smul.u32 $0x500, s7  }
0x7: {  	s1 =	rddreg [dreg:$0x3];
	_ =	strace $0x80000047;
	s8 =	sshrl.u32 s6, $0x1  }
0x8: {  	s8 =	ssub.s32 s6, s8;
	s9 =	sadd.s32 s7, s5;
	s3 =	sadd.s32 s3, s7  }
0x9: {  	s4 =	sadd.s32 s4, s7;
	s7 =	smax.u32 s8, $0x1;
	s8 =	simm.s32 $0x1  }
0xa: {  	v0 =	vimm.f32 $0.0e+00;
	v1 =	vimm.f32 $1.000000000e+00;
	s5 =	sadd.s32 $0xD400, s9;
	s6 =	sadd.s32 $0x17400, s9;
	s9 =	simm.s32 $0x2800  }
.LBB2_1:
0xb: {  	s13 =	simm.s32 $0x40;
	s14 =	simm.s32 $0x0  }
.LBB2_2:
0xc: {  	p0 =	sne.s32 s13, $0x9FC0;
	[tilespmem:s14+$0x5000] =	vst v0;
	s15 =	smov.u32 s13;
	s13 =	sadd.s32 $0x40, s13  }
.Ltmp0:
0xd: {  	[tilespmem:s14+$0x7800] =	vst v0;
	(pc) =	sbr.rel @p0 .LBB2_2-.Ltmp0, $2  }
0xe: {  	_ =	sdelay $0x2  }
0xf: {  	s14 =	sshra.s32 s15, $0x2  }
0x10: {  	[tilespmem:s14+$0x5000] =	vst v0  }
0x11: {  	[tilespmem:s14+$0x7800] =	vst v0;
	s13 =	simm.s32 $0x0  }
0x12: {  	[tilespmem:s13], [sflag:$0x1] =	stream.linear.gather [hbm4b:s3+s13], $0x2800, $0x38;
	[tilespmem:$0xA000] =	vst v63  }
0x13: {  	_ =	swait.ge [sflag:s8], $0x2800  }
0x14: {  	[sflag:s8] =	ssyncset.done $0x0  }
0x15: {  	[sflag:s8] =	ssyncadd.s32 $0xFFFFD800  }
0x16: {  	[tilespmem:s9], [sflag:$0x1] =	stream.linear.gather [hbm4b:s4+s13], $0x2800, $0x38;
	[tilespmem:$0xA000] =	vst v63  }
0x17: {  	_ =	swait.ge [sflag:s8], $0x2800  }
0x18: {  	[sflag:s8] =	ssyncset.done $0x0  }
0x19: {  	[sflag:s8] =	ssyncadd.s32 $0xFFFFD800  }
.LBB2_4:
0x1a: {  	s14 =	sshra.s32 s13, $0x2  }
0x1b: {  	v2 =	vld [tilespmem:s14+$0x0];
	_ =	sdelay $0x7  }
0x1c: {  	[tilespmem:v2+s10+$0x0] =	vst.idx.add.f32.msk $0xffff, v1  }
0x1d: {  	v2 =	vld [tilespmem:s14+$0x2800];
	_ =	sdelay $0x7  }
0x1e: {  	[tilespmem:v2+s11+$0x0] =	vst.idx.add.f32.msk $0xffff, v1  }
0x1f: {  	v2 =	vld [tilespmem:s14+$0x10];
	_ =	sdelay $0x7  }
0x20: {  	[tilespmem:v2+s10+$0x0] =	vst.idx.add.f32.msk $0xffff, v1  }
0x21: {  	v2 =	vld [tilespmem:s14+$0x2810];
	_ =	sdelay $0x7  }
0x22: {  	[tilespmem:v2+s11+$0x0] =	vst.idx.add.f32.msk $0xffff, v1  }
0x23: {  	v2 =	vld [tilespmem:s14+$0x20];
	_ =	sdelay $0x7  }
0x24: {  	[tilespmem:v2+s10+$0x0] =	vst.idx.add.f32.msk $0xffff, v1  }
0x25: {  	v2 =	vld [tilespmem:s14+$0x2820];
	_ =	sdelay $0x7  }
0x26: {  	[tilespmem:v2+s11+$0x0] =	vst.idx.add.f32.msk $0xffff, v1  }
0x27: {  	v2 =	vld [tilespmem:s14+$0x30];
	_ =	sdelay $0x7  }
0x28: {  	[tilespmem:v2+s10+$0x0] =	vst.idx.add.f32.msk $0xffff, v1  }
0x29: {  	v2 =	vld [tilespmem:s14+$0x2830];
	_ =	sdelay $0x7  }
0x2a: {  	[tilespmem:v2+s11+$0x0] =	vst.idx.add.f32.msk $0xffff, v1  }
0x2b: {  	v2 =	vld [tilespmem:s14+$0x40];
	_ =	sdelay $0x7  }
0x2c: {  	[tilespmem:v2+s10+$0x0] =	vst.idx.add.f32.msk $0xffff, v1  }
0x2d: {  	v2 =	vld [tilespmem:s14+$0x2840];
	_ =	sdelay $0x7  }
0x2e: {  	[tilespmem:v2+s11+$0x0] =	vst.idx.add.f32.msk $0xffff, v1  }
0x2f: {  	v2 =	vld [tilespmem:s14+$0x50];
	_ =	sdelay $0x7  }
0x30: {  	[tilespmem:v2+s10+$0x0] =	vst.idx.add.f32.msk $0xffff, v1  }
0x31: {  	v2 =	vld [tilespmem:s14+$0x2850];
	_ =	sdelay $0x7  }
0x32: {  	[tilespmem:v2+s11+$0x0] =	vst.idx.add.f32.msk $0xffff, v1  }
0x33: {  	v2 =	vld [tilespmem:s14+$0x60];
	_ =	sdelay $0x7  }
0x34: {  	[tilespmem:v2+s10+$0x0] =	vst.idx.add.f32.msk $0xffff, v1  }
0x35: {  	v2 =	vld [tilespmem:s14+$0x2860];
	_ =	sdelay $0x7  }
0x36: {  	[tilespmem:v2+s11+$0x0] =	vst.idx.add.f32.msk $0xffff, v1  }
0x37: {  	v2 =	vld [tilespmem:s14+$0x70];
	_ =	sdelay $0x7  }
0x38: {  	[tilespmem:v2+s10+$0x0] =	vst.idx.add.f32.msk $0xffff, v1  }
0x39: {  	v2 =	vld [tilespmem:s14+$0x2870];
	_ =	sdelay $0x2  }
0x3a: {  	p0 =	sne.s32 s13, $0x9E00  }
.Ltmp1:
0x3b: {  	_ = 	snop;
	(pc) =	sbr.rel @p0 .LBB2_4-.Ltmp1, $2  }
0x3c: {  	_ =	sdelay $0x2  }
0x3d: {  	s13 =	sadd.s32 $0x200, s13;
	[tilespmem:v2+s11+$0x0] =	vst.idx.add.f32.msk $0xffff, v1  }
0x3e: {  	[hbm4b:s5+s2] =	stream.linear.scatter [tilespmem:s10], [sflag:$0x1], $0x2800, $0x38;
	[tilespmem:$0xA000] =	vst v63  }
0x3f: {  	s12 =	sadd.s32 $0x1, s12;
	_ =	swait.ge [sflag:s8], $0x2800  }
0x40: {  	p0 =	sne.s32 s12, s7;
	[sflag:s8] =	ssyncset.done $0x0  }
.Ltmp2:
0x41: {  	[sflag:s8] =	ssyncadd.s32 $0xFFFFD800;
	(pc) =	sbr.rel @p0 .LBB2_1-.Ltmp2, $4  }
0x42: {  	[hbm4b:s6+s2] =	stream.linear.scatter [tilespmem:s11], [sflag:$0x1], $0x2800, $0x38;
	[tilespmem:$0xA000] =	vst v63  }
0x43: {  	_ =	swait.ge [sflag:s8], $0x2800  }
0x44: {  	[sflag:s8] =	ssyncset.done $0x0  }
0x45: {  	[sflag:s8] =	ssyncadd.s32 $0xFFFFD800  }
0x46: {  	_ =	sfence.sel $0x180000  }
0x47: {  	[bflag:$0x0] =	sbarrier.arrive $0xFFFF  }
0x48: {  	p0 =	sne.s32 s0, $0x0;
	_ =	strace $0x90000047  }
0x49: {  	s0 =	sadd.s32 @!p0 $0x100000, s1;
	[bflag:$0x2] =	sbarrier.arrive $0xFFFF  }
0x4a: {  	[sflag:s0] =	ssyncadd.tile.s32 @!p0 $0x1;
	_ =	shalt  }
.Lfunc_end2:
_tile_overlayer_lowered:
.L_overlay_start_2:
0x4b: {  	(tag) =	ssettag $0x2  }
0x4c: {  	s0 =	rddreg [dreg:$0x0];
	s2 =	stileid.u32  }
0x4d: {  	s1 =	rddreg [dreg:$0x1];
	p0 =	sne.s32 s2, $0x0  }
0x4e: {  	s3 =	rddreg [dreg:$0x2];
	[bflag:$0x3] =	sbarrier.arrive $0xFFFF;
	s2 =	simm.s32 @!p0 $0x1C01  }
0x4f: {  	[timem:s3], [sflag:s2] =	dma.local @!p0 [hbm:s0], s1  }
0x50: {  	s0 =	simm.s32 @!p0 $0x1  }
0x51: {  	_ =	swait.ge @!p0 [sflag:s0], s1  }
0x52: {  	s1 =	ssub.s32 @!p0 $0x0, s1;
	[sflag:s0] =	ssyncset.done @!p0 $0x0  }
0x53: {  	[sflag:s0] =	ssyncadd.s32 @!p0 s1  }
0x54: {  	[bflag:$0x3] =	sbarrier.arrive $0xFFFF  }
0x55: {  	_ =	shalt  }

// kernel: kernel.9.cloned.1.call-start
scs
__scs_entry_jumppad:
0x0: {  	(pc) =	sbr.rel $0x88, $3  }
0x1: {  	(tag) =	ssettag $0x0;
	lr =	simm.s32 $0x1  }
0x2: {  	[smem:$0x3F93] =	sst lr;
	_ =	strace $0xD0000000  }
0x3: {  	_ = 	snop  }
0x4: {  	_ = 	snop  }
0x5: {  	_ = 	snop  }
0x6: {  	_ = 	snop  }
0x7: {  	_ = 	snop  }
__scs_overlays_trampoline_lowered:
0x8: {  	[smem:$0x3FA2] =	sst s0  }
0x9: {  	[smem:$0x3FA3] =	sst s1  }
0xa: {  	[smem:$0x3FA4] =	sst s2  }
0xb: {  	[smem:$0x3FA5] =	sst s3  }
0xc: {  	[smem:$0x3FA6] =	sst s4  }
0xd: {  	[smem:$0x3FA7] =	sst s5  }
0xe: {  	[smem:$0x3FA8] =	sst s6  }
0xf: {  	[smem:$0x3FA9] =	sst s7  }
0x10: {  	[smem:$0x3FAA] =	sst s8  }
0x11: {  	[smem:$0x3FAB] =	sst s9;
	s0 =	simm.s32 @!p0 $0x0  }
0x12: {  	s1 =	sld [smem:$0x3F91];
	s0 =	simm.s32 @p0 $0x1  }
0x13: {  	[smem:$0x3FAC] =	sst s0;
	s0 =	simm.s32 @!p1 $0x0  }
0x14: {  	s2 =	sld [smem:$0x3F90];
	s0 =	simm.s32 @p1 $0x1  }
0x15: {  	[smem:$0x3FAD] =	sst s0;
	s0 =	simm.s32 @!p2 $0x0  }
0x16: {  	s3 =	sld [smem:$0x3FDB];
	s0 =	simm.s32 @p2 $0x1  }
0x17: {  	s4 =	simm.s32 $0x1BF5;
	[smem:$0x3FAF] =	sst s0  }
0x18: {  	s0 =	sld [smem:$0x3F92];
	_ =	swait.ge [sflag:s4], $0x0  }
0x19: {  	s7 =	sld [smem:$0x3F93]  }
0x1a: {  	s8 =	sadd.s32 $0xFFFFE003, lr  }
0x1b: {  	s9 =	sadd.s32 $0xFFFFFEF7, lr;
	s5 =	simm.s32 $0xFFFFFFFF;
	p2 =	slt.u32 s8, $0xFFFFF086  }
0x1c: {  	p1 =	slt.u32 s9, $0xF7A;
	s5 =	simm.s32 @!p2 $0x0  }
0x1d: {  	s5 =	simm.s32 @p1 $0x1;
	p0 =	seq.s32 s7, s2  }
0x1e: {  	s7 =	smul.u32 @!p0 $0xF7A, s2;
	p2 =	seq.s32 @!p0 s5, $0x0  }
0x1f: {  	s9 =	smul.u32 $0xF7A, s1;
	s8 =	simm.s32 @!p0 $0x1BF5;
	p2 =	por !p2, p0  }
0x20: {  	[sflag:s8] =	ssyncset.s32 @!p0 $0xFFFFF086;
	s6 =	sadd.s32 @!p0 s3, s7;
	s7 =	simm.s32 @!p0 $0x108  }
0x21: {  	s3 =	sadd.s32 s3, s9;
	s6 =	sadd.s32 @!p0 $0x88, s6;
	s7 =	simm.s32 @p2 $0x1082  }
0x22: {  	[simem:s7], [sflag:s8] =	dma.local @!p0 [hbm:s6], $0xF7A  }
0x23: {  	s9 =	sor.u32 $0xD0000000, s2;
	s6 =	simm.s32 $0x108;
	_ =	swait.ge @!p0 [sflag:s8], $0x0  }
0x24: {  	s3 =	sadd.s32 $0x88, s3;
	s6 =	simm.s32 @!p1 $0x1082;
	[sflag:s4] =	ssyncset.s32 $0xFFFFF086  }
0x25: {  	[simem:s6], [sflag:s4] =	dma.local [hbm:s3], $0xF7A  }
0x26: {  	[smem:$0x3F93] =	sst s1;
	(tag) =	ssettag s2;
	_ =	strace s9  }
0x27: {  	s1 =	sld [smem:$0x3FA3]  }
0x28: {  	s2 =	sld [smem:$0x3FA4]  }
0x29: {  	s4 =	sld [smem:$0x3FA6]  }
0x2a: {  	p0 =	seq.s32 s5, $0x0;
	s5 =	sld [smem:$0x3FA7]  }
0x2b: {  	s6 =	sld [smem:$0x3FA8]  }
0x2c: {  	s7 =	sld [smem:$0x3FA9]  }
0x2d: {  	s3 =	simm.s32 $0x108;
	s8 =	sld [smem:$0x3FAA]  }
0x2e: {  	s3 =	simm.s32 @!p0 $0x1082;
	s9 =	sld [smem:$0x3FAB]  }
0x2f: {  	lr =	sadd.s32 s0, s3;
	s0 =	sld [smem:$0x3FA2]  }
0x30: {  	s3 =	sld [smem:$0x3FA5]  }
0x31: {  	[smem:$0x3FAE] =	sst s10  }
0x32: {  	s10 =	sld [smem:$0x3FAC];
	_ =	sdelay $0x3  }
0x33: {  	p0 =	seq.s32 s10, $0x1;
	s10 =	sld [smem:$0x3FAE];
	_ =	sdelay $0x3  }
0x34: {  	[smem:$0x3FAE] =	sst s10  }
0x35: {  	s10 =	sld [smem:$0x3FAD];
	_ =	sdelay $0x3  }
0x36: {  	p1 =	seq.s32 s10, $0x1;
	s10 =	sld [smem:$0x3FAE];
	_ =	sdelay $0x3  }
0x37: {  	[smem:$0x3FAE] =	sst s10  }
0x38: {  	s10 =	sld [smem:$0x3FAF]  }
0x39: {  	_ = 	snop;
	(pc) =	sbr.ind lr, $3  }
0x3a: {  	_ = 	snop  }
0x3b: {  	_ = 	snop  }
0x3c: {  	p2 =	seq.s32 s10, $0x1;
	s10 =	sld [smem:$0x3FAE]  }
0x3d: {  	_ =	shalt  }
0x3e: {  	_ =	shalt  }
0x3f: {  	_ =	shalt  }
0x40: {  	_ =	shalt  }
0x41: {  	_ =	shalt  }
0x42: {  	_ =	shalt  }
0x43: {  	_ =	shalt  }
0x44: {  	_ =	shalt  }
0x45: {  	_ =	shalt  }
0x46: {  	_ =	shalt  }
0x47: {  	_ =	shalt  }
0x48: {  	_ =	shalt  }
0x49: {  	_ =	shalt  }
0x4a: {  	_ =	shalt  }
0x4b: {  	_ =	shalt  }
0x4c: {  	_ =	shalt  }
0x4d: {  	_ =	shalt  }
0x4e: {  	_ =	shalt  }
0x4f: {  	_ =	shalt  }
0x50: {  	_ =	shalt  }
0x51: {  	_ =	shalt  }
0x52: {  	_ =	shalt  }
0x53: {  	_ =	shalt  }
0x54: {  	_ =	shalt  }
0x55: {  	_ =	shalt  }
0x56: {  	_ =	shalt  }
0x57: {  	_ =	shalt  }
0x58: {  	_ =	shalt  }
0x59: {  	_ =	shalt  }
0x5a: {  	_ =	shalt  }
0x5b: {  	_ =	shalt  }
0x5c: {  	_ =	shalt  }
0x5d: {  	_ =	shalt  }
0x5e: {  	_ =	shalt  }
0x5f: {  	_ =	shalt  }
0x60: {  	_ =	shalt  }
0x61: {  	_ =	shalt  }
0x62: {  	_ =	shalt  }
0x63: {  	_ =	shalt  }
0x64: {  	_ =	shalt  }
0x65: {  	_ =	shalt  }
0x66: {  	_ =	shalt  }
0x67: {  	_ =	shalt  }
0x68: {  	_ =	shalt  }
0x69: {  	_ =	shalt  }
0x6a: {  	_ =	shalt  }
0x6b: {  	_ =	shalt  }
0x6c: {  	_ =	shalt  }
0x6d: {  	_ =	shalt  }
0x6e: {  	_ =	shalt  }
0x6f: {  	_ =	shalt  }
0x70: {  	_ =	shalt  }
0x71: {  	_ =	shalt  }
0x72: {  	_ =	shalt  }
0x73: {  	_ =	shalt  }
0x74: {  	_ =	shalt  }
0x75: {  	_ =	shalt  }
0x76: {  	_ =	shalt  }
0x77: {  	_ =	shalt  }
0x78: {  	_ =	shalt  }
0x79: {  	_ =	shalt  }
0x7a: {  	_ =	shalt  }
0x7b: {  	_ =	shalt  }
0x7c: {  	_ =	shalt  }
0x7d: {  	_ =	shalt  }
0x7e: {  	_ =	shalt  }
0x7f: {  	_ =	shalt  }
0x80: {  	_ =	shalt  }
0x81: {  	_ =	shalt  }
0x82: {  	_ =	shalt  }
0x83: {  	_ =	shalt  }
0x84: {  	_ =	shalt  }
0x85: {  	_ =	shalt  }
0x86: {  	_ =	shalt  }
0x87: {  	_ =	shalt  }
.Lfunc_end0:
.L_simem_size_0:
called_computation.1_lowered:
.L_overlay_start_0:
0x88: {  	s2 =	sld [smem:$0x3FD9]  }
0x89: {  	s3 =	sld [smem:$0x3FFE];
	_ =	sdelay $0x1  }
0x8a: {  	s1 =	srdreg.scid  }
0x8b: {  	s0 =	sand.u32 $0x1, s1  }
0x8c: {  	s14 =	sshll.u32 s0, $0xA;
	s2 =	sadd.s32 s3, s2  }
0x8d: {  	s2 =	sadd.s32 s2, s14  }
0x8e: {  	[smem:$0x3FBA] =	sst s2  }
0x8f: {  	_ = 	snop  }
0x90: {  	s2 =	sld [smem:$0x3FD0];
	_ =	sdelay $0x2  }
0x91: {  	s15 =	simm.s32 $0xA;
	s4 =	simm.s32 $0x10  }
0x92: {  	[smem:s4], [sflag:s15] =	dma.local [hbm:s2], $0x1  }
0x93: {  	_ =	swait.eq [sflag:s15], $0x1  }
0x94: {  	[sflag:s15] =	ssyncset.done $0x0  }
0x95: {  	s16 =	sld [smem:$0x10];
	[sflag:s15] =	ssyncadd.s32 $0xFFFFFFFF  }
0x96: {  	s17 =	sld [smem:$0x11];
	(tm) =	ssettm $0x1  }
0x97: {  	s18 =	sld [smem:$0x3FFB];
	_ =	sdelay $0x3  }
0x98: {  	_ =	strace s18  }
0x99: {  	s4 =	sld [smem:$0x3FFC];
	_ =	sdelay $0x3  }
0x9a: {  	_ =	strace s4  }
0x9b: {  	s4 =	sld [smem:$0x3FFD];
	_ =	sdelay $0x3  }
0x9c: {  	_ =	strace s4  }
0x9d: {  	_ =	strace $0x8FFFFFFF  }
0x9e: {  	s19 =	sld [smem:$0x3FDB];
	_ =	sdelay $0x1  }
0x9f: {  	s5 =	simm.s32 $_scs_section_size  }
0xa0: {  	s6 =	simm.s32 $_size__tile_overlayer_lowered;
	s7 =	simm.s32 $_tile_overlayer_lowered  }
0xa1: {  	s22 =	simm.s32 $0x1BFF;
	s21 =	sshll.u32 s7, $0x1;
	s4 =	sadd.s32 s5, s19  }
0xa2: {  	s8 =	simm.s32 $0x0;
	s20 =	sshll.u32 s6, $0x1;
	s6 =	sadd.s32 s21, s4  }
0xa3: {  	[timem:s8], [sflag:s22] =	dma.local [hbm:s6], s20  }
0xa4: {  	_ =	swait.ge [sflag:s22], s20  }
0xa5: {  	s5 =	ssub.s32 $0x0, s20;
	[sflag:s22] =	ssyncset.done $0x0  }
0xa6: {  	[sflag:s22] =	ssyncadd.s32 s5;
	_ =	sdelay $0x1  }
0xa7: {  	s23 =	simm.s32 $0x1B8B  }
0xa8: {  	_ =	swait.ge [sflag:s23], $0x1  }
0xa9: {  	[sflag:s23] =	ssyncset.done $0x0  }
0xaa: {  	s25 =	simm.s32 $0x1B8E;
	s24 =	sld [smem:$0x3FFE];
	[sflag:s23] =	ssyncadd.s32 $0xFFFFFFFF  }
0xab: {  	s26 =	simm.s32 $execute0_lowered;
	[smem:$0x3FD2] =	sst s25  }
0xac: {  	s6 =	sshll.u32 s26, $0x1;
	_ =	strace $0x80000049;
	[dreg:$0x1] =	wrdreg $0xFFFFFFFF  }
0xad: {  	s28 =	simm.s32 $_size_execute0_lowered;
	s4 =	sadd.s32 s4, s6;
	[dreg:$0x0] =	wrdreg $0x0  }
0xae: {  	s6 =	sshll.u32 s28, $0x1;
	[dreg:$0x2] =	wrdreg s4  }
0xaf: {  	[dreg:$0x3] =	wrdreg s6  }
0xb0: {  	[dreg:$0x4] =	wrdreg $0xC0  }
0xb1: {  	_ =	task [dreg:s8], $0x5FFFF  }
0xb2: {  	[dreg:$0x1] =	wrdreg $0xFFFFFFFF  }
0xb3: {  	[dreg:$0x0] =	wrdreg $0x60  }
0xb4: {  	[dreg:$0x2] =	wrdreg s24  }
0xb5: {  	[dreg:$0x3] =	wrdreg s16  }
0xb6: {  	[dreg:$0x4] =	wrdreg s17  }
0xb7: {  	[dreg:$0x5] =	wrdreg $0x17E400  }
0xb8: {  	[dreg:$0x6] =	wrdreg $0x130000  }
0xb9: {  	[dreg:$0x7] =	wrdreg $0x9  }
0xba: {  	_ =	task.clear_ibuf [dreg:s8], $0x8FFFF;
	_ =	strace $0x90000049  }
0xbb: {  	s29 =	simm.s32 $0x9;
	_ =	strace $0x8000004B  }
0xbc: {  	_ =	swait.ge [sflag:s29], $0x1  }
0xbd: {  	[sflag:s29] =	ssyncadd.s32 $0xFFFFFFFF  }
0xbe: {  	_ =	strace $0x9000004B  }
0xbf: {  	_ =	sfence  }
0xc0: {  	s30 =	sld [smem:$0x0];
	_ =	sdelay $0x2  }
0xc1: {  	s31 =	sshll.u32 s1, $0xD;
	s1 =	sshrl.u32 s1, $0x2  }
0xc2: {  	s3 =	sand.u32 $0x4000, s31;
	s1 =	sadd.s32 s1, s30  }
0xc3: {  	s0 =	sor.u32 s3, s0;
	s1 =	sshll.u32 s1, $0x11  }
0xc4: {  	s0 =	sor.u32 s1, s0  }
0xc5: {  	s0 =	sadd.s32 $0x8F2B, s0  }
0xc6: {  	[sflag:s0] =	ssyncadd.remote.s32 $0x1  }
0xc7: {  	_ =	sfence.sel $0xFFFF  }
0xc8: {  	[dreg:$0x0] =	wrdreg $0xFFFFFFFF;
	(pc) =	sbr.abs _section_cstart, $3  }
0xc9: {  	[dreg:$0x1] =	wrdreg $0xFFFFFFFF  }
0xca: {  	_ =	task.clear_ibuf [dreg:s8], $0x2FFFF;
	_ =	strace $0x9FFFFFFF  }
0xcb: {  	(tm) =	ssettm $0x7FFFFFFF  }
tec
execute0_lowered:
.L_overlay_start_1:
0x0: {  	(tag) =	ssettag $0x1  }
0x1: {  	s0 =	rddreg [dreg:$0x0]  }
0x2: {  	s1 =	rddreg [dreg:$0x1]  }
0x3: {  	s5 =	rddreg [dreg:$0x2]  }
0x4: {  	s2 =	rddreg [dreg:$0x3];
	s13 =	stileid.u32  }
0x5: {  	s4 =	srdreg.scid;
	s7 =	smul.u32 $0x4E40, s13  }
0x6: {  	s3 =	rddreg [dreg:$0x4];
	s29 =	simm.s32 $0xD000;
	s9 =	smul.u32 $0xA00, s13  }
0x7: {  	s31 =	simm.s32 $0xE000;
	s14 =	simm.s32 $0x5;
	s12 =	smul.u32 $0x4E20, s13  }
0x8: {  	s6 =	sand.u32 $0x1, s4;
	s4 =	simm.s32 $0x0;
	s17 =	smul.u32 $0x13880, s13  }
0x9: {  	s28 =	simm.s32 $0x8;
	s8 =	smul.u32 $0xA0000, s6;
	[smem:$0x7FF] =	sst s4  }
0xa: {  	s10 =	ssub.s32 $0x2, s6;
	s6 =	smul.u32 $0x9C400, s6;
	_ =	strace $0x8000004A  }
0xb: {  	s11 =	sshrl.u32 s10, $0x1;
	s1 =	sadd.s32 s1, s9;
	s18 =	sadd.s32 s7, s3  }
0xc: {  	s20 =	sadd.s32 s12, s2;
	s21 =	sshrl.u32 s17, $0x2;
	[dreg:$0x6] =	wrdreg s1  }
0xd: {  	s8 =	sadd.s32 s7, s8;
	s10 =	ssub.s32 s10, s11;
	[dreg:$0x8] =	wrdreg s18  }
0xe: {  	s16 =	sadd.s32 s12, s6;
	[dreg:$0xb] =	wrdreg s20;
	s7 =	simm.s32 $0x11000  }
0xf: {  	s11 =	simm.s32 $0x3;
	s12 =	simm.s32 $0x4;
	s8 =	sshrl.u32 s8, $0x3  }
0x10: {  	s24 =	smax.u32 s10, $0x1;
	s8 =	sadd.s32 s8, s0;
	s0 =	sadd.s32 s9, s0  }
0x11: {  	s20 =	simm.s32 $0xB;
	[dreg:$0xf] =	wrdreg s24;
	s0 =	sadd.s32 $0x3400, s0  }
0x12: {  	s10 =	simm.s32 $0x2;
	s19 =	sadd.s32 $0xAD400, s8;
	[dreg:$0x7] =	wrdreg s0  }
0x13: {  	s22 =	sadd.s32 $0xB7400, s8;
	[dreg:$0x9] =	wrdreg s19;
	s0 =	sshrl.u32 s16, $0x3  }
0x14: {  	s24 =	simm.s32 $0xB000;
	[dreg:$0xc] =	wrdreg s22;
	s5 =	sadd.s32 s5, s0  }
0x15: {  	s8 =	simm.s32 $0x1;
	s0 =	sadd.s32 s21, s2;
	[dreg:$0xa] =	wrdreg s5  }
0x16: {  	s19 =	simm.s32 $0x11;
	s23 =	sadd.s32 $0x9C40, s5;
	[dreg:$0xe] =	wrdreg s0  }
0x17: {  	s22 =	simm.s32 $0x80;
	s25 =	sadd.s32 $0xFA0, s0;
	[dreg:$0xd] =	wrdreg s23  }
.Ltmp0:
0x18: {  	s26 =	sadd.s32 $0x1F40, s0;
	[dreg:$0x10] =	wrdreg s25;
	(pc) =	sbr.rel .LBB2_1-.Ltmp0, $4  }
0x19: {  	s16 =	simm.s32 $0x10;
	s30 =	sadd.s32 $0x2EE0, s0;
	[dreg:$0x11] =	wrdreg s26  }
0x1a: {  	s21 =	simm.s32 $0x12000;
	s0 =	sadd.s32 $0x3E80, s0;
	[dreg:$0x12] =	wrdreg s30  }
0x1b: {  	s5 =	simm.s32 $0x10000;
	[dreg:$0x13] =	wrdreg s0;
	s23 =	simm.s32 $0xA000  }
0x1c: {  	v0 =	vimm.f32 $0.0e+00;
	s26 =	simm.s32 $0xC000;
	s25 =	simm.s32 $0x7;
	s0 =	simm.s32 $0xC  }
.LBB2_9:
0x1d: {  	_ =	swait.ge [sflag:s28], $0x1000  }
0x1e: {  	[sflag:s28] =	ssyncset.done $0x0  }
0x1f: {  	s1 =	simm.s32 $0x9F80;
	s18 =	simm.s32 $0x9;
	[sflag:s28] =	ssyncadd.s32 $0xFFFFF000  }
0x20: {  	[spmem:s2] =	stream.indirect.scatter.add.f32 [tilespmem:s7], [sflag:$0x10], $0x20, s1, s22, $0xb8;
	[tilespmem:$0x1CC60] =	vst v63  }
0x21: {  	_ =	swait.ge [sflag:s18], $0x1000  }
0x22: {  	[sflag:s18] =	ssyncset.done $0x0  }
0x23: {  	s30 =	simm.s32 $0xA;
	[sflag:s18] =	ssyncadd.s32 $0xFFFFF000  }
0x24: {  	_ =	swait.ge [sflag:s30], $0x1000  }
0x25: {  	[sflag:s30] =	ssyncset.done $0x0  }
0x26: {  	[sflag:s30] =	ssyncadd.s32 $0xFFFFF000  }
0x27: {  	_ =	swait.ge [sflag:s20], $0x1000  }
0x28: {  	[sflag:s20] =	ssyncset.done $0x0  }
0x29: {  	[sflag:s20] =	ssyncadd.s32 $0xFFFFF000  }
0x2a: {  	_ =	swait.ge [sflag:s0], $0x1000  }
0x2b: {  	[sflag:s0] =	ssyncset.done $0x0  }
0x2c: {  	s6 =	simm.s32 $0xD;
	[sflag:s0] =	ssyncadd.s32 $0xFFFFF000  }
0x2d: {  	_ =	swait.ge [sflag:s6], $0x1000  }
0x2e: {  	[sflag:s6] =	ssyncset.done $0x0  }
0x2f: {  	s9 =	simm.s32 $0xE;
	[sflag:s6] =	ssyncadd.s32 $0xFFFFF000  }
0x30: {  	_ =	swait.ge [sflag:s9], $0x1000  }
0x31: {  	[sflag:s9] =	ssyncset.done $0x0  }
0x32: {  	s15 =	simm.s32 $0xF;
	[sflag:s9] =	ssyncadd.s32 $0xFFFFF000  }
0x33: {  	_ =	swait.ge [sflag:s15], $0x1000  }
0x34: {  	[sflag:s15] =	ssyncset.done $0x0  }
0x35: {  	[sflag:s15] =	ssyncadd.s32 $0xFFFFF000  }
0x36: {  	_ =	swait.ge [sflag:s16], $0x1000  }
0x37: {  	[sflag:s16] =	ssyncset.done $0x0  }
0x38: {  	[sflag:s16] =	ssyncadd.s32 $0xFFFFF000  }
0x39: {  	[bflag:$0x0] =	sbarrier.arrive $0xFFFF  }
0x3a: {  	s18 =	rddreg [dreg:$0xd]  }
0x3b: {  	[hbm:s18], [sflag:s17] =	dma.local [spmem:s13], $0x9C4  }
0x3c: {  	_ =	swait.ge [sflag:s19], $0x9C4  }
0x3d: {  	s4 =	sadd.s32 $0x1, s4;
	s30 =	rddreg [dreg:$0xf]  }
0x3e: {  	p0 =	sne.s32 s4, s30  }
.Ltmp1:
0x3f: {  	_ = 	snop;
	(pc) =	sbr.rel @!p0 .LBB2_10-.Ltmp1, $3  }
0x40: {  	_ =	sdelay $0x1  }
0x41: {  	[sflag:s19] =	ssyncset.done $0x0  }
0x42: {  	[sflag:s19] =	ssyncadd.s32 $0xFFFFF63C  }
.LBB2_1:
0x43: {  	s13 =	simm.s32 $0x80;
	s17 =	simm.s32 $0x0  }
.LBB2_2:
0x44: {  	p0 =	sne.s32 s13, $0x3F80;
	[tilespmem:s17+$0x12000] =	vst v0;
	s18 =	smov.u32 s13;
	s13 =	sadd.s32 $0x80, s13  }
.Ltmp2:
0x45: {  	[tilespmem:s17+$0x12010] =	vst v0;
	(pc) =	sbr.rel @p0 .LBB2_2-.Ltmp2, $2  }
0x46: {  	_ =	sdelay $0x2  }
0x47: {  	s17 =	sshra.s32 s18, $0x2  }
0x48: {  	[tilespmem:s17+$0x12000] =	vst v0  }
0x49: {  	[tilespmem:s17+$0x12010] =	vst v0;
	s13 =	simm.s32 $0x0;
	s1 =	rddreg [dreg:$0x6]  }
0x4a: {  	[tilespmem:s13], [sflag:$0x11] =	stream.linear.gather [hbm4b:s1+s13], $0x5000, $0x38;
	[tilespmem:$0x1CC60] =	vst v63  }
0x4b: {  	_ =	swait.ge [sflag:s19], $0x5000  }
0x4c: {  	[sflag:s19] =	ssyncset.done $0x0  }
0x4d: {  	s6 =	simm.s32 $0x5000;
	s17 =	rddreg [dreg:$0x7];
	[sflag:s19] =	ssyncadd.s32 $0xFFFFB000  }
0x4e: {  	[tilespmem:s6], [sflag:$0x11] =	stream.linear.gather [hbm4b:s17+s13], $0x5000, $0x38;
	[tilespmem:$0x1CC60] =	vst v63  }
0x4f: {  	_ =	swait.ge [sflag:s19], $0x5000  }
0x50: {  	[sflag:s19] =	ssyncset.done $0x0  }
0x51: {  	s18 =	rddreg [dreg:$0xe];
	[sflag:s19] =	ssyncadd.s32 $0xFFFFB000  }
0x52: {  	[spmem:s18] =	stream.linear.scatter [tilespmem:s21], [sflag:$0x11], $0xFA0, $0x38;
	[tilespmem:$0x1CC60] =	vst v63  }
0x53: {  	_ =	swait.ge [sflag:s19], $0xFA0  }
0x54: {  	[sflag:s19] =	ssyncset.done $0x0  }
0x55: {  	s30 =	rddreg [dreg:$0x10];
	[sflag:s19] =	ssyncadd.s32 $0xFFFFF060  }
0x56: {  	[spmem:s30] =	stream.linear.scatter [tilespmem:s21], [sflag:$0x11], $0xFA0, $0x38;
	[tilespmem:$0x1CC60] =	vst v63  }
0x57: {  	_ =	swait.ge [sflag:s19], $0xFA0  }
0x58: {  	[sflag:s19] =	ssyncset.done $0x0  }
0x59: {  	s6 =	rddreg [dreg:$0x11];
	[sflag:s19] =	ssyncadd.s32 $0xFFFFF060  }
0x5a: {  	[spmem:s6] =	stream.linear.scatter [tilespmem:s21], [sflag:$0x11], $0xFA0, $0x38;
	[tilespmem:$0x1CC60] =	vst v63  }
0x5b: {  	_ =	swait.ge [sflag:s19], $0xFA0  }
0x5c: {  	[sflag:s19] =	ssyncset.done $0x0  }
0x5d: {  	s9 =	rddreg [dreg:$0x12];
	[sflag:s19] =	ssyncadd.s32 $0xFFFFF060  }
0x5e: {  	[spmem:s9] =	stream.linear.scatter [tilespmem:s21], [sflag:$0x11], $0xFA0, $0x38;
	[tilespmem:$0x1CC60] =	vst v63  }
0x5f: {  	_ =	swait.ge [sflag:s19], $0xFA0  }
0x60: {  	[sflag:s19] =	ssyncset.done $0x0  }
0x61: {  	s17 =	stileid.u32;
	s15 =	rddreg [dreg:$0x13];
	[sflag:s19] =	ssyncadd.s32 $0xFFFFF060  }
0x62: {  	[spmem:s15] =	stream.linear.scatter [tilespmem:s21], [sflag:$0x11], $0xFA0, $0x38;
	[tilespmem:$0x1CC60] =	vst v63  }
0x63: {  	s18 =	sshll.u32 s17, $0x6;
	_ =	swait.ge [sflag:s19], $0xFA0  }
0x64: {  	s17 =	sor.u32 $0x1C11, s18;
	[sflag:s19] =	ssyncset.done $0x0;
	s30 =	rddreg [dreg:$0x8]  }
0x65: {  	s6 =	rddreg [dreg:$0x9];
	[sflag:s19] =	ssyncadd.s32 $0xFFFFF060;
	s18 =	sshrl.u32 s30, $0x3  }
0x66: {  	[spmem:s18], [sflag:s17] =	dma.local [hbm:s6], $0x9C8  }
0x67: {  	_ =	swait.ge [sflag:s19], $0x9C8  }
0x68: {  	[sflag:s19] =	ssyncset.done $0x0  }
0x69: {  	[sflag:s19] =	ssyncadd.s32 $0xFFFFF638  }
0x6a: {  	[bflag:$0x0] =	sbarrier.arrive $0xFFFF  }
0x6b: {  	[tilespmem:s23], [sflag:$0x1] =	stream.indirect.gather [spmem:s3], $0x20, s13, s22, $0xb8;
	[tilespmem:$0x1CC60] =	vst v63  }
0x6c: {  	_ = 	snop  }
0x6d: {  	[tilespmem:s24], [sflag:$0x2] =	stream.indirect.gather [spmem:s3], $0x20, s22, s22, $0xb8;
	[tilespmem:$0x1CC60] =	vst v63  }
0x6e: {  	s9 =	simm.s32 $0x100  }
0x6f: {  	[tilespmem:s26], [sflag:$0x3] =	stream.indirect.gather [spmem:s3], $0x20, s9, s22, $0xb8;
	[tilespmem:$0x1CC60] =	vst v63  }
0x70: {  	s15 =	simm.s32 $0x180  }
0x71: {  	[tilespmem:s29], [sflag:$0x4] =	stream.indirect.gather [spmem:s3], $0x20, s15, s22, $0xb8;
	[tilespmem:$0x1CC60] =	vst v63  }
0x72: {  	s30 =	simm.s32 $0x200  }
0x73: {  	[tilespmem:s31], [sflag:$0x5] =	stream.indirect.gather [spmem:s3], $0x20, s30, s22, $0xb8;
	[tilespmem:$0x1CC60] =	vst v63  }
0x74: {  	s6 =	simm.s32 $0x280;
	s9 =	simm.s32 $0xF000  }
0x75: {  	[tilespmem:s9], [sflag:$0x6] =	stream.indirect.gather [spmem:s3], $0x20, s6, s22, $0xb8;
	[tilespmem:$0x1CC60] =	vst v63  }
0x76: {  	s15 =	simm.s32 $0x300  }
0x77: {  	[tilespmem:s5], [sflag:$0x7] =	stream.indirect.gather [spmem:s3], $0x20, s15, s22, $0xb8;
	[tilespmem:$0x1CC60] =	vst v63  }
0x78: {  	s30 =	simm.s32 $0x380  }
0x79: {  	[tilespmem:s7], [sflag:$0x8] =	stream.indirect.gather [spmem:s3], $0x20, s30, s22, $0xb8;
	[tilespmem:$0x1CC60] =	vst v63  }
.LBB2_4:
0x7a: {  	_ =	swait.ge [sflag:s8], $0x1000  }
0x7b: {  	s30 =	sshra.s32 s13, $0x2;
	[sflag:s8] =	ssyncset.done $0x0  }
0x7c: {  	p0 =	seq.s32 s13, $0x0;
	s1 =	sadd.s32 $0x5000, s30;
	[sflag:s8] =	ssyncadd.s32 $0xFFFFF000  }
0x7d: {  	[spmem:s2] =	stream.indirect.scatter.add.f32 [tilespmem:s23], [sflag:$0x9], $0x20, s1, s22, $0xb8;
	[tilespmem:$0x1CC60] =	vst v63  }
0x7e: {  	s1 =	simm.s32 @!p0 $0xD  }
0x7f: {  	_ =	swait.ge @!p0 [sflag:s1], $0x1000  }
0x80: {  	[sflag:s1] =	ssyncset.done @!p0 $0x0  }
0x81: {  	[sflag:s1] =	ssyncadd.s32 @!p0 $0xFFFFF000;
	s1 =	sshra.s32 @!p0 s13, $0x2  }
0x82: {  	s9 =	simm.s32 @!p0 $0x80;
	s15 =	simm.s32 @!p0 $0xE000;
	s6 =	sadd.s32 @!p0 $0x200, s1  }
0x83: {  	[tilespmem:s15], [sflag:$0x5] =	stream.indirect.gather @!p0 [spmem:s3], $0x20, s6, s9, $0xb8;
	[tilespmem:$0x1CC60] =	vst v63  }
0x84: {  	_ =	swait.ge [sflag:s10], $0x1000  }
0x85: {  	[sflag:s10] =	ssyncset.done $0x0  }
0x86: {  	s15 =	sadd.s32 $0x5080, s30;
	s6 =	simm.s32 @!p0 $0xE;
	[sflag:s10] =	ssyncadd.s32 $0xFFFFF000  }
0x87: {  	[spmem:s2] =	stream.indirect.scatter.add.f32 [tilespmem:s24], [sflag:$0xA], $0x20, s15, s22, $0xb8;
	[tilespmem:$0x1CC60] =	vst v63  }
0x88: {  	_ =	swait.ge @!p0 [sflag:s6], $0x1000  }
0x89: {  	[sflag:s6] =	ssyncset.done @!p0 $0x0  }
0x8a: {  	s15 =	simm.s32 @!p0 $0xF000;
	[sflag:s6] =	ssyncadd.s32 @!p0 $0xFFFFF000;
	s6 =	sadd.s32 @!p0 $0x280, s1  }
0x8b: {  	[tilespmem:s15], [sflag:$0x6] =	stream.indirect.gather @!p0 [spmem:s3], $0x20, s6, s9, $0xb8;
	[tilespmem:$0x1CC60] =	vst v63  }
0x8c: {  	_ =	swait.ge [sflag:s11], $0x1000  }
0x8d: {  	[sflag:s11] =	ssyncset.done $0x0  }
0x8e: {  	s15 =	sadd.s32 $0x5100, s30;
	s6 =	simm.s32 @!p0 $0xF;
	[sflag:s11] =	ssyncadd.s32 $0xFFFFF000  }
0x8f: {  	[spmem:s2] =	stream.indirect.scatter.add.f32 [tilespmem:s26], [sflag:$0xB], $0x20, s15, s22, $0xb8;
	[tilespmem:$0x1CC60] =	vst v63  }
0x90: {  	_ =	swait.ge @!p0 [sflag:s6], $0x1000  }
0x91: {  	[sflag:s6] =	ssyncset.done @!p0 $0x0  }
0x92: {  	s15 =	simm.s32 @!p0 $0x10000;
	[sflag:s6] =	ssyncadd.s32 @!p0 $0xFFFFF000;
	s6 =	sadd.s32 @!p0 $0x300, s1  }
0x93: {  	[tilespmem:s15], [sflag:$0x7] =	stream.indirect.gather @!p0 [spmem:s3], $0x20, s6, s9, $0xb8;
	[tilespmem:$0x1CC60] =	vst v63  }
0x94: {  	_ =	swait.ge [sflag:s12], $0x1000  }
0x95: {  	[sflag:s12] =	ssyncset.done $0x0  }
0x96: {  	s15 =	sadd.s32 $0x5180, s30;
	s6 =	simm.s32 @!p0 $0x10;
	[sflag:s12] =	ssyncadd.s32 $0xFFFFF000  }
0x97: {  	[spmem:s2] =	stream.indirect.scatter.add.f32 [tilespmem:s29], [sflag:$0xC], $0x20, s15, s22, $0xb8;
	[tilespmem:$0x1CC60] =	vst v63  }
0x98: {  	_ =	swait.ge @!p0 [sflag:s6], $0x1000  }
0x99: {  	[sflag:s6] =	ssyncset.done @!p0 $0x0  }
0x9a: {  	s1 =	sadd.s32 @!p0 $0x380, s1;
	[sflag:s6] =	ssyncadd.s32 @!p0 $0xFFFFF000;
	s6 =	simm.s32 @!p0 $0x11000  }
0x9b: {  	[tilespmem:s6], [sflag:$0x8] =	stream.indirect.gather @!p0 [spmem:s3], $0x20, s1, s9, $0xb8;
	[tilespmem:$0x1CC60] =	vst v63  }
0x9c: {  	_ =	swait.ge [sflag:s14], $0x1000  }
0x9d: {  	p0 =	seq.s32 s13, $0x13000;
	[sflag:s14] =	ssyncset.done $0x0  }
0x9e: {  	s9 =	sadd.s32 $0x5200, s30;
	s1 =	simm.s32 @p0 $0x6;
	[sflag:s14] =	ssyncadd.s32 $0xFFFFF000  }
0x9f: {  	[spmem:s2] =	stream.indirect.scatter.add.f32 [tilespmem:s31], [sflag:$0xD], $0x20, s9, s22, $0xb8;
	[tilespmem:$0x1CC60] =	vst v63  }
0xa0: {  	_ =	swait.ge @p0 [sflag:s1], $0x1000  }
0xa1: {  	s6 =	simm.s32 @p0 $0x9E80;
	[sflag:s1] =	ssyncset.done @p0 $0x0  }
0xa2: {  	s9 =	simm.s32 @p0 $0xF000;
	[sflag:s1] =	ssyncadd.s32 @p0 $0xFFFFF000;
	s1 =	simm.s32 @p0 $0x80  }
0xa3: {  	[spmem:s2] =	stream.indirect.scatter.add.f32 @p0 [tilespmem:s9], [sflag:$0xE], $0x20, s6, s1, $0xb8;
	[tilespmem:$0x1CC60] =	vst v63  }
0xa4: {  	s1 =	simm.s32 @!p0 $0x9  }
0xa5: {  	_ =	swait.ge @!p0 [sflag:s1], $0x1000  }
0xa6: {  	[sflag:s1] =	ssyncset.done @!p0 $0x0  }
0xa7: {  	[sflag:s1] =	ssyncadd.s32 @!p0 $0xFFFFF000;
	s1 =	sshra.s32 @!p0 s13, $0x2  }
0xa8: {  	s15 =	simm.s32 @!p0 $0xA000;
	s9 =	simm.s32 @!p0 $0x80;
	s6 =	sadd.s32 @!p0 $0x400, s1  }
0xa9: {  	[tilespmem:s15], [sflag:$0x1] =	stream.indirect.gather @!p0 [spmem:s3], $0x20, s6, s9, $0xb8;
	[tilespmem:$0x1CC60] =	vst v63  }
0xaa: {  	s6 =	simm.s32 @!p0 $0x6  }
0xab: {  	_ =	swait.ge @!p0 [sflag:s6], $0x1000  }
0xac: {  	[sflag:s6] =	ssyncset.done @!p0 $0x0  }
0xad: {  	s15 =	simm.s32 @!p0 $0xF000;
	[sflag:s6] =	ssyncadd.s32 @!p0 $0xFFFFF000;
	s6 =	sadd.s32 @!p0 $0x5280, s1  }
0xae: {  	[spmem:s2] =	stream.indirect.scatter.add.f32 @!p0 [tilespmem:s15], [sflag:$0xE], $0x20, s6, s9, $0xb8;
	[tilespmem:$0x1CC60] =	vst v63  }
0xaf: {  	s6 =	simm.s32 @!p0 $0xA  }
0xb0: {  	_ =	swait.ge @!p0 [sflag:s6], $0x1000  }
0xb1: {  	[sflag:s6] =	ssyncset.done @!p0 $0x0  }
0xb2: {  	s1 =	sadd.s32 @!p0 $0x480, s1;
	[sflag:s6] =	ssyncadd.s32 @!p0 $0xFFFFF000;
	s6 =	simm.s32 @!p0 $0xB000  }
0xb3: {  	[tilespmem:s6], [sflag:$0x2] =	stream.indirect.gather @!p0 [spmem:s3], $0x20, s1, s9, $0xb8;
	[tilespmem:$0x1CC60] =	vst v63  }
.Ltmp3:
0xb4: {  	_ = 	snop;
	(pc) =	sbr.rel @p0 .LBB2_6-.Ltmp3, $4  }
0xb5: {  	_ =	swait.ge [sflag:s25], $0x1000  }
0xb6: {  	[sflag:s25] =	ssyncset.done $0x0  }
0xb7: {  	s15 =	sadd.s32 $0x5300, s30;
	[sflag:s25] =	ssyncadd.s32 $0xFFFFF000  }
0xb8: {  	[spmem:s2] =	stream.indirect.scatter.add.f32 [tilespmem:s5], [sflag:$0xF], $0x20, s15, s22, $0xb8;
	[tilespmem:$0x1CC60] =	vst v63  }
0xb9: {  	_ =	swait.ge [sflag:s20], $0x1000  }
0xba: {  	[sflag:s20] =	ssyncset.done $0x0  }
0xbb: {  	s1 =	sadd.s32 $0x500, s30;
	[sflag:s20] =	ssyncadd.s32 $0xFFFFF000  }
0xbc: {  	[tilespmem:s26], [sflag:$0x3] =	stream.indirect.gather [spmem:s3], $0x20, s1, s22, $0xb8;
	[tilespmem:$0x1CC60] =	vst v63  }
0xbd: {  	_ =	swait.ge [sflag:s28], $0x1000  }
0xbe: {  	[sflag:s28] =	ssyncset.done $0x0  }
0xbf: {  	s15 =	sadd.s32 $0x5380, s30;
	[sflag:s28] =	ssyncadd.s32 $0xFFFFF000  }
0xc0: {  	[spmem:s2] =	stream.indirect.scatter.add.f32 [tilespmem:s7], [sflag:$0x10], $0x20, s15, s22, $0xb8;
	[tilespmem:$0x1CC60] =	vst v63  }
.Ltmp4:
0xc1: {  	_ = 	snop;
	(pc) =	sbr.rel .LBB2_4-.Ltmp4, $4  }
0xc2: {  	_ =	swait.ge [sflag:s0], $0x1000  }
0xc3: {  	[sflag:s0] =	ssyncset.done $0x0  }
0xc4: {  	s30 =	sadd.s32 $0x580, s30;
	s13 =	sadd.s32 $0x1000, s13;
	[sflag:s0] =	ssyncadd.s32 $0xFFFFF000  }
0xc5: {  	[tilespmem:s29], [sflag:$0x4] =	stream.indirect.gather [spmem:s3], $0x20, s30, s22, $0xb8;
	[tilespmem:$0x1CC60] =	vst v63  }
.LBB2_6:
0xc6: {  	_ =	swait.ge [sflag:s28], $0x1000  }
0xc7: {  	[sflag:s28] =	ssyncset.done $0x0  }
0xc8: {  	s1 =	simm.s32 $0x9F80;
	s15 =	simm.s32 $0x9;
	[sflag:s28] =	ssyncadd.s32 $0xFFFFF000  }
0xc9: {  	[spmem:s2] =	stream.indirect.scatter.add.f32 [tilespmem:s7], [sflag:$0x10], $0x20, s1, s22, $0xb8;
	[tilespmem:$0x1CC60] =	vst v63  }
0xca: {  	_ =	swait.ge [sflag:s15], $0x1000  }
0xcb: {  	[sflag:s15] =	ssyncset.done $0x0  }
0xcc: {  	s30 =	simm.s32 $0xA;
	[sflag:s15] =	ssyncadd.s32 $0xFFFFF000  }
0xcd: {  	_ =	swait.ge [sflag:s30], $0x1000  }
0xce: {  	[sflag:s30] =	ssyncset.done $0x0  }
0xcf: {  	[sflag:s30] =	ssyncadd.s32 $0xFFFFF000  }
0xd0: {  	_ =	swait.ge [sflag:s20], $0x1000  }
0xd1: {  	[sflag:s20] =	ssyncset.done $0x0  }
0xd2: {  	[sflag:s20] =	ssyncadd.s32 $0xFFFFF000  }
0xd3: {  	_ =	swait.ge [sflag:s0], $0x1000  }
0xd4: {  	[sflag:s0] =	ssyncset.done $0x0  }
0xd5: {  	s6 =	simm.s32 $0xD;
	[sflag:s0] =	ssyncadd.s32 $0xFFFFF000  }
0xd6: {  	_ =	swait.ge [sflag:s6], $0x1000  }
0xd7: {  	[sflag:s6] =	ssyncset.done $0x0  }
0xd8: {  	s9 =	simm.s32 $0xE;
	[sflag:s6] =	ssyncadd.s32 $0xFFFFF000  }
0xd9: {  	_ =	swait.ge [sflag:s9], $0x1000  }
0xda: {  	[sflag:s9] =	ssyncset.done $0x0  }
0xdb: {  	s13 =	simm.s32 $0xF;
	[sflag:s9] =	ssyncadd.s32 $0xFFFFF000  }
0xdc: {  	_ =	swait.ge [sflag:s13], $0x1000  }
0xdd: {  	[sflag:s13] =	ssyncset.done $0x0  }
0xde: {  	[sflag:s13] =	ssyncadd.s32 $0xFFFFF000  }
0xdf: {  	_ =	swait.ge [sflag:s16], $0x1000  }
0xe0: {  	[sflag:s16] =	ssyncset.done $0x0  }
0xe1: {  	[sflag:s16] =	ssyncadd.s32 $0xFFFFF000  }
0xe2: {  	[bflag:$0x0] =	sbarrier.arrive $0xFFFF  }
0xe3: {  	s15 =	rddreg [dreg:$0xb]  }
0xe4: {  	s30 =	rddreg [dreg:$0xa];
	s13 =	sshrl.u32 s15, $0x3  }
0xe5: {  	[hbm:s30], [sflag:s17] =	dma.local [spmem:s13], $0x9C4  }
0xe6: {  	_ =	swait.ge [sflag:s19], $0x9C4  }
0xe7: {  	[sflag:s19] =	ssyncset.done $0x0  }
0xe8: {  	s6 =	rddreg [dreg:$0xe];
	[sflag:s19] =	ssyncadd.s32 $0xFFFFF63C  }
0xe9: {  	[spmem:s6] =	stream.linear.scatter [tilespmem:s21], [sflag:$0x11], $0xFA0, $0x38;
	[tilespmem:$0x1CC60] =	vst v63  }
0xea: {  	_ =	swait.ge [sflag:s19], $0xFA0  }
0xeb: {  	[sflag:s19] =	ssyncset.done $0x0  }
0xec: {  	s9 =	rddreg [dreg:$0x10];
	[sflag:s19] =	ssyncadd.s32 $0xFFFFF060  }
0xed: {  	[spmem:s9] =	stream.linear.scatter [tilespmem:s21], [sflag:$0x11], $0xFA0, $0x38;
	[tilespmem:$0x1CC60] =	vst v63  }
0xee: {  	_ =	swait.ge [sflag:s19], $0xFA0  }
0xef: {  	[sflag:s19] =	ssyncset.done $0x0  }
0xf0: {  	s15 =	rddreg [dreg:$0x11];
	[sflag:s19] =	ssyncadd.s32 $0xFFFFF060  }
0xf1: {  	[spmem:s15] =	stream.linear.scatter [tilespmem:s21], [sflag:$0x11], $0xFA0, $0x38;
	[tilespmem:$0x1CC60] =	vst v63  }
0xf2: {  	_ =	swait.ge [sflag:s19], $0xFA0  }
0xf3: {  	[sflag:s19] =	ssyncset.done $0x0  }
0xf4: {  	s30 =	rddreg [dreg:$0x12];
	[sflag:s19] =	ssyncadd.s32 $0xFFFFF060  }
0xf5: {  	[spmem:s30] =	stream.linear.scatter [tilespmem:s21], [sflag:$0x11], $0xFA0, $0x38;
	[tilespmem:$0x1CC60] =	vst v63  }
0xf6: {  	_ =	swait.ge [sflag:s19], $0xFA0  }
0xf7: {  	[sflag:s19] =	ssyncset.done $0x0  }
0xf8: {  	s6 =	rddreg [dreg:$0x13];
	[sflag:s19] =	ssyncadd.s32 $0xFFFFF060  }
0xf9: {  	[spmem:s6] =	stream.linear.scatter [tilespmem:s21], [sflag:$0x11], $0xFA0, $0x38;
	[tilespmem:$0x1CC60] =	vst v63  }
0xfa: {  	_ =	swait.ge [sflag:s19], $0xFA0  }
0xfb: {  	[sflag:s19] =	ssyncset.done $0x0  }
0xfc: {  	s9 =	rddreg [dreg:$0xc];
	[sflag:s19] =	ssyncadd.s32 $0xFFFFF060  }
0xfd: {  	[spmem:s18], [sflag:s17] =	dma.local [hbm:s9], $0x9C8  }
0xfe: {  	_ =	swait.ge [sflag:s19], $0x9C8  }
0xff: {  	[sflag:s19] =	ssyncset.done $0x0  }
0x100: {  	[sflag:s19] =	ssyncadd.s32 $0xFFFFF638  }
0x101: {  	s18 =	simm.s32 $0x0;
	[bflag:$0x0] =	sbarrier.arrive $0xFFFF  }
0x102: {  	[tilespmem:s23], [sflag:$0x1] =	stream.indirect.gather [spmem:s3], $0x20, s18, s22, $0xb8;
	[tilespmem:$0x1CC60] =	vst v63  }
0x103: {  	_ = 	snop  }
0x104: {  	[tilespmem:s24], [sflag:$0x2] =	stream.indirect.gather [spmem:s3], $0x20, s22, s22, $0xb8;
	[tilespmem:$0x1CC60] =	vst v63  }
0x105: {  	s15 =	simm.s32 $0x100  }
0x106: {  	[tilespmem:s26], [sflag:$0x3] =	stream.indirect.gather [spmem:s3], $0x20, s15, s22, $0xb8;
	[tilespmem:$0x1CC60] =	vst v63  }
0x107: {  	s30 =	simm.s32 $0x180  }
0x108: {  	[tilespmem:s29], [sflag:$0x4] =	stream.indirect.gather [spmem:s3], $0x20, s30, s22, $0xb8;
	[tilespmem:$0x1CC60] =	vst v63  }
0x109: {  	s6 =	simm.s32 $0x200  }
0x10a: {  	[tilespmem:s31], [sflag:$0x5] =	stream.indirect.gather [spmem:s3], $0x20, s6, s22, $0xb8;
	[tilespmem:$0x1CC60] =	vst v63  }
0x10b: {  	s9 =	simm.s32 $0x280;
	s6 =	simm.s32 $0xF000  }
0x10c: {  	[tilespmem:s6], [sflag:$0x6] =	stream.indirect.gather [spmem:s3], $0x20, s9, s22, $0xb8;
	[tilespmem:$0x1CC60] =	vst v63  }
0x10d: {  	s15 =	simm.s32 $0x300  }
0x10e: {  	[tilespmem:s5], [sflag:$0x7] =	stream.indirect.gather [spmem:s3], $0x20, s15, s22, $0xb8;
	[tilespmem:$0x1CC60] =	vst v63  }
0x10f: {  	s30 =	simm.s32 $0x380  }
0x110: {  	[tilespmem:s7], [sflag:$0x8] =	stream.indirect.gather [spmem:s3], $0x20, s30, s22, $0xb8;
	[tilespmem:$0x1CC60] =	vst v63  }
.LBB2_7:
0x111: {  	_ =	swait.ge [sflag:s8], $0x1000  }
0x112: {  	s30 =	sshra.s32 s18, $0x2;
	[sflag:s8] =	ssyncset.done $0x0  }
0x113: {  	p0 =	seq.s32 s18, $0x0;
	s1 =	sadd.s32 $0x5000, s30;
	[sflag:s8] =	ssyncadd.s32 $0xFFFFF000  }
0x114: {  	[spmem:s2] =	stream.indirect.scatter.add.f32 [tilespmem:s23], [sflag:$0x9], $0x20, s1, s22, $0xb8;
	[tilespmem:$0x1CC60] =	vst v63  }
0x115: {  	s1 =	simm.s32 @!p0 $0xD  }
0x116: {  	_ =	swait.ge @!p0 [sflag:s1], $0x1000  }
0x117: {  	[sflag:s1] =	ssyncset.done @!p0 $0x0  }
0x118: {  	[sflag:s1] =	ssyncadd.s32 @!p0 $0xFFFFF000;
	s1 =	sshra.s32 @!p0 s18, $0x2  }
0x119: {  	s9 =	simm.s32 @!p0 $0x80;
	s15 =	simm.s32 @!p0 $0xE000;
	s6 =	sadd.s32 @!p0 $0x200, s1  }
0x11a: {  	[tilespmem:s15], [sflag:$0x5] =	stream.indirect.gather @!p0 [spmem:s3], $0x20, s6, s9, $0xb8;
	[tilespmem:$0x1CC60] =	vst v63  }
0x11b: {  	_ =	swait.ge [sflag:s10], $0x1000  }
0x11c: {  	[sflag:s10] =	ssyncset.done $0x0  }
0x11d: {  	s15 =	sadd.s32 $0x5080, s30;
	s6 =	simm.s32 @!p0 $0xE;
	[sflag:s10] =	ssyncadd.s32 $0xFFFFF000  }
0x11e: {  	[spmem:s2] =	stream.indirect.scatter.add.f32 [tilespmem:s24], [sflag:$0xA], $0x20, s15, s22, $0xb8;
	[tilespmem:$0x1CC60] =	vst v63  }
0x11f: {  	_ =	swait.ge @!p0 [sflag:s6], $0x1000  }
0x120: {  	[sflag:s6] =	ssyncset.done @!p0 $0x0  }
0x121: {  	s15 =	simm.s32 @!p0 $0xF000;
	[sflag:s6] =	ssyncadd.s32 @!p0 $0xFFFFF000;
	s6 =	sadd.s32 @!p0 $0x280, s1  }
0x122: {  	[tilespmem:s15], [sflag:$0x6] =	stream.indirect.gather @!p0 [spmem:s3], $0x20, s6, s9, $0xb8;
	[tilespmem:$0x1CC60] =	vst v63  }
0x123: {  	_ =	swait.ge [sflag:s11], $0x1000  }
0x124: {  	[sflag:s11] =	ssyncset.done $0x0  }
0x125: {  	s15 =	sadd.s32 $0x5100, s30;
	s6 =	simm.s32 @!p0 $0xF;
	[sflag:s11] =	ssyncadd.s32 $0xFFFFF000  }
0x126: {  	[spmem:s2] =	stream.indirect.scatter.add.f32 [tilespmem:s26], [sflag:$0xB], $0x20, s15, s22, $0xb8;
	[tilespmem:$0x1CC60] =	vst v63  }
0x127: {  	_ =	swait.ge @!p0 [sflag:s6], $0x1000  }
0x128: {  	[sflag:s6] =	ssyncset.done @!p0 $0x0  }
0x129: {  	s15 =	simm.s32 @!p0 $0x10000;
	[sflag:s6] =	ssyncadd.s32 @!p0 $0xFFFFF000;
	s6 =	sadd.s32 @!p0 $0x300, s1  }
0x12a: {  	[tilespmem:s15], [sflag:$0x7] =	stream.indirect.gather @!p0 [spmem:s3], $0x20, s6, s9, $0xb8;
	[tilespmem:$0x1CC60] =	vst v63  }
0x12b: {  	_ =	swait.ge [sflag:s12], $0x1000  }
0x12c: {  	[sflag:s12] =	ssyncset.done $0x0  }
0x12d: {  	s15 =	sadd.s32 $0x5180, s30;
	s6 =	simm.s32 @!p0 $0x10;
	[sflag:s12] =	ssyncadd.s32 $0xFFFFF000  }
0x12e: {  	[spmem:s2] =	stream.indirect.scatter.add.f32 [tilespmem:s29], [sflag:$0xC], $0x20, s15, s22, $0xb8;
	[tilespmem:$0x1CC60] =	vst v63  }
0x12f: {  	_ =	swait.ge @!p0 [sflag:s6], $0x1000  }
0x130: {  	[sflag:s6] =	ssyncset.done @!p0 $0x0  }
0x131: {  	s1 =	sadd.s32 @!p0 $0x380, s1;
	[sflag:s6] =	ssyncadd.s32 @!p0 $0xFFFFF000;
	s6 =	simm.s32 @!p0 $0x11000  }
0x132: {  	[tilespmem:s6], [sflag:$0x8] =	stream.indirect.gather @!p0 [spmem:s3], $0x20, s1, s9, $0xb8;
	[tilespmem:$0x1CC60] =	vst v63  }
0x133: {  	_ =	swait.ge [sflag:s14], $0x1000  }
0x134: {  	p0 =	seq.s32 s18, $0x13000;
	[sflag:s14] =	ssyncset.done $0x0  }
0x135: {  	s9 =	sadd.s32 $0x5200, s30;
	s1 =	simm.s32 @p0 $0x6;
	[sflag:s14] =	ssyncadd.s32 $0xFFFFF000  }
0x136: {  	[spmem:s2] =	stream.indirect.scatter.add.f32 [tilespmem:s31], [sflag:$0xD], $0x20, s9, s22, $0xb8;
	[tilespmem:$0x1CC60] =	vst v63  }
0x137: {  	_ =	swait.ge @p0 [sflag:s1], $0x1000  }
0x138: {  	s6 =	simm.s32 @p0 $0x9E80;
	[sflag:s1] =	ssyncset.done @p0 $0x0  }
0x139: {  	s9 =	simm.s32 @p0 $0xF000;
	[sflag:s1] =	ssyncadd.s32 @p0 $0xFFFFF000;
	s1 =	simm.s32 @p0 $0x80  }
0x13a: {  	[spmem:s2] =	stream.indirect.scatter.add.f32 @p0 [tilespmem:s9], [sflag:$0xE], $0x20, s6, s1, $0xb8;
	[tilespmem:$0x1CC60] =	vst v63  }
0x13b: {  	s1 =	simm.s32 @!p0 $0x9  }
0x13c: {  	_ =	swait.ge @!p0 [sflag:s1], $0x1000  }
0x13d: {  	[sflag:s1] =	ssyncset.done @!p0 $0x0  }
0x13e: {  	[sflag:s1] =	ssyncadd.s32 @!p0 $0xFFFFF000;
	s1 =	sshra.s32 @!p0 s18, $0x2  }
0x13f: {  	s15 =	simm.s32 @!p0 $0xA000;
	s9 =	simm.s32 @!p0 $0x80;
	s6 =	sadd.s32 @!p0 $0x400, s1  }
0x140: {  	[tilespmem:s15], [sflag:$0x1] =	stream.indirect.gather @!p0 [spmem:s3], $0x20, s6, s9, $0xb8;
	[tilespmem:$0x1CC60] =	vst v63  }
0x141: {  	s6 =	simm.s32 @!p0 $0x6  }
0x142: {  	_ =	swait.ge @!p0 [sflag:s6], $0x1000  }
0x143: {  	[sflag:s6] =	ssyncset.done @!p0 $0x0  }
0x144: {  	s15 =	simm.s32 @!p0 $0xF000;
	[sflag:s6] =	ssyncadd.s32 @!p0 $0xFFFFF000;
	s6 =	sadd.s32 @!p0 $0x5280, s1  }
0x145: {  	[spmem:s2] =	stream.indirect.scatter.add.f32 @!p0 [tilespmem:s15], [sflag:$0xE], $0x20, s6, s9, $0xb8;
	[tilespmem:$0x1CC60] =	vst v63  }
0x146: {  	s6 =	simm.s32 @!p0 $0xA  }
0x147: {  	_ =	swait.ge @!p0 [sflag:s6], $0x1000  }
0x148: {  	[sflag:s6] =	ssyncset.done @!p0 $0x0  }
0x149: {  	s1 =	sadd.s32 @!p0 $0x480, s1;
	[sflag:s6] =	ssyncadd.s32 @!p0 $0xFFFFF000;
	s6 =	simm.s32 @!p0 $0xB000  }
0x14a: {  	[tilespmem:s6], [sflag:$0x2] =	stream.indirect.gather @!p0 [spmem:s3], $0x20, s1, s9, $0xb8;
	[tilespmem:$0x1CC60] =	vst v63  }
.Ltmp5:
0x14b: {  	_ = 	snop;
	(pc) =	sbr.rel @p0 .LBB2_9-.Ltmp5, $4  }
0x14c: {  	_ =	swait.ge [sflag:s25], $0x1000  }
0x14d: {  	[sflag:s25] =	ssyncset.done $0x0  }
0x14e: {  	s15 =	sadd.s32 $0x5300, s30;
	[sflag:s25] =	ssyncadd.s32 $0xFFFFF000  }
0x14f: {  	[spmem:s2] =	stream.indirect.scatter.add.f32 [tilespmem:s5], [sflag:$0xF], $0x20, s15, s22, $0xb8;
	[tilespmem:$0x1CC60] =	vst v63  }
0x150: {  	_ =	swait.ge [sflag:s20], $0x1000  }
0x151: {  	[sflag:s20] =	ssyncset.done $0x0  }
0x152: {  	s1 =	sadd.s32 $0x500, s30;
	[sflag:s20] =	ssyncadd.s32 $0xFFFFF000  }
0x153: {  	[tilespmem:s26], [sflag:$0x3] =	stream.indirect.gather [spmem:s3], $0x20, s1, s22, $0xb8;
	[tilespmem:$0x1CC60] =	vst v63  }
0x154: {  	_ =	swait.ge [sflag:s28], $0x1000  }
0x155: {  	[sflag:s28] =	ssyncset.done $0x0  }
0x156: {  	s15 =	sadd.s32 $0x5380, s30;
	[sflag:s28] =	ssyncadd.s32 $0xFFFFF000  }
0x157: {  	[spmem:s2] =	stream.indirect.scatter.add.f32 [tilespmem:s7], [sflag:$0x10], $0x20, s15, s22, $0xb8;
	[tilespmem:$0x1CC60] =	vst v63  }
.Ltmp6:
0x158: {  	_ = 	snop;
	(pc) =	sbr.rel .LBB2_7-.Ltmp6, $4  }
0x159: {  	_ =	swait.ge [sflag:s0], $0x1000  }
0x15a: {  	[sflag:s0] =	ssyncset.done $0x0  }
0x15b: {  	s30 =	sadd.s32 $0x580, s30;
	s18 =	sadd.s32 $0x1000, s18;
	[sflag:s0] =	ssyncadd.s32 $0xFFFFF000  }
0x15c: {  	[tilespmem:s29], [sflag:$0x4] =	stream.indirect.gather [spmem:s3], $0x20, s30, s22, $0xb8;
	[tilespmem:$0x1CC60] =	vst v63  }
.LBB2_10:
0x15d: {  	_ =	sfence.sel $0x180000  }
0x15e: {  	[bflag:$0x0] =	sbarrier.arrive $0xFFFF  }
0x15f: {  	_ =	strace $0x9000004A  }
0x160: {  	s0 =	stileid.u32;
	[bflag:$0x2] =	sbarrier.arrive $0xFFFF  }
0x161: {  	p0 =	sne.s32 s0, $0x0;
	s0 =	rddreg [dreg:$0x5]  }
0x162: {  	s0 =	sadd.s32 @!p0 $0x100000, s0  }
0x163: {  	[sflag:s0] =	ssyncadd.tile.s32 @!p0 $0x1;
	_ =	shalt  }
.Lfunc_end2:
_tile_overlayer_lowered:
.L_overlay_start_2:
0x164: {  	(tag) =	ssettag $0x2  }
0x165: {  	s0 =	rddreg [dreg:$0x0];
	s2 =	stileid.u32  }
0x166: {  	s1 =	rddreg [dreg:$0x1];
	p0 =	sne.s32 s2, $0x0  }
0x167: {  	s3 =	rddreg [dreg:$0x2];
	[bflag:$0x3] =	sbarrier.arrive $0xFFFF;
	s2 =	simm.s32 @!p0 $0x1C11  }
0x168: {  	[timem:s3], [sflag:s2] =	dma.local @!p0 [hbm:s0], s1  }
0x169: {  	s0 =	simm.s32 @!p0 $0x11  }
0x16a: {  	_ =	swait.ge @!p0 [sflag:s0], s1  }
0x16b: {  	s1 =	ssub.s32 @!p0 $0x0, s1;
	[sflag:s0] =	ssyncset.done @!p0 $0x0  }
0x16c: {  	[sflag:s0] =	ssyncadd.s32 @!p0 s1  }
0x16d: {  	[bflag:$0x3] =	sbarrier.arrive $0xFFFF  }
0x16e: {  	_ =	shalt  }

</sc_bundles>
